<compile_context>
chip_gen: v7x
topology: tpu7x:2x2x1
jax: 0.10.2.dev20260603
libtpu: 0.0.44.dev20260713+nightly
codegen_flags: <defaults>
</compile_context>

<pallas_src>
import functools
import math

import jax
import jax.numpy as jnp
from jax import lax
from jax.experimental import pallas as pl
from jax.experimental.pallas import tpu as pltpu
from jax.experimental.pallas import tpu_sc as plsc

N = 10000
E = 160000
IN_DIM = 256
H = 8
D = 32

_NC = 2
_NS = 16
_NW = _NC * _NS
_CB = 200


def _gather_mul_body(k_hbm, q_hbm, src_hbm, dst_hbm, g_hbm,
                     sidx, didx, krows, qrows, sem0, sem1):
    wid = lax.axis_index("c") * _NS + lax.axis_index("s")
    per_w = E // _NW
    nchunks = per_w // _CB

    def chunk(j, carry):
        base = wid * per_w + j * _CB
        pltpu.sync_copy(src_hbm.at[pl.ds(base, _CB)], sidx)
        pltpu.sync_copy(dst_hbm.at[pl.ds(base, _CB)], didx)
        cp0 = pltpu.async_copy(k_hbm.at[sidx], krows, sem0)
        cp1 = pltpu.async_copy(q_hbm.at[didx], qrows, sem1)
        cp0.wait()
        cp1.wait()

        def row(i, c2):
            for cc in range(IN_DIM // 16):
                sl = pl.ds(cc * 16, 16)
                krows[i, sl] = krows[i, sl] * qrows[i, sl]
            return c2

        lax.fori_loop(0, _CB, row, 0)
        pltpu.sync_copy(krows, g_hbm.at[pl.ds(base, _CB)])
        return carry

    lax.fori_loop(0, nchunks, chunk, 0)


def _sc_gather_mul(k, q, src, dst):
    mesh = plsc.VectorSubcoreMesh(core_axis_name="c", subcore_axis_name="s")
    f = pl.kernel(
        _gather_mul_body,
        out_type=jax.ShapeDtypeStruct((E, IN_DIM), jnp.float32),
        mesh=mesh,
        scratch_types=[
            pltpu.VMEM((_CB,), jnp.int32),
            pltpu.VMEM((_CB,), jnp.int32),
            pltpu.VMEM((_CB, IN_DIM), jnp.float32),
            pltpu.VMEM((_CB, IN_DIM), jnp.float32),
            pltpu.SemaphoreType.DMA,
            pltpu.SemaphoreType.DMA,
        ],
    )
    return f(k, q, src, dst)


def _weight_v_body(v_hbm, satt_hbm, src_hbm, ws_hbm,
                   sidx, vrows, srows, sem):
    wid = lax.axis_index("c") * _NS + lax.axis_index("s")
    per_w = E // _NW
    nchunks = per_w // _CB

    def chunk(j, carry):
        base = wid * per_w + j * _CB
        pltpu.sync_copy(src_hbm.at[pl.ds(base, _CB)], sidx)
        cp = pltpu.async_copy(v_hbm.at[sidx], vrows, sem)
        pltpu.sync_copy(satt_hbm.at[pl.ds(base, _CB)], srows)
        cp.wait()

        def row(i, c2):
            srow = srows[i, pl.ds(0, 16)]
            for hh in range(H):
                sv = jnp.full((16,), srow[hh], jnp.float32)
                for j2 in (2 * hh, 2 * hh + 1):
                    sl = pl.ds(j2 * 16, 16)
                    vrows[i, sl] = vrows[i, sl] * sv
            return c2

        lax.fori_loop(0, _CB, row, 0)
        pltpu.sync_copy(vrows, ws_hbm.at[pl.ds(base, _CB)])
        return carry

    lax.fori_loop(0, nchunks, chunk, 0)


def _sc_weight_v(v, satt, srcv):
    mesh = plsc.VectorSubcoreMesh(core_axis_name="c", subcore_axis_name="s")
    f = pl.kernel(
        _weight_v_body,
        out_type=jax.ShapeDtypeStruct((E, IN_DIM), jnp.float32),
        mesh=mesh,
        scratch_types=[
            pltpu.VMEM((_CB,), jnp.int32),
            pltpu.VMEM((_CB, IN_DIM), jnp.float32),
            pltpu.VMEM((_CB, 16), jnp.float32),
            pltpu.SemaphoreType.DMA,
        ],
    )
    return f(v, satt, srcv)


def _matmul_bias_body(x_ref, w_ref, b_ref, o_ref):
    o_ref[...] = (
        jnp.dot(x_ref[...], w_ref[...], preferred_element_type=jnp.float32)
        + b_ref[...]
    )


def _matmul_bias(x, w, b, bm):
    m = x.shape[0]
    k = x.shape[1]
    p = w.shape[1]
    grid = (pl.cdiv(m, bm),)
    return pl.pallas_call(
        _matmul_bias_body,
        grid=grid,
        in_specs=[
            pl.BlockSpec((bm, k), lambda i: (i, 0)),
            pl.BlockSpec((k, p), lambda i: (0, 0)),
            pl.BlockSpec((1, p), lambda i: (0, 0)),
        ],
        out_specs=pl.BlockSpec((bm, p), lambda i: (i, 0)),
        out_shape=jax.ShapeDtypeStruct((m, p), jnp.float32),
    )(x, w, b.reshape(1, p))


def _score_body(e_ref, g_ref, we_ref, be_ref, hsel_ref, o_ref):
    pe = (
        jnp.dot(e_ref[...], we_ref[...], preferred_element_type=jnp.float32)
        + be_ref[...]
    )
    t = pe * g_ref[...]
    s = jnp.dot(t, hsel_ref[...], preferred_element_type=jnp.float32)
    o_ref[...] = jnp.exp(jnp.clip(s * (1.0 / math.sqrt(D)), -5.0, 5.0))


def _tc_score(e, g, we, be, hsel, be_rows):
    grid = (E // be_rows,)
    return pl.pallas_call(
        _score_body,
        grid=grid,
        in_specs=[
            pl.BlockSpec((be_rows, IN_DIM), lambda i: (i, 0)),
            pl.BlockSpec((be_rows, IN_DIM), lambda i: (i, 0)),
            pl.BlockSpec((IN_DIM, H * D), lambda i: (0, 0)),
            pl.BlockSpec((1, H * D), lambda i: (0, 0)),
            pl.BlockSpec((H * D, 16), lambda i: (0, 0)),
        ],
        out_specs=pl.BlockSpec((be_rows, 16), lambda i: (i, 0)),
        out_shape=jax.ShapeDtypeStruct((E, 16), jnp.float32),
    )(e, g, we, be.reshape(1, H * D), hsel)


def kernel(h, edge_index, e, Wq, bq, Wk, bk, Wv, bv, We, be):
    Q = _matmul_bias(h, Wq, bq, 512)
    K = _matmul_bias(h, Wk, bk, 512)
    V = _matmul_bias(h, Wv, bv, 512)

    src = edge_index[0]
    dst = edge_index[1]
    g = _sc_gather_mul(K, Q, src, dst)
    hsel = jnp.concatenate(
        [jnp.repeat(jnp.eye(H, dtype=jnp.float32), D, axis=0),
         jnp.zeros((H * D, 16 - H), jnp.float32)], axis=1)
    s_att = _tc_score(e, g, We, be, hsel, 640)

    ws = _sc_weight_v(V, s_att, src)
    sa = s_att[:, :H].reshape(E, H, 1)
    wV = jax.ops.segment_sum(ws.reshape(E, H, D), dst, num_segments=N)
    z = jax.ops.segment_sum(sa, dst, num_segments=N)
    return (wV / (z + 1e-6)).reshape(N, H * D)

# --- scband reference (transcript-rebuilt; emitter-appended) ---
"""Pipeline reference for scband-multi-head-attention-layer-65420941853357 (READ-ONLY COPY).

The authoritative reference and input builder live on the scoring server;
editing this copy changes nothing except your own understanding.
"""

import jax, jax.numpy as jnp
import numpy as np

N = 10000
E = 160000
IN_DIM = 256
H = 8
D = 32

def setup_inputs(seed: int = 0) -> dict:
    key = jax.random.key(seed)
    ks = jax.random.split(key, 12)
    h = jax.random.normal(ks[0], (N, IN_DIM), dtype=jnp.float32)
    edge_index = jax.random.randint(ks[1], (2, E), 0, N, dtype=jnp.int32)
    e = jax.random.normal(ks[2], (E, IN_DIM), dtype=jnp.float32)
    # Learned parameters: Q, K, V, proj_e linear layers (in_dim -> out_dim*num_heads), with bias
    s = 1.0 / np.sqrt(IN_DIM)
    Wq = jax.random.normal(ks[3], (IN_DIM, H * D), dtype=jnp.float32) * s
    bq = jnp.zeros((H * D,), dtype=jnp.float32)
    Wk = jax.random.normal(ks[4], (IN_DIM, H * D), dtype=jnp.float32) * s
    bk = jnp.zeros((H * D,), dtype=jnp.float32)
    Wv = jax.random.normal(ks[5], (IN_DIM, H * D), dtype=jnp.float32) * s
    bv = jnp.zeros((H * D,), dtype=jnp.float32)
    We = jax.random.normal(ks[6], (IN_DIM, H * D), dtype=jnp.float32) * s
    be = jnp.zeros((H * D,), dtype=jnp.float32)
    return {"h": h, "edge_index": edge_index, "e": e,
            "Wq": Wq, "bq": bq, "Wk": Wk, "bk": bk,
            "Wv": Wv, "bv": bv, "We": We, "be": be}

def reference(h, edge_index, e, Wq, bq, Wk, bk, Wv, bv, We, be):
    # Node projections
    Q_h = (h @ Wq + bq).reshape(-1, H, D)
    K_h = (h @ Wk + bk).reshape(-1, H, D)
    V_h = (h @ Wv + bv).reshape(-1, H, D)
    # Edge feature projection
    proj_e = (e @ We + be).reshape(-1, H, D)
    src = edge_index[0]
    dst = edge_index[1]
    # apply_edges(src_dot_dst('K_h', 'Q_h', 'score')): elementwise product K_src * Q_dst
    score = K_h[src] * Q_h[dst]
    # scaling by sqrt(out_dim)
    score = score / np.sqrt(D)
    # imp_exp_attn: multiply by explicit edge features
    score = score * proj_e
    # out_edge_features: e_out = score (pre-exp)  [computed, part of full-attention path]
    e_out = score
    # exp(clamp(sum(-1), -5, 5))
    s_att = jnp.exp(jnp.clip(jnp.sum(score, axis=-1, keepdims=True), -5.0, 5.0))  # [E, H, 1]
    # message passing: wV = sum_dst(V_src * score), z = sum_dst(score)
    wV = jax.ops.segment_sum(V_h[src] * s_att, dst, num_segments=N)  # [N, H, D]
    z = jax.ops.segment_sum(s_att, dst, num_segments=N)              # [N, H, 1]
    h_out = (wV / (z + 1e-6)).reshape(N, H * D)
    return h_out

if __name__ == "__main__":
    import jax
    _d = setup_inputs()
    print(jax.jit(kernel)(*tuple(_d.values())))

</pallas_src>

<mosaic_0001>
#map = affine_map<(d0, d1) -> (0, 0)>
#map1 = affine_map<(d0, d1) -> (0)>
module attributes {stable_mosaic.version = 14 : i64} {
  func.func @_gather_mul_body(%arg0: i32, %arg1: i32, %arg2: memref<10000x256xf32, #tpu.memory_space<hbm>>, %arg3: memref<10000x256xf32, #tpu.memory_space<hbm>>, %arg4: memref<160000xi32, #tpu.memory_space<hbm>>, %arg5: memref<160000xi32, #tpu.memory_space<hbm>>, %arg6: memref<160000x256xf32, #tpu.memory_space<hbm>>, %arg7: memref<200xi32, #tpu.memory_space<vmem>>, %arg8: memref<200xi32, #tpu.memory_space<vmem>>, %arg9: memref<200x256xf32, #tpu.memory_space<vmem>>, %arg10: memref<200x256xf32, #tpu.memory_space<vmem>>, %arg11: memref<!tpu.dma_semaphore, #tpu.memory_space<semaphore_mem>>, %arg12: memref<!tpu.dma_semaphore, #tpu.memory_space<semaphore_mem>>) attributes {dimension_semantics = [#tpu.dimension_semantics<core_parallel>, #tpu.dimension_semantics<subcore_parallel>], iteration_bounds = array<i64: 2, 16>, scalar_prefetch = 0 : i64, scratch_operands = 6 : i64, tpu.core_type = #tpu.core_type<sc_vector_subcore>, window_params = [{transform_indices = #map}, {transform_indices = #map}, {transform_indices = #map1}, {transform_indices = #map1}, {transform_indices = #map}]} {
    %mul3A = arith.constant 16 : i32
    %mul3A_0 = arith.muli %arg0, %mul3A : i32
    %add3A = arith.addi %mul3A_0, %arg1 : i32
    %scan3A = arith.constant 0 : i32
    %scan3A_1 = arith.constant 0 : i32
    %scan3A_2 = arith.constant 25 : i32
    %scan3A_3 = arith.addi %scan3A_1, %scan3A_2 : i32
    %scan3A_4 = arith.constant 1 : i32
    scf.for %scan3A_6 = %scan3A_1 to %scan3A_3 step %scan3A_4  : i32 {
      %mul3A_7 = arith.constant 5000 : i32
      %mul3A_8 = arith.muli %add3A, %mul3A_7 : i32
      %mul3A_9 = arith.constant 200 : i32
      %mul3A_10 = arith.muli %scan3A_6, %mul3A_9 : i32
      %add3A_11 = arith.addi %mul3A_8, %mul3A_10 : i32
      "tpu.region"() ({
        %run_scoped3A = tpu.sem_alloc : memref<!tpu.dma_semaphore, #tpu.memory_space<semaphore_mem>>
        %dma_start3A_28 = tpu.memref_slice %arg4[%add3A_11] : memref<160000xi32, #tpu.memory_space<hbm>> -> memref<200xi32, #tpu.memory_space<hbm>>
        %dma_start3A_29 = tpu.memref_slice %arg4[%add3A_11] : memref<160000xi32, #tpu.memory_space<hbm>> -> memref<200xi32, #tpu.memory_space<hbm>>
        tpu.enqueue_dma source(%dma_start3A_29 : memref<200xi32, #tpu.memory_space<hbm>>) target(%arg7 : memref<200xi32, #tpu.memory_space<vmem>>) target_semaphore(%run_scoped3A : memref<!tpu.dma_semaphore, #tpu.memory_space<semaphore_mem>>)
        %dma_wait3A_30 = tpu.memref_slice %arg4[%add3A_11] : memref<160000xi32, #tpu.memory_space<hbm>> -> memref<200xi32, #tpu.memory_space<hbm>>
        %dma_wait3A_31 = tpu.memref_slice %arg4[%add3A_11] : memref<160000xi32, #tpu.memory_space<hbm>> -> memref<200xi32, #tpu.memory_space<hbm>>
        tpu.wait_dma2 semaphore(%run_scoped3A : memref<!tpu.dma_semaphore, #tpu.memory_space<semaphore_mem>>) src(%dma_wait3A_31 : memref<200xi32, #tpu.memory_space<hbm>>) dst(%arg7 : memref<200xi32, #tpu.memory_space<vmem>>)
        tpu.yield
      }) : () -> ()
      "tpu.region"() ({
        %run_scoped3A = tpu.sem_alloc : memref<!tpu.dma_semaphore, #tpu.memory_space<semaphore_mem>>
        %dma_start3A_28 = tpu.memref_slice %arg5[%add3A_11] : memref<160000xi32, #tpu.memory_space<hbm>> -> memref<200xi32, #tpu.memory_space<hbm>>
        %dma_start3A_29 = tpu.memref_slice %arg5[%add3A_11] : memref<160000xi32, #tpu.memory_space<hbm>> -> memref<200xi32, #tpu.memory_space<hbm>>
        tpu.enqueue_dma source(%dma_start3A_29 : memref<200xi32, #tpu.memory_space<hbm>>) target(%arg8 : memref<200xi32, #tpu.memory_space<vmem>>) target_semaphore(%run_scoped3A : memref<!tpu.dma_semaphore, #tpu.memory_space<semaphore_mem>>)
        %dma_wait3A_30 = tpu.memref_slice %arg5[%add3A_11] : memref<160000xi32, #tpu.memory_space<hbm>> -> memref<200xi32, #tpu.memory_space<hbm>>
        %dma_wait3A_31 = tpu.memref_slice %arg5[%add3A_11] : memref<160000xi32, #tpu.memory_space<hbm>> -> memref<200xi32, #tpu.memory_space<hbm>>
        tpu.wait_dma2 semaphore(%run_scoped3A : memref<!tpu.dma_semaphore, #tpu.memory_space<semaphore_mem>>) src(%dma_wait3A_31 : memref<200xi32, #tpu.memory_space<hbm>>) dst(%arg8 : memref<200xi32, #tpu.memory_space<vmem>>)
        tpu.yield
      }) : () -> ()
      %dma_start3A = arith.constant 0 : i32
      %dma_start3A_12 = arith.constant 0 : i32
      %dma_start3A_13 = tpu.memref_slice %arg2[%dma_start3A, %dma_start3A_12] : memref<10000x256xf32, #tpu.memory_space<hbm>> -> memref<10000x256xf32, #tpu.memory_space<hbm>>
      tpu.enqueue_indirect_dma source(%dma_start3A_13 : memref<10000x256xf32, #tpu.memory_space<hbm>>) target(%arg9 : memref<200x256xf32, #tpu.memory_space<vmem>>) offsets(%arg7 : memref<200xi32, #tpu.memory_space<vmem>>) semaphore(%arg11 : memref<!tpu.dma_semaphore, #tpu.memory_space<semaphore_mem>>)
      %dma_start3A_14 = arith.constant 0 : i32
      %dma_start3A_15 = arith.constant 0 : i32
      %dma_start3A_16 = tpu.memref_slice %arg3[%dma_start3A_14, %dma_start3A_15] : memref<10000x256xf32, #tpu.memory_space<hbm>> -> memref<10000x256xf32, #tpu.memory_space<hbm>>
      tpu.enqueue_indirect_dma source(%dma_start3A_16 : memref<10000x256xf32, #tpu.memory_space<hbm>>) target(%arg10 : memref<200x256xf32, #tpu.memory_space<vmem>>) offsets(%arg8 : memref<200xi32, #tpu.memory_space<vmem>>) semaphore(%arg12 : memref<!tpu.dma_semaphore, #tpu.memory_space<semaphore_mem>>)
      %dma_wait3A = arith.constant 0 : i32
      %dma_wait3A_17 = arith.constant 0 : i32
      %dma_wait3A_18 = tpu.memref_slice %arg2[%dma_wait3A, %dma_wait3A_17] : memref<10000x256xf32, #tpu.memory_space<hbm>> -> memref<10000x256xf32, #tpu.memory_space<hbm>>
      tpu.wait_indirect_dma semaphore(%arg11 : memref<!tpu.dma_semaphore, #tpu.memory_space<semaphore_mem>>) src(%dma_wait3A_18 : memref<10000x256xf32, #tpu.memory_space<hbm>>) dst(%arg9 : memref<200x256xf32, #tpu.memory_space<vmem>>)
      %dma_wait3A_19 = arith.constant 0 : i32
      %dma_wait3A_20 = arith.constant 0 : i32
      %dma_wait3A_21 = tpu.memref_slice %arg3[%dma_wait3A_19, %dma_wait3A_20] : memref<10000x256xf32, #tpu.memory_space<hbm>> -> memref<10000x256xf32, #tpu.memory_space<hbm>>
      tpu.wait_indirect_dma semaphore(%arg12 : memref<!tpu.dma_semaphore, #tpu.memory_space<semaphore_mem>>) src(%dma_wait3A_21 : memref<10000x256xf32, #tpu.memory_space<hbm>>) dst(%arg10 : memref<200x256xf32, #tpu.memory_space<vmem>>)
      %scan3A_22 = arith.constant 0 : i32
      %scan3A_23 = arith.constant 0 : i32
      %scan3A_24 = arith.constant 200 : i32
      %scan3A_25 = arith.addi %scan3A_23, %scan3A_24 : i32
      %scan3A_26 = arith.constant 1 : i32
      scf.for %scan3A_28 = %scan3A_23 to %scan3A_25 step %scan3A_26  : i32 {
        %get3A = arith.index_cast %scan3A_28 : i32 to index
        %get3A_29 = arith.constant 0 : index
        %get3A_30 = tpu.vector_load %arg9[%get3A, %get3A_29] {strides = array<i32>} : memref<200x256xf32, #tpu.memory_space<vmem>>, vector<1x16xf32>,
        %get3A_31 = vector.shape_cast %get3A_30 : vector<1x16xf32> to vector<16xf32>
        %get3A_32 = arith.index_cast %scan3A_28 : i32 to index
        %get3A_33 = arith.constant 0 : index
        %get3A_34 = tpu.vector_load %arg10[%get3A_32, %get3A_33] {strides = array<i32>} : memref<200x256xf32, #tpu.memory_space<vmem>>, vector<1x16xf32>,
        %get3A_35 = vector.shape_cast %get3A_34 : vector<1x16xf32> to vector<16xf32>
        %mul3A_36 = arith.mulf %get3A_31, %get3A_35 : vector<16xf32>
        %swap3A = arith.index_cast %scan3A_28 : i32 to index
        %swap3A_37 = arith.constant 0 : index
        %swap3A_38 = tpu.vector_load %arg9[%swap3A, %swap3A_37] {strides = array<i32>} : memref<200x256xf32, #tpu.memory_space<vmem>>, vector<1x16xf32>,
        %swap3A_39 = vector.shape_cast %swap3A_38 : vector<1x16xf32> to vector<16xf32>
        %swap3A_40 = vector.shape_cast %mul3A_36 : vector<16xf32> to vector<1x16xf32>
        tpu.vector_store %arg9[%swap3A, %swap3A_37], %swap3A_40 {strides = array<i32>} : memref<200x256xf32, #tpu.memory_space<vmem>>, vector<1x16xf32>,
        %get3A_41 = arith.index_cast %scan3A_28 : i32 to index
        %get3A_42 = arith.constant 16 : index
        %get3A_43 = tpu.vector_load %arg9[%get3A_41, %get3A_42] {strides = array<i32>} : memref<200x256xf32, #tpu.memory_space<vmem>>, vector<1x16xf32>,
        %get3A_44 = vector.shape_cast %get3A_43 : vector<1x16xf32> to vector<16xf32>
        %get3A_45 = arith.index_cast %scan3A_28 : i32 to index
        %get3A_46 = arith.constant 16 : index
        %get3A_47 = tpu.vector_load %arg10[%get3A_45, %get3A_46] {strides = array<i32>} : memref<200x256xf32, #tpu.memory_space<vmem>>, vector<1x16xf32>,
        %get3A_48 = vector.shape_cast %get3A_47 : vector<1x16xf32> to vector<16xf32>
        %mul3A_49 = arith.mulf %get3A_44, %get3A_48 : vector<16xf32>
        %swap3A_50 = arith.index_cast %scan3A_28 : i32 to index
        %swap3A_51 = arith.constant 16 : index
        %swap3A_52 = tpu.vector_load %arg9[%swap3A_50, %swap3A_51] {strides = array<i32>} : memref<200x256xf32, #tpu.memory_space<vmem>>, vector<1x16xf32>,
        %swap3A_53 = vector.shape_cast %swap3A_52 : vector<1x16xf32> to vector<16xf32>
        %swap3A_54 = vector.shape_cast %mul3A_49 : vector<16xf32> to vector<1x16xf32>
        tpu.vector_store %arg9[%swap3A_50, %swap3A_51], %swap3A_54 {strides = array<i32>} : memref<200x256xf32, #tpu.memory_space<vmem>>, vector<1x16xf32>,
        %get3A_55 = arith.index_cast %scan3A_28 : i32 to index
        %get3A_56 = arith.constant 32 : index
        %get3A_57 = tpu.vector_load %arg9[%get3A_55, %get3A_56] {strides = array<i32>} : memref<200x256xf32, #tpu.memory_space<vmem>>, vector<1x16xf32>,
        %get3A_58 = vector.shape_cast %get3A_57 : vector<1x16xf32> to vector<16xf32>
        %get3A_59 = arith.index_cast %scan3A_28 : i32 to index
        %get3A_60 = arith.constant 32 : index
        %get3A_61 = tpu.vector_load %arg10[%get3A_59, %get3A_60] {strides = array<i32>} : memref<200x256xf32, #tpu.memory_space<vmem>>, vector<1x16xf32>,
        %get3A_62 = vector.shape_cast %get3A_61 : vector<1x16xf32> to vector<16xf32>
        %mul3A_63 = arith.mulf %get3A_58, %get3A_62 : vector<16xf32>
        %swap3A_64 = arith.index_cast %scan3A_28 : i32 to index
        %swap3A_65 = arith.constant 32 : index
        %swap3A_66 = tpu.vector_load %arg9[%swap3A_64, %swap3A_65] {strides = array<i32>} : memref<200x256xf32, #tpu.memory_space<vmem>>, vector<1x16xf32>,
        %swap3A_67 = vector.shape_cast %swap3A_66 : vector<1x16xf32> to vector<16xf32>
        %swap3A_68 = vector.shape_cast %mul3A_63 : vector<16xf32> to vector<1x16xf32>
        tpu.vector_store %arg9[%swap3A_64, %swap3A_65], %swap3A_68 {strides = array<i32>} : memref<200x256xf32, #tpu.memory_space<vmem>>, vector<1x16xf32>,
        %get3A_69 = arith.index_cast %scan3A_28 : i32 to index
        %get3A_70 = arith.constant 48 : index
        %get3A_71 = tpu.vector_load %arg9[%get3A_69, %get3A_70] {strides = array<i32>} : memref<200x256xf32, #tpu.memory_space<vmem>>, vector<1x16xf32>,
        %get3A_72 = vector.shape_cast %get3A_71 : vector<1x16xf32> to vector<16xf32>
        %get3A_73 = arith.index_cast %scan3A_28 : i32 to index
        %get3A_74 = arith.constant 48 : index
        %get3A_75 = tpu.vector_load %arg10[%get3A_73, %get3A_74] {strides = array<i32>} : memref<200x256xf32, #tpu.memory_space<vmem>>, vector<1x16xf32>,
        %get3A_76 = vector.shape_cast %get3A_75 : vector<1x16xf32> to vector<16xf32>
        %mul3A_77 = arith.mulf %get3A_72, %get3A_76 : vector<16xf32>
        %swap3A_78 = arith.index_cast %scan3A_28 : i32 to index
        %swap3A_79 = arith.constant 48 : index
        %swap3A_80 = tpu.vector_load %arg9[%swap3A_78, %swap3A_79] {strides = array<i32>} : memref<200x256xf32, #tpu.memory_space<vmem>>, vector<1x16xf32>,
        %swap3A_81 = vector.shape_cast %swap3A_80 : vector<1x16xf32> to vector<16xf32>
        %swap3A_82 = vector.shape_cast %mul3A_77 : vector<16xf32> to vector<1x16xf32>
        tpu.vector_store %arg9[%swap3A_78, %swap3A_79], %swap3A_82 {strides = array<i32>} : memref<200x256xf32, #tpu.memory_space<vmem>>, vector<1x16xf32>,
        %get3A_83 = arith.index_cast %scan3A_28 : i32 to index
        %get3A_84 = arith.constant 64 : index
        %get3A_85 = tpu.vector_load %arg9[%get3A_83, %get3A_84] {strides = array<i32>} : memref<200x256xf32, #tpu.memory_space<vmem>>, vector<1x16xf32>,
        %get3A_86 = vector.shape_cast %get3A_85 : vector<1x16xf32> to vector<16xf32>
        %get3A_87 = arith.index_cast %scan3A_28 : i32 to index
        %get3A_88 = arith.constant 64 : index
        %get3A_89 = tpu.vector_load %arg10[%get3A_87, %get3A_88] {strides = array<i32>} : memref<200x256xf32, #tpu.memory_space<vmem>>, vector<1x16xf32>,
        %get3A_90 = vector.shape_cast %get3A_89 : vector<1x16xf32> to vector<16xf32>
        %mul3A_91 = arith.mulf %get3A_86, %get3A_90 : vector<16xf32>
        %swap3A_92 = arith.index_cast %scan3A_28 : i32 to index
        %swap3A_93 = arith.constant 64 : index
        %swap3A_94 = tpu.vector_load %arg9[%swap3A_92, %swap3A_93] {strides = array<i32>} : memref<200x256xf32, #tpu.memory_space<vmem>>, vector<1x16xf32>,
        %swap3A_95 = vector.shape_cast %swap3A_94 : vector<1x16xf32> to vector<16xf32>
        %swap3A_96 = vector.shape_cast %mul3A_91 : vector<16xf32> to vector<1x16xf32>
        tpu.vector_store %arg9[%swap3A_92, %swap3A_93], %swap3A_96 {strides = array<i32>} : memref<200x256xf32, #tpu.memory_space<vmem>>, vector<1x16xf32>,
        %get3A_97 = arith.index_cast %scan3A_28 : i32 to index
        %get3A_98 = arith.constant 80 : index
        %get3A_99 = tpu.vector_load %arg9[%get3A_97, %get3A_98] {strides = array<i32>} : memref<200x256xf32, #tpu.memory_space<vmem>>, vector<1x16xf32>,
        %get3A_100 = vector.shape_cast %get3A_99 : vector<1x16xf32> to vector<16xf32>
        %get3A_101 = arith.index_cast %scan3A_28 : i32 to index
        %get3A_102 = arith.constant 80 : index
        %get3A_103 = tpu.vector_load %arg10[%get3A_101, %get3A_102] {strides = array<i32>} : memref<200x256xf32, #tpu.memory_space<vmem>>, vector<1x16xf32>,
        %get3A_104 = vector.shape_cast %get3A_103 : vector<1x16xf32> to vector<16xf32>
        %mul3A_105 = arith.mulf %get3A_100, %get3A_104 : vector<16xf32>
        %swap3A_106 = arith.index_cast %scan3A_28 : i32 to index
        %swap3A_107 = arith.constant 80 : index
        %swap3A_108 = tpu.vector_load %arg9[%swap3A_106, %swap3A_107] {strides = array<i32>} : memref<200x256xf32, #tpu.memory_space<vmem>>, vector<1x16xf32>,
        %swap3A_109 = vector.shape_cast %swap3A_108 : vector<1x16xf32> to vector<16xf32>
        %swap3A_110 = vector.shape_cast %mul3A_105 : vector<16xf32> to vector<1x16xf32>
        tpu.vector_store %arg9[%swap3A_106, %swap3A_107], %swap3A_110 {strides = array<i32>} : memref<200x256xf32, #tpu.memory_space<vmem>>, vector<1x16xf32>,
        %get3A_111 = arith.index_cast %scan3A_28 : i32 to index
        %get3A_112 = arith.constant 96 : index
        %get3A_113 = tpu.vector_load %arg9[%get3A_111, %get3A_112] {strides = array<i32>} : memref<200x256xf32, #tpu.memory_space<vmem>>, vector<1x16xf32>,
        %get3A_114 = vector.shape_cast %get3A_113 : vector<1x16xf32> to vector<16xf32>
        %get3A_115 = arith.index_cast %scan3A_28 : i32 to index
        %get3A_116 = arith.constant 96 : index
        %get3A_117 = tpu.vector_load %arg10[%get3A_115, %get3A_116] {strides = array<i32>} : memref<200x256xf32, #tpu.memory_space<vmem>>, vector<1x16xf32>,
        %get3A_118 = vector.shape_cast %get3A_117 : vector<1x16xf32> to vector<16xf32>
        %mul3A_119 = arith.mulf %get3A_114, %get3A_118 : vector<16xf32>
        %swap3A_120 = arith.index_cast %scan3A_28 : i32 to index
        %swap3A_121 = arith.constant 96 : index
        %swap3A_122 = tpu.vector_load %arg9[%swap3A_120, %swap3A_121] {strides = array<i32>} : memref<200x256xf32, #tpu.memory_space<vmem>>, vector<1x16xf32>,
        %swap3A_123 = vector.shape_cast %swap3A_122 : vector<1x16xf32> to vector<16xf32>
        %swap3A_124 = vector.shape_cast %mul3A_119 : vector<16xf32> to vector<1x16xf32>
        tpu.vector_store %arg9[%swap3A_120, %swap3A_121], %swap3A_124 {strides = array<i32>} : memref<200x256xf32, #tpu.memory_space<vmem>>, vector<1x16xf32>,
        %get3A_125 = arith.index_cast %scan3A_28 : i32 to index
        %get3A_126 = arith.constant 112 : index
        %get3A_127 = tpu.vector_load %arg9[%get3A_125, %get3A_126] {strides = array<i32>} : memref<200x256xf32, #tpu.memory_space<vmem>>, vector<1x16xf32>,
        %get3A_128 = vector.shape_cast %get3A_127 : vector<1x16xf32> to vector<16xf32>
        %get3A_129 = arith.index_cast %scan3A_28 : i32 to index
        %get3A_130 = arith.constant 112 : index
        %get3A_131 = tpu.vector_load %arg10[%get3A_129, %get3A_130] {strides = array<i32>} : memref<200x256xf32, #tpu.memory_space<vmem>>, vector<1x16xf32>,
        %get3A_132 = vector.shape_cast %get3A_131 : vector<1x16xf32> to vector<16xf32>
        %mul3A_133 = arith.mulf %get3A_128, %get3A_132 : vector<16xf32>
        %swap3A_134 = arith.index_cast %scan3A_28 : i32 to index
        %swap3A_135 = arith.constant 112 : index
        %swap3A_136 = tpu.vector_load %arg9[%swap3A_134, %swap3A_135] {strides = array<i32>} : memref<200x256xf32, #tpu.memory_space<vmem>>, vector<1x16xf32>,
        %swap3A_137 = vector.shape_cast %swap3A_136 : vector<1x16xf32> to vector<16xf32>
        %swap3A_138 = vector.shape_cast %mul3A_133 : vector<16xf32> to vector<1x16xf32>
        tpu.vector_store %arg9[%swap3A_134, %swap3A_135], %swap3A_138 {strides = array<i32>} : memref<200x256xf32, #tpu.memory_space<vmem>>, vector<1x16xf32>,
        %get3A_139 = arith.index_cast %scan3A_28 : i32 to index
        %get3A_140 = arith.constant 128 : index
        %get3A_141 = tpu.vector_load %arg9[%get3A_139, %get3A_140] {strides = array<i32>} : memref<200x256xf32, #tpu.memory_space<vmem>>, vector<1x16xf32>,
        %get3A_142 = vector.shape_cast %get3A_141 : vector<1x16xf32> to vector<16xf32>
        %get3A_143 = arith.index_cast %scan3A_28 : i32 to index
        %get3A_144 = arith.constant 128 : index
        %get3A_145 = tpu.vector_load %arg10[%get3A_143, %get3A_144] {strides = array<i32>} : memref<200x256xf32, #tpu.memory_space<vmem>>, vector<1x16xf32>,
        %get3A_146 = vector.shape_cast %get3A_145 : vector<1x16xf32> to vector<16xf32>
        %mul3A_147 = arith.mulf %get3A_142, %get3A_146 : vector<16xf32>
        %swap3A_148 = arith.index_cast %scan3A_28 : i32 to index
        %swap3A_149 = arith.constant 128 : index
        %swap3A_150 = tpu.vector_load %arg9[%swap3A_148, %swap3A_149] {strides = array<i32>} : memref<200x256xf32, #tpu.memory_space<vmem>>, vector<1x16xf32>,
        %swap3A_151 = vector.shape_cast %swap3A_150 : vector<1x16xf32> to vector<16xf32>
        %swap3A_152 = vector.shape_cast %mul3A_147 : vector<16xf32> to vector<1x16xf32>
        tpu.vector_store %arg9[%swap3A_148, %swap3A_149], %swap3A_152 {strides = array<i32>} : memref<200x256xf32, #tpu.memory_space<vmem>>, vector<1x16xf32>,
        %get3A_153 = arith.index_cast %scan3A_28 : i32 to index
        %get3A_154 = arith.constant 144 : index
        %get3A_155 = tpu.vector_load %arg9[%get3A_153, %get3A_154] {strides = array<i32>} : memref<200x256xf32, #tpu.memory_space<vmem>>, vector<1x16xf32>,
        %get3A_156 = vector.shape_cast %get3A_155 : vector<1x16xf32> to vector<16xf32>
        %get3A_157 = arith.index_cast %scan3A_28 : i32 to index
        %get3A_158 = arith.constant 144 : index
        %get3A_159 = tpu.vector_load %arg10[%get3A_157, %get3A_158] {strides = array<i32>} : memref<200x256xf32, #tpu.memory_space<vmem>>, vector<1x16xf32>,
        %get3A_160 = vector.shape_cast %get3A_159 : vector<1x16xf32> to vector<16xf32>
        %mul3A_161 = arith.mulf %get3A_156, %get3A_160 : vector<16xf32>
        %swap3A_162 = arith.index_cast %scan3A_28 : i32 to index
        %swap3A_163 = arith.constant 144 : index
        %swap3A_164 = tpu.vector_load %arg9[%swap3A_162, %swap3A_163] {strides = array<i32>} : memref<200x256xf32, #tpu.memory_space<vmem>>, vector<1x16xf32>,
        %swap3A_165 = vector.shape_cast %swap3A_164 : vector<1x16xf32> to vector<16xf32>
        %swap3A_166 = vector.shape_cast %mul3A_161 : vector<16xf32> to vector<1x16xf32>
        tpu.vector_store %arg9[%swap3A_162, %swap3A_163], %swap3A_166 {strides = array<i32>} : memref<200x256xf32, #tpu.memory_space<vmem>>, vector<1x16xf32>,
        %get3A_167 = arith.index_cast %scan3A_28 : i32 to index
        %get3A_168 = arith.constant 160 : index
        %get3A_169 = tpu.vector_load %arg9[%get3A_167, %get3A_168] {strides = array<i32>} : memref<200x256xf32, #tpu.memory_space<vmem>>, vector<1x16xf32>,
        %get3A_170 = vector.shape_cast %get3A_169 : vector<1x16xf32> to vector<16xf32>
        %get3A_171 = arith.index_cast %scan3A_28 : i32 to index
        %get3A_172 = arith.constant 160 : index
        %get3A_173 = tpu.vector_load %arg10[%get3A_171, %get3A_172] {strides = array<i32>} : memref<200x256xf32, #tpu.memory_space<vmem>>, vector<1x16xf32>,
        %get3A_174 = vector.shape_cast %get3A_173 : vector<1x16xf32> to vector<16xf32>
        %mul3A_175 = arith.mulf %get3A_170, %get3A_174 : vector<16xf32>
        %swap3A_176 = arith.index_cast %scan3A_28 : i32 to index
        %swap3A_177 = arith.constant 160 : index
        %swap3A_178 = tpu.vector_load %arg9[%swap3A_176, %swap3A_177] {strides = array<i32>} : memref<200x256xf32, #tpu.memory_space<vmem>>, vector<1x16xf32>,
        %swap3A_179 = vector.shape_cast %swap3A_178 : vector<1x16xf32> to vector<16xf32>
        %swap3A_180 = vector.shape_cast %mul3A_175 : vector<16xf32> to vector<1x16xf32>
        tpu.vector_store %arg9[%swap3A_176, %swap3A_177], %swap3A_180 {strides = array<i32>} : memref<200x256xf32, #tpu.memory_space<vmem>>, vector<1x16xf32>,
        %get3A_181 = arith.index_cast %scan3A_28 : i32 to index
        %get3A_182 = arith.constant 176 : index
        %get3A_183 = tpu.vector_load %arg9[%get3A_181, %get3A_182] {strides = array<i32>} : memref<200x256xf32, #tpu.memory_space<vmem>>, vector<1x16xf32>,
        %get3A_184 = vector.shape_cast %get3A_183 : vector<1x16xf32> to vector<16xf32>
        %get3A_185 = arith.index_cast %scan3A_28 : i32 to index
        %get3A_186 = arith.constant 176 : index
        %get3A_187 = tpu.vector_load %arg10[%get3A_185, %get3A_186] {strides = array<i32>} : memref<200x256xf32, #tpu.memory_space<vmem>>, vector<1x16xf32>,
        %get3A_188 = vector.shape_cast %get3A_187 : vector<1x16xf32> to vector<16xf32>
        %mul3A_189 = arith.mulf %get3A_184, %get3A_188 : vector<16xf32>
        %swap3A_190 = arith.index_cast %scan3A_28 : i32 to index
        %swap3A_191 = arith.constant 176 : index
        %swap3A_192 = tpu.vector_load %arg9[%swap3A_190, %swap3A_191] {strides = array<i32>} : memref<200x256xf32, #tpu.memory_space<vmem>>, vector<1x16xf32>,
        %swap3A_193 = vector.shape_cast %swap3A_192 : vector<1x16xf32> to vector<16xf32>
        %swap3A_194 = vector.shape_cast %mul3A_189 : vector<16xf32> to vector<1x16xf32>
        tpu.vector_store %arg9[%swap3A_190, %swap3A_191], %swap3A_194 {strides = array<i32>} : memref<200x256xf32, #tpu.memory_space<vmem>>, vector<1x16xf32>,
        %get3A_195 = arith.index_cast %scan3A_28 : i32 to index
        %get3A_196 = arith.constant 192 : index
        %get3A_197 = tpu.vector_load %arg9[%get3A_195, %get3A_196] {strides = array<i32>} : memref<200x256xf32, #tpu.memory_space<vmem>>, vector<1x16xf32>,
        %get3A_198 = vector.shape_cast %get3A_197 : vector<1x16xf32> to vector<16xf32>
        %get3A_199 = arith.index_cast %scan3A_28 : i32 to index
        %get3A_200 = arith.constant 192 : index
        %get3A_201 = tpu.vector_load %arg10[%get3A_199, %get3A_200] {strides = array<i32>} : memref<200x256xf32, #tpu.memory_space<vmem>>, vector<1x16xf32>,
        %get3A_202 = vector.shape_cast %get3A_201 : vector<1x16xf32> to vector<16xf32>
        %mul3A_203 = arith.mulf %get3A_198, %get3A_202 : vector<16xf32>
        %swap3A_204 = arith.index_cast %scan3A_28 : i32 to index
        %swap3A_205 = arith.constant 192 : index
        %swap3A_206 = tpu.vector_load %arg9[%swap3A_204, %swap3A_205] {strides = array<i32>} : memref<200x256xf32, #tpu.memory_space<vmem>>, vector<1x16xf32>,
        %swap3A_207 = vector.shape_cast %swap3A_206 : vector<1x16xf32> to vector<16xf32>
        %swap3A_208 = vector.shape_cast %mul3A_203 : vector<16xf32> to vector<1x16xf32>
        tpu.vector_store %arg9[%swap3A_204, %swap3A_205], %swap3A_208 {strides = array<i32>} : memref<200x256xf32, #tpu.memory_space<vmem>>, vector<1x16xf32>,
        %get3A_209 = arith.index_cast %scan3A_28 : i32 to index
        %get3A_210 = arith.constant 208 : index
        %get3A_211 = tpu.vector_load %arg9[%get3A_209, %get3A_210] {strides = array<i32>} : memref<200x256xf32, #tpu.memory_space<vmem>>, vector<1x16xf32>,
        %get3A_212 = vector.shape_cast %get3A_211 : vector<1x16xf32> to vector<16xf32>
        %get3A_213 = arith.index_cast %scan3A_28 : i32 to index
        %get3A_214 = arith.constant 208 : index
        %get3A_215 = tpu.vector_load %arg10[%get3A_213, %get3A_214] {strides = array<i32>} : memref<200x256xf32, #tpu.memory_space<vmem>>, vector<1x16xf32>,
        %get3A_216 = vector.shape_cast %get3A_215 : vector<1x16xf32> to vector<16xf32>
        %mul3A_217 = arith.mulf %get3A_212, %get3A_216 : vector<16xf32>
        %swap3A_218 = arith.index_cast %scan3A_28 : i32 to index
        %swap3A_219 = arith.constant 208 : index
        %swap3A_220 = tpu.vector_load %arg9[%swap3A_218, %swap3A_219] {strides = array<i32>} : memref<200x256xf32, #tpu.memory_space<vmem>>, vector<1x16xf32>,
        %swap3A_221 = vector.shape_cast %swap3A_220 : vector<1x16xf32> to vector<16xf32>
        %swap3A_222 = vector.shape_cast %mul3A_217 : vector<16xf32> to vector<1x16xf32>
        tpu.vector_store %arg9[%swap3A_218, %swap3A_219], %swap3A_222 {strides = array<i32>} : memref<200x256xf32, #tpu.memory_space<vmem>>, vector<1x16xf32>,
        %get3A_223 = arith.index_cast %scan3A_28 : i32 to index
        %get3A_224 = arith.constant 224 : index
        %get3A_225 = tpu.vector_load %arg9[%get3A_223, %get3A_224] {strides = array<i32>} : memref<200x256xf32, #tpu.memory_space<vmem>>, vector<1x16xf32>,
        %get3A_226 = vector.shape_cast %get3A_225 : vector<1x16xf32> to vector<16xf32>
        %get3A_227 = arith.index_cast %scan3A_28 : i32 to index
        %get3A_228 = arith.constant 224 : index
        %get3A_229 = tpu.vector_load %arg10[%get3A_227, %get3A_228] {strides = array<i32>} : memref<200x256xf32, #tpu.memory_space<vmem>>, vector<1x16xf32>,
        %get3A_230 = vector.shape_cast %get3A_229 : vector<1x16xf32> to vector<16xf32>
        %mul3A_231 = arith.mulf %get3A_226, %get3A_230 : vector<16xf32>
        %swap3A_232 = arith.index_cast %scan3A_28 : i32 to index
        %swap3A_233 = arith.constant 224 : index
        %swap3A_234 = tpu.vector_load %arg9[%swap3A_232, %swap3A_233] {strides = array<i32>} : memref<200x256xf32, #tpu.memory_space<vmem>>, vector<1x16xf32>,
        %swap3A_235 = vector.shape_cast %swap3A_234 : vector<1x16xf32> to vector<16xf32>
        %swap3A_236 = vector.shape_cast %mul3A_231 : vector<16xf32> to vector<1x16xf32>
        tpu.vector_store %arg9[%swap3A_232, %swap3A_233], %swap3A_236 {strides = array<i32>} : memref<200x256xf32, #tpu.memory_space<vmem>>, vector<1x16xf32>,
        %get3A_237 = arith.index_cast %scan3A_28 : i32 to index
        %get3A_238 = arith.constant 240 : index
        %get3A_239 = tpu.vector_load %arg9[%get3A_237, %get3A_238] {strides = array<i32>} : memref<200x256xf32, #tpu.memory_space<vmem>>, vector<1x16xf32>,
        %get3A_240 = vector.shape_cast %get3A_239 : vector<1x16xf32> to vector<16xf32>
        %get3A_241 = arith.index_cast %scan3A_28 : i32 to index
        %get3A_242 = arith.constant 240 : index
        %get3A_243 = tpu.vector_load %arg10[%get3A_241, %get3A_242] {strides = array<i32>} : memref<200x256xf32, #tpu.memory_space<vmem>>, vector<1x16xf32>,
        %get3A_244 = vector.shape_cast %get3A_243 : vector<1x16xf32> to vector<16xf32>
        %mul3A_245 = arith.mulf %get3A_240, %get3A_244 : vector<16xf32>
        %swap3A_246 = arith.index_cast %scan3A_28 : i32 to index
        %swap3A_247 = arith.constant 240 : index
        %swap3A_248 = tpu.vector_load %arg9[%swap3A_246, %swap3A_247] {strides = array<i32>} : memref<200x256xf32, #tpu.memory_space<vmem>>, vector<1x16xf32>,
        %swap3A_249 = vector.shape_cast %swap3A_248 : vector<1x16xf32> to vector<16xf32>
        %swap3A_250 = vector.shape_cast %mul3A_245 : vector<16xf32> to vector<1x16xf32>
        tpu.vector_store %arg9[%swap3A_246, %swap3A_247], %swap3A_250 {strides = array<i32>} : memref<200x256xf32, #tpu.memory_space<vmem>>, vector<1x16xf32>,
      }
      %scan3A_27 = arith.constant 200 : i32
      "tpu.region"() ({
        %run_scoped3A = tpu.sem_alloc : memref<!tpu.dma_semaphore, #tpu.memory_space<semaphore_mem>>
        %dma_start3A_28 = arith.constant 0 : i32
        %dma_start3A_29 = tpu.memref_slice %arg6[%add3A_11, %dma_start3A_28] : memref<160000x256xf32, #tpu.memory_space<hbm>> -> memref<200x256xf32, #tpu.memory_space<hbm>>
        %dma_start3A_30 = arith.constant 0 : i32
        %dma_start3A_31 = tpu.memref_slice %arg6[%add3A_11, %dma_start3A_30] : memref<160000x256xf32, #tpu.memory_space<hbm>> -> memref<200x256xf32, #tpu.memory_space<hbm>>
        tpu.enqueue_dma source(%arg9 : memref<200x256xf32, #tpu.memory_space<vmem>>) target(%dma_start3A_31 : memref<200x256xf32, #tpu.memory_space<hbm>>) target_semaphore(%run_scoped3A : memref<!tpu.dma_semaphore, #tpu.memory_space<semaphore_mem>>)
        %dma_wait3A_32 = arith.constant 0 : i32
        %dma_wait3A_33 = tpu.memref_slice %arg6[%add3A_11, %dma_wait3A_32] : memref<160000x256xf32, #tpu.memory_space<hbm>> -> memref<200x256xf32, #tpu.memory_space<hbm>>
        %dma_wait3A_34 = arith.constant 0 : i32
        %dma_wait3A_35 = tpu.memref_slice %arg6[%add3A_11, %dma_wait3A_34] : memref<160000x256xf32, #tpu.memory_space<hbm>> -> memref<200x256xf32, #tpu.memory_space<hbm>>
        tpu.wait_dma2 semaphore(%run_scoped3A : memref<!tpu.dma_semaphore, #tpu.memory_space<semaphore_mem>>) src(%arg9 : memref<200x256xf32, #tpu.memory_space<vmem>>) dst(%dma_wait3A_35 : memref<200x256xf32, #tpu.memory_space<hbm>>)
        tpu.yield
      }) : () -> ()
    }
    %scan3A_5 = arith.constant 25 : i32
    return
  }
}

#map = affine_map<(d0, d1) -> (0, 0)>
#map1 = affine_map<(d0, d1) -> (0)>
module attributes {stable_mosaic.version = 14 : i64} {
  func.func @_weight_v_body(%arg0: i32, %arg1: i32, %arg2: memref<10000x256xf32, #tpu.memory_space<hbm>>, %arg3: memref<160000x16xf32, #tpu.memory_space<hbm>>, %arg4: memref<160000xi32, #tpu.memory_space<hbm>>, %arg5: memref<160000x256xf32, #tpu.memory_space<hbm>>, %arg6: memref<200xi32, #tpu.memory_space<vmem>>, %arg7: memref<200x256xf32, #tpu.memory_space<vmem>>, %arg8: memref<200x16xf32, #tpu.memory_space<vmem>>, %arg9: memref<!tpu.dma_semaphore, #tpu.memory_space<semaphore_mem>>) attributes {dimension_semantics = [#tpu.dimension_semantics<core_parallel>, #tpu.dimension_semantics<subcore_parallel>], iteration_bounds = array<i64: 2, 16>, scalar_prefetch = 0 : i64, scratch_operands = 4 : i64, tpu.core_type = #tpu.core_type<sc_vector_subcore>, window_params = [{transform_indices = #map}, {transform_indices = #map}, {transform_indices = #map1}, {transform_indices = #map}]} {
    %mul3A = arith.constant 16 : i32
    %mul3A_0 = arith.muli %arg0, %mul3A : i32
    %add3A = arith.addi %mul3A_0, %arg1 : i32
    %scan3A = arith.constant 0 : i32
    %scan3A_1 = arith.constant 0 : i32
    %scan3A_2 = arith.constant 25 : i32
    %scan3A_3 = arith.addi %scan3A_1, %scan3A_2 : i32
    %scan3A_4 = arith.constant 1 : i32
    scf.for %scan3A_6 = %scan3A_1 to %scan3A_3 step %scan3A_4  : i32 {
      %mul3A_7 = arith.constant 5000 : i32
      %mul3A_8 = arith.muli %add3A, %mul3A_7 : i32
      %mul3A_9 = arith.constant 200 : i32
      %mul3A_10 = arith.muli %scan3A_6, %mul3A_9 : i32
      %add3A_11 = arith.addi %mul3A_8, %mul3A_10 : i32
      "tpu.region"() ({
        %run_scoped3A = tpu.sem_alloc : memref<!tpu.dma_semaphore, #tpu.memory_space<semaphore_mem>>
        %dma_start3A_22 = tpu.memref_slice %arg4[%add3A_11] : memref<160000xi32, #tpu.memory_space<hbm>> -> memref<200xi32, #tpu.memory_space<hbm>>
        %dma_start3A_23 = tpu.memref_slice %arg4[%add3A_11] : memref<160000xi32, #tpu.memory_space<hbm>> -> memref<200xi32, #tpu.memory_space<hbm>>
        tpu.enqueue_dma source(%dma_start3A_23 : memref<200xi32, #tpu.memory_space<hbm>>) target(%arg6 : memref<200xi32, #tpu.memory_space<vmem>>) target_semaphore(%run_scoped3A : memref<!tpu.dma_semaphore, #tpu.memory_space<semaphore_mem>>)
        %dma_wait3A_24 = tpu.memref_slice %arg4[%add3A_11] : memref<160000xi32, #tpu.memory_space<hbm>> -> memref<200xi32, #tpu.memory_space<hbm>>
        %dma_wait3A_25 = tpu.memref_slice %arg4[%add3A_11] : memref<160000xi32, #tpu.memory_space<hbm>> -> memref<200xi32, #tpu.memory_space<hbm>>
        tpu.wait_dma2 semaphore(%run_scoped3A : memref<!tpu.dma_semaphore, #tpu.memory_space<semaphore_mem>>) src(%dma_wait3A_25 : memref<200xi32, #tpu.memory_space<hbm>>) dst(%arg6 : memref<200xi32, #tpu.memory_space<vmem>>)
        tpu.yield
      }) : () -> ()
      %dma_start3A = arith.constant 0 : i32
      %dma_start3A_12 = arith.constant 0 : i32
      %dma_start3A_13 = tpu.memref_slice %arg2[%dma_start3A, %dma_start3A_12] : memref<10000x256xf32, #tpu.memory_space<hbm>> -> memref<10000x256xf32, #tpu.memory_space<hbm>>
      tpu.enqueue_indirect_dma source(%dma_start3A_13 : memref<10000x256xf32, #tpu.memory_space<hbm>>) target(%arg7 : memref<200x256xf32, #tpu.memory_space<vmem>>) offsets(%arg6 : memref<200xi32, #tpu.memory_space<vmem>>) semaphore(%arg9 : memref<!tpu.dma_semaphore, #tpu.memory_space<semaphore_mem>>)
      "tpu.region"() ({
        %run_scoped3A = tpu.sem_alloc : memref<!tpu.dma_semaphore, #tpu.memory_space<semaphore_mem>>
        %dma_start3A_22 = arith.constant 0 : i32
        %dma_start3A_23 = tpu.memref_slice %arg3[%add3A_11, %dma_start3A_22] : memref<160000x16xf32, #tpu.memory_space<hbm>> -> memref<200x16xf32, #tpu.memory_space<hbm>>
        %dma_start3A_24 = arith.constant 0 : i32
        %dma_start3A_25 = tpu.memref_slice %arg3[%add3A_11, %dma_start3A_24] : memref<160000x16xf32, #tpu.memory_space<hbm>> -> memref<200x16xf32, #tpu.memory_space<hbm>>
        tpu.enqueue_dma source(%dma_start3A_25 : memref<200x16xf32, #tpu.memory_space<hbm>>) target(%arg8 : memref<200x16xf32, #tpu.memory_space<vmem>>) target_semaphore(%run_scoped3A : memref<!tpu.dma_semaphore, #tpu.memory_space<semaphore_mem>>)
        %dma_wait3A_26 = arith.constant 0 : i32
        %dma_wait3A_27 = tpu.memref_slice %arg3[%add3A_11, %dma_wait3A_26] : memref<160000x16xf32, #tpu.memory_space<hbm>> -> memref<200x16xf32, #tpu.memory_space<hbm>>
        %dma_wait3A_28 = arith.constant 0 : i32
        %dma_wait3A_29 = tpu.memref_slice %arg3[%add3A_11, %dma_wait3A_28] : memref<160000x16xf32, #tpu.memory_space<hbm>> -> memref<200x16xf32, #tpu.memory_space<hbm>>
        tpu.wait_dma2 semaphore(%run_scoped3A : memref<!tpu.dma_semaphore, #tpu.memory_space<semaphore_mem>>) src(%dma_wait3A_29 : memref<200x16xf32, #tpu.memory_space<hbm>>) dst(%arg8 : memref<200x16xf32, #tpu.memory_space<vmem>>)
        tpu.yield
      }) : () -> ()
      %dma_wait3A = arith.constant 0 : i32
      %dma_wait3A_14 = arith.constant 0 : i32
      %dma_wait3A_15 = tpu.memref_slice %arg2[%dma_wait3A, %dma_wait3A_14] : memref<10000x256xf32, #tpu.memory_space<hbm>> -> memref<10000x256xf32, #tpu.memory_space<hbm>>
      tpu.wait_indirect_dma semaphore(%arg9 : memref<!tpu.dma_semaphore, #tpu.memory_space<semaphore_mem>>) src(%dma_wait3A_15 : memref<10000x256xf32, #tpu.memory_space<hbm>>) dst(%arg7 : memref<200x256xf32, #tpu.memory_space<vmem>>)
      %scan3A_16 = arith.constant 0 : i32
      %scan3A_17 = arith.constant 0 : i32
      %scan3A_18 = arith.constant 200 : i32
      %scan3A_19 = arith.addi %scan3A_17, %scan3A_18 : i32
      %scan3A_20 = arith.constant 1 : i32
      scf.for %scan3A_22 = %scan3A_17 to %scan3A_19 step %scan3A_20  : i32 {
        %get3A = arith.index_cast %scan3A_22 : i32 to index
        %get3A_23 = arith.constant 0 : index
        %get3A_24 = tpu.vector_load %arg8[%get3A, %get3A_23] {strides = array<i32>} : memref<200x16xf32, #tpu.memory_space<vmem>>, vector<1x16xf32>,
        %get3A_25 = vector.shape_cast %get3A_24 : vector<1x16xf32> to vector<16xf32>
        %slice3A = vector.extract_strided_slice %get3A_25 {offsets = [0], sizes = [1], strides = [1]} : vector<16xf32> to vector<1xf32>
        %squeeze3A = vector.extract %slice3A[0] : f32 from vector<1xf32>
        %broadcast_in_dim3A = vector.broadcast %squeeze3A : f32 to vector<16xf32>
        %get3A_26 = arith.index_cast %scan3A_22 : i32 to index
        %get3A_27 = arith.constant 0 : index
        %get3A_28 = tpu.vector_load %arg7[%get3A_26, %get3A_27] {strides = array<i32>} : memref<200x256xf32, #tpu.memory_space<vmem>>, vector<1x16xf32>,
        %get3A_29 = vector.shape_cast %get3A_28 : vector<1x16xf32> to vector<16xf32>
        %mul3A_30 = arith.mulf %get3A_29, %broadcast_in_dim3A : vector<16xf32>
        %swap3A = arith.index_cast %scan3A_22 : i32 to index
        %swap3A_31 = arith.constant 0 : index
        %swap3A_32 = tpu.vector_load %arg7[%swap3A, %swap3A_31] {strides = array<i32>} : memref<200x256xf32, #tpu.memory_space<vmem>>, vector<1x16xf32>,
        %swap3A_33 = vector.shape_cast %swap3A_32 : vector<1x16xf32> to vector<16xf32>
        %swap3A_34 = vector.shape_cast %mul3A_30 : vector<16xf32> to vector<1x16xf32>
        tpu.vector_store %arg7[%swap3A, %swap3A_31], %swap3A_34 {strides = array<i32>} : memref<200x256xf32, #tpu.memory_space<vmem>>, vector<1x16xf32>,
        %get3A_35 = arith.index_cast %scan3A_22 : i32 to index
        %get3A_36 = arith.constant 16 : index
        %get3A_37 = tpu.vector_load %arg7[%get3A_35, %get3A_36] {strides = array<i32>} : memref<200x256xf32, #tpu.memory_space<vmem>>, vector<1x16xf32>,
        %get3A_38 = vector.shape_cast %get3A_37 : vector<1x16xf32> to vector<16xf32>
        %mul3A_39 = arith.mulf %get3A_38, %broadcast_in_dim3A : vector<16xf32>
        %swap3A_40 = arith.index_cast %scan3A_22 : i32 to index
        %swap3A_41 = arith.constant 16 : index
        %swap3A_42 = tpu.vector_load %arg7[%swap3A_40, %swap3A_41] {strides = array<i32>} : memref<200x256xf32, #tpu.memory_space<vmem>>, vector<1x16xf32>,
        %swap3A_43 = vector.shape_cast %swap3A_42 : vector<1x16xf32> to vector<16xf32>
        %swap3A_44 = vector.shape_cast %mul3A_39 : vector<16xf32> to vector<1x16xf32>
        tpu.vector_store %arg7[%swap3A_40, %swap3A_41], %swap3A_44 {strides = array<i32>} : memref<200x256xf32, #tpu.memory_space<vmem>>, vector<1x16xf32>,
        %slice3A_45 = vector.extract_strided_slice %get3A_25 {offsets = [1], sizes = [1], strides = [1]} : vector<16xf32> to vector<1xf32>
        %squeeze3A_46 = vector.extract %slice3A_45[0] : f32 from vector<1xf32>
        %broadcast_in_dim3A_47 = vector.broadcast %squeeze3A_46 : f32 to vector<16xf32>
        %get3A_48 = arith.index_cast %scan3A_22 : i32 to index
        %get3A_49 = arith.constant 32 : index
        %get3A_50 = tpu.vector_load %arg7[%get3A_48, %get3A_49] {strides = array<i32>} : memref<200x256xf32, #tpu.memory_space<vmem>>, vector<1x16xf32>,
        %get3A_51 = vector.shape_cast %get3A_50 : vector<1x16xf32> to vector<16xf32>
        %mul3A_52 = arith.mulf %get3A_51, %broadcast_in_dim3A_47 : vector<16xf32>
        %swap3A_53 = arith.index_cast %scan3A_22 : i32 to index
        %swap3A_54 = arith.constant 32 : index
        %swap3A_55 = tpu.vector_load %arg7[%swap3A_53, %swap3A_54] {strides = array<i32>} : memref<200x256xf32, #tpu.memory_space<vmem>>, vector<1x16xf32>,
        %swap3A_56 = vector.shape_cast %swap3A_55 : vector<1x16xf32> to vector<16xf32>
        %swap3A_57 = vector.shape_cast %mul3A_52 : vector<16xf32> to vector<1x16xf32>
        tpu.vector_store %arg7[%swap3A_53, %swap3A_54], %swap3A_57 {strides = array<i32>} : memref<200x256xf32, #tpu.memory_space<vmem>>, vector<1x16xf32>,
        %get3A_58 = arith.index_cast %scan3A_22 : i32 to index
        %get3A_59 = arith.constant 48 : index
        %get3A_60 = tpu.vector_load %arg7[%get3A_58, %get3A_59] {strides = array<i32>} : memref<200x256xf32, #tpu.memory_space<vmem>>, vector<1x16xf32>,
        %get3A_61 = vector.shape_cast %get3A_60 : vector<1x16xf32> to vector<16xf32>
        %mul3A_62 = arith.mulf %get3A_61, %broadcast_in_dim3A_47 : vector<16xf32>
        %swap3A_63 = arith.index_cast %scan3A_22 : i32 to index
        %swap3A_64 = arith.constant 48 : index
        %swap3A_65 = tpu.vector_load %arg7[%swap3A_63, %swap3A_64] {strides = array<i32>} : memref<200x256xf32, #tpu.memory_space<vmem>>, vector<1x16xf32>,
        %swap3A_66 = vector.shape_cast %swap3A_65 : vector<1x16xf32> to vector<16xf32>
        %swap3A_67 = vector.shape_cast %mul3A_62 : vector<16xf32> to vector<1x16xf32>
        tpu.vector_store %arg7[%swap3A_63, %swap3A_64], %swap3A_67 {strides = array<i32>} : memref<200x256xf32, #tpu.memory_space<vmem>>, vector<1x16xf32>,
        %slice3A_68 = vector.extract_strided_slice %get3A_25 {offsets = [2], sizes = [1], strides = [1]} : vector<16xf32> to vector<1xf32>
        %squeeze3A_69 = vector.extract %slice3A_68[0] : f32 from vector<1xf32>
        %broadcast_in_dim3A_70 = vector.broadcast %squeeze3A_69 : f32 to vector<16xf32>
        %get3A_71 = arith.index_cast %scan3A_22 : i32 to index
        %get3A_72 = arith.constant 64 : index
        %get3A_73 = tpu.vector_load %arg7[%get3A_71, %get3A_72] {strides = array<i32>} : memref<200x256xf32, #tpu.memory_space<vmem>>, vector<1x16xf32>,
        %get3A_74 = vector.shape_cast %get3A_73 : vector<1x16xf32> to vector<16xf32>
        %mul3A_75 = arith.mulf %get3A_74, %broadcast_in_dim3A_70 : vector<16xf32>
        %swap3A_76 = arith.index_cast %scan3A_22 : i32 to index
        %swap3A_77 = arith.constant 64 : index
        %swap3A_78 = tpu.vector_load %arg7[%swap3A_76, %swap3A_77] {strides = array<i32>} : memref<200x256xf32, #tpu.memory_space<vmem>>, vector<1x16xf32>,
        %swap3A_79 = vector.shape_cast %swap3A_78 : vector<1x16xf32> to vector<16xf32>
        %swap3A_80 = vector.shape_cast %mul3A_75 : vector<16xf32> to vector<1x16xf32>
        tpu.vector_store %arg7[%swap3A_76, %swap3A_77], %swap3A_80 {strides = array<i32>} : memref<200x256xf32, #tpu.memory_space<vmem>>, vector<1x16xf32>,
        %get3A_81 = arith.index_cast %scan3A_22 : i32 to index
        %get3A_82 = arith.constant 80 : index
        %get3A_83 = tpu.vector_load %arg7[%get3A_81, %get3A_82] {strides = array<i32>} : memref<200x256xf32, #tpu.memory_space<vmem>>, vector<1x16xf32>,
        %get3A_84 = vector.shape_cast %get3A_83 : vector<1x16xf32> to vector<16xf32>
        %mul3A_85 = arith.mulf %get3A_84, %broadcast_in_dim3A_70 : vector<16xf32>
        %swap3A_86 = arith.index_cast %scan3A_22 : i32 to index
        %swap3A_87 = arith.constant 80 : index
        %swap3A_88 = tpu.vector_load %arg7[%swap3A_86, %swap3A_87] {strides = array<i32>} : memref<200x256xf32, #tpu.memory_space<vmem>>, vector<1x16xf32>,
        %swap3A_89 = vector.shape_cast %swap3A_88 : vector<1x16xf32> to vector<16xf32>
        %swap3A_90 = vector.shape_cast %mul3A_85 : vector<16xf32> to vector<1x16xf32>
        tpu.vector_store %arg7[%swap3A_86, %swap3A_87], %swap3A_90 {strides = array<i32>} : memref<200x256xf32, #tpu.memory_space<vmem>>, vector<1x16xf32>,
        %slice3A_91 = vector.extract_strided_slice %get3A_25 {offsets = [3], sizes = [1], strides = [1]} : vector<16xf32> to vector<1xf32>
        %squeeze3A_92 = vector.extract %slice3A_91[0] : f32 from vector<1xf32>
        %broadcast_in_dim3A_93 = vector.broadcast %squeeze3A_92 : f32 to vector<16xf32>
        %get3A_94 = arith.index_cast %scan3A_22 : i32 to index
        %get3A_95 = arith.constant 96 : index
        %get3A_96 = tpu.vector_load %arg7[%get3A_94, %get3A_95] {strides = array<i32>} : memref<200x256xf32, #tpu.memory_space<vmem>>, vector<1x16xf32>,
        %get3A_97 = vector.shape_cast %get3A_96 : vector<1x16xf32> to vector<16xf32>
        %mul3A_98 = arith.mulf %get3A_97, %broadcast_in_dim3A_93 : vector<16xf32>
        %swap3A_99 = arith.index_cast %scan3A_22 : i32 to index
        %swap3A_100 = arith.constant 96 : index
        %swap3A_101 = tpu.vector_load %arg7[%swap3A_99, %swap3A_100] {strides = array<i32>} : memref<200x256xf32, #tpu.memory_space<vmem>>, vector<1x16xf32>,
        %swap3A_102 = vector.shape_cast %swap3A_101 : vector<1x16xf32> to vector<16xf32>
        %swap3A_103 = vector.shape_cast %mul3A_98 : vector<16xf32> to vector<1x16xf32>
        tpu.vector_store %arg7[%swap3A_99, %swap3A_100], %swap3A_103 {strides = array<i32>} : memref<200x256xf32, #tpu.memory_space<vmem>>, vector<1x16xf32>,
        %get3A_104 = arith.index_cast %scan3A_22 : i32 to index
        %get3A_105 = arith.constant 112 : index
        %get3A_106 = tpu.vector_load %arg7[%get3A_104, %get3A_105] {strides = array<i32>} : memref<200x256xf32, #tpu.memory_space<vmem>>, vector<1x16xf32>,
        %get3A_107 = vector.shape_cast %get3A_106 : vector<1x16xf32> to vector<16xf32>
        %mul3A_108 = arith.mulf %get3A_107, %broadcast_in_dim3A_93 : vector<16xf32>
        %swap3A_109 = arith.index_cast %scan3A_22 : i32 to index
        %swap3A_110 = arith.constant 112 : index
        %swap3A_111 = tpu.vector_load %arg7[%swap3A_109, %swap3A_110] {strides = array<i32>} : memref<200x256xf32, #tpu.memory_space<vmem>>, vector<1x16xf32>,
        %swap3A_112 = vector.shape_cast %swap3A_111 : vector<1x16xf32> to vector<16xf32>
        %swap3A_113 = vector.shape_cast %mul3A_108 : vector<16xf32> to vector<1x16xf32>
        tpu.vector_store %arg7[%swap3A_109, %swap3A_110], %swap3A_113 {strides = array<i32>} : memref<200x256xf32, #tpu.memory_space<vmem>>, vector<1x16xf32>,
        %slice3A_114 = vector.extract_strided_slice %get3A_25 {offsets = [4], sizes = [1], strides = [1]} : vector<16xf32> to vector<1xf32>
        %squeeze3A_115 = vector.extract %slice3A_114[0] : f32 from vector<1xf32>
        %broadcast_in_dim3A_116 = vector.broadcast %squeeze3A_115 : f32 to vector<16xf32>
        %get3A_117 = arith.index_cast %scan3A_22 : i32 to index
        %get3A_118 = arith.constant 128 : index
        %get3A_119 = tpu.vector_load %arg7[%get3A_117, %get3A_118] {strides = array<i32>} : memref<200x256xf32, #tpu.memory_space<vmem>>, vector<1x16xf32>,
        %get3A_120 = vector.shape_cast %get3A_119 : vector<1x16xf32> to vector<16xf32>
        %mul3A_121 = arith.mulf %get3A_120, %broadcast_in_dim3A_116 : vector<16xf32>
        %swap3A_122 = arith.index_cast %scan3A_22 : i32 to index
        %swap3A_123 = arith.constant 128 : index
        %swap3A_124 = tpu.vector_load %arg7[%swap3A_122, %swap3A_123] {strides = array<i32>} : memref<200x256xf32, #tpu.memory_space<vmem>>, vector<1x16xf32>,
        %swap3A_125 = vector.shape_cast %swap3A_124 : vector<1x16xf32> to vector<16xf32>
        %swap3A_126 = vector.shape_cast %mul3A_121 : vector<16xf32> to vector<1x16xf32>
        tpu.vector_store %arg7[%swap3A_122, %swap3A_123], %swap3A_126 {strides = array<i32>} : memref<200x256xf32, #tpu.memory_space<vmem>>, vector<1x16xf32>,
        %get3A_127 = arith.index_cast %scan3A_22 : i32 to index
        %get3A_128 = arith.constant 144 : index
        %get3A_129 = tpu.vector_load %arg7[%get3A_127, %get3A_128] {strides = array<i32>} : memref<200x256xf32, #tpu.memory_space<vmem>>, vector<1x16xf32>,
        %get3A_130 = vector.shape_cast %get3A_129 : vector<1x16xf32> to vector<16xf32>
        %mul3A_131 = arith.mulf %get3A_130, %broadcast_in_dim3A_116 : vector<16xf32>
        %swap3A_132 = arith.index_cast %scan3A_22 : i32 to index
        %swap3A_133 = arith.constant 144 : index
        %swap3A_134 = tpu.vector_load %arg7[%swap3A_132, %swap3A_133] {strides = array<i32>} : memref<200x256xf32, #tpu.memory_space<vmem>>, vector<1x16xf32>,
        %swap3A_135 = vector.shape_cast %swap3A_134 : vector<1x16xf32> to vector<16xf32>
        %swap3A_136 = vector.shape_cast %mul3A_131 : vector<16xf32> to vector<1x16xf32>
        tpu.vector_store %arg7[%swap3A_132, %swap3A_133], %swap3A_136 {strides = array<i32>} : memref<200x256xf32, #tpu.memory_space<vmem>>, vector<1x16xf32>,
        %slice3A_137 = vector.extract_strided_slice %get3A_25 {offsets = [5], sizes = [1], strides = [1]} : vector<16xf32> to vector<1xf32>
        %squeeze3A_138 = vector.extract %slice3A_137[0] : f32 from vector<1xf32>
        %broadcast_in_dim3A_139 = vector.broadcast %squeeze3A_138 : f32 to vector<16xf32>
        %get3A_140 = arith.index_cast %scan3A_22 : i32 to index
        %get3A_141 = arith.constant 160 : index
        %get3A_142 = tpu.vector_load %arg7[%get3A_140, %get3A_141] {strides = array<i32>} : memref<200x256xf32, #tpu.memory_space<vmem>>, vector<1x16xf32>,
        %get3A_143 = vector.shape_cast %get3A_142 : vector<1x16xf32> to vector<16xf32>
        %mul3A_144 = arith.mulf %get3A_143, %broadcast_in_dim3A_139 : vector<16xf32>
        %swap3A_145 = arith.index_cast %scan3A_22 : i32 to index
        %swap3A_146 = arith.constant 160 : index
        %swap3A_147 = tpu.vector_load %arg7[%swap3A_145, %swap3A_146] {strides = array<i32>} : memref<200x256xf32, #tpu.memory_space<vmem>>, vector<1x16xf32>,
        %swap3A_148 = vector.shape_cast %swap3A_147 : vector<1x16xf32> to vector<16xf32>
        %swap3A_149 = vector.shape_cast %mul3A_144 : vector<16xf32> to vector<1x16xf32>
        tpu.vector_store %arg7[%swap3A_145, %swap3A_146], %swap3A_149 {strides = array<i32>} : memref<200x256xf32, #tpu.memory_space<vmem>>, vector<1x16xf32>,
        %get3A_150 = arith.index_cast %scan3A_22 : i32 to index
        %get3A_151 = arith.constant 176 : index
        %get3A_152 = tpu.vector_load %arg7[%get3A_150, %get3A_151] {strides = array<i32>} : memref<200x256xf32, #tpu.memory_space<vmem>>, vector<1x16xf32>,
        %get3A_153 = vector.shape_cast %get3A_152 : vector<1x16xf32> to vector<16xf32>
        %mul3A_154 = arith.mulf %get3A_153, %broadcast_in_dim3A_139 : vector<16xf32>
        %swap3A_155 = arith.index_cast %scan3A_22 : i32 to index
        %swap3A_156 = arith.constant 176 : index
        %swap3A_157 = tpu.vector_load %arg7[%swap3A_155, %swap3A_156] {strides = array<i32>} : memref<200x256xf32, #tpu.memory_space<vmem>>, vector<1x16xf32>,
        %swap3A_158 = vector.shape_cast %swap3A_157 : vector<1x16xf32> to vector<16xf32>
        %swap3A_159 = vector.shape_cast %mul3A_154 : vector<16xf32> to vector<1x16xf32>
        tpu.vector_store %arg7[%swap3A_155, %swap3A_156], %swap3A_159 {strides = array<i32>} : memref<200x256xf32, #tpu.memory_space<vmem>>, vector<1x16xf32>,
        %slice3A_160 = vector.extract_strided_slice %get3A_25 {offsets = [6], sizes = [1], strides = [1]} : vector<16xf32> to vector<1xf32>
        %squeeze3A_161 = vector.extract %slice3A_160[0] : f32 from vector<1xf32>
        %broadcast_in_dim3A_162 = vector.broadcast %squeeze3A_161 : f32 to vector<16xf32>
        %get3A_163 = arith.index_cast %scan3A_22 : i32 to index
        %get3A_164 = arith.constant 192 : index
        %get3A_165 = tpu.vector_load %arg7[%get3A_163, %get3A_164] {strides = array<i32>} : memref<200x256xf32, #tpu.memory_space<vmem>>, vector<1x16xf32>,
        %get3A_166 = vector.shape_cast %get3A_165 : vector<1x16xf32> to vector<16xf32>
        %mul3A_167 = arith.mulf %get3A_166, %broadcast_in_dim3A_162 : vector<16xf32>
        %swap3A_168 = arith.index_cast %scan3A_22 : i32 to index
        %swap3A_169 = arith.constant 192 : index
        %swap3A_170 = tpu.vector_load %arg7[%swap3A_168, %swap3A_169] {strides = array<i32>} : memref<200x256xf32, #tpu.memory_space<vmem>>, vector<1x16xf32>,
        %swap3A_171 = vector.shape_cast %swap3A_170 : vector<1x16xf32> to vector<16xf32>
        %swap3A_172 = vector.shape_cast %mul3A_167 : vector<16xf32> to vector<1x16xf32>
        tpu.vector_store %arg7[%swap3A_168, %swap3A_169], %swap3A_172 {strides = array<i32>} : memref<200x256xf32, #tpu.memory_space<vmem>>, vector<1x16xf32>,
        %get3A_173 = arith.index_cast %scan3A_22 : i32 to index
        %get3A_174 = arith.constant 208 : index
        %get3A_175 = tpu.vector_load %arg7[%get3A_173, %get3A_174] {strides = array<i32>} : memref<200x256xf32, #tpu.memory_space<vmem>>, vector<1x16xf32>,
        %get3A_176 = vector.shape_cast %get3A_175 : vector<1x16xf32> to vector<16xf32>
        %mul3A_177 = arith.mulf %get3A_176, %broadcast_in_dim3A_162 : vector<16xf32>
        %swap3A_178 = arith.index_cast %scan3A_22 : i32 to index
        %swap3A_179 = arith.constant 208 : index
        %swap3A_180 = tpu.vector_load %arg7[%swap3A_178, %swap3A_179] {strides = array<i32>} : memref<200x256xf32, #tpu.memory_space<vmem>>, vector<1x16xf32>,
        %swap3A_181 = vector.shape_cast %swap3A_180 : vector<1x16xf32> to vector<16xf32>
        %swap3A_182 = vector.shape_cast %mul3A_177 : vector<16xf32> to vector<1x16xf32>
        tpu.vector_store %arg7[%swap3A_178, %swap3A_179], %swap3A_182 {strides = array<i32>} : memref<200x256xf32, #tpu.memory_space<vmem>>, vector<1x16xf32>,
        %slice3A_183 = vector.extract_strided_slice %get3A_25 {offsets = [7], sizes = [1], strides = [1]} : vector<16xf32> to vector<1xf32>
        %squeeze3A_184 = vector.extract %slice3A_183[0] : f32 from vector<1xf32>
        %broadcast_in_dim3A_185 = vector.broadcast %squeeze3A_184 : f32 to vector<16xf32>
        %get3A_186 = arith.index_cast %scan3A_22 : i32 to index
        %get3A_187 = arith.constant 224 : index
        %get3A_188 = tpu.vector_load %arg7[%get3A_186, %get3A_187] {strides = array<i32>} : memref<200x256xf32, #tpu.memory_space<vmem>>, vector<1x16xf32>,
        %get3A_189 = vector.shape_cast %get3A_188 : vector<1x16xf32> to vector<16xf32>
        %mul3A_190 = arith.mulf %get3A_189, %broadcast_in_dim3A_185 : vector<16xf32>
        %swap3A_191 = arith.index_cast %scan3A_22 : i32 to index
        %swap3A_192 = arith.constant 224 : index
        %swap3A_193 = tpu.vector_load %arg7[%swap3A_191, %swap3A_192] {strides = array<i32>} : memref<200x256xf32, #tpu.memory_space<vmem>>, vector<1x16xf32>,
        %swap3A_194 = vector.shape_cast %swap3A_193 : vector<1x16xf32> to vector<16xf32>
        %swap3A_195 = vector.shape_cast %mul3A_190 : vector<16xf32> to vector<1x16xf32>
        tpu.vector_store %arg7[%swap3A_191, %swap3A_192], %swap3A_195 {strides = array<i32>} : memref<200x256xf32, #tpu.memory_space<vmem>>, vector<1x16xf32>,
        %get3A_196 = arith.index_cast %scan3A_22 : i32 to index
        %get3A_197 = arith.constant 240 : index
        %get3A_198 = tpu.vector_load %arg7[%get3A_196, %get3A_197] {strides = array<i32>} : memref<200x256xf32, #tpu.memory_space<vmem>>, vector<1x16xf32>,
        %get3A_199 = vector.shape_cast %get3A_198 : vector<1x16xf32> to vector<16xf32>
        %mul3A_200 = arith.mulf %get3A_199, %broadcast_in_dim3A_185 : vector<16xf32>
        %swap3A_201 = arith.index_cast %scan3A_22 : i32 to index
        %swap3A_202 = arith.constant 240 : index
        %swap3A_203 = tpu.vector_load %arg7[%swap3A_201, %swap3A_202] {strides = array<i32>} : memref<200x256xf32, #tpu.memory_space<vmem>>, vector<1x16xf32>,
        %swap3A_204 = vector.shape_cast %swap3A_203 : vector<1x16xf32> to vector<16xf32>
        %swap3A_205 = vector.shape_cast %mul3A_200 : vector<16xf32> to vector<1x16xf32>
        tpu.vector_store %arg7[%swap3A_201, %swap3A_202], %swap3A_205 {strides = array<i32>} : memref<200x256xf32, #tpu.memory_space<vmem>>, vector<1x16xf32>,
      }
      %scan3A_21 = arith.constant 200 : i32
      "tpu.region"() ({
        %run_scoped3A = tpu.sem_alloc : memref<!tpu.dma_semaphore, #tpu.memory_space<semaphore_mem>>
        %dma_start3A_22 = arith.constant 0 : i32
        %dma_start3A_23 = tpu.memref_slice %arg5[%add3A_11, %dma_start3A_22] : memref<160000x256xf32, #tpu.memory_space<hbm>> -> memref<200x256xf32, #tpu.memory_space<hbm>>
        %dma_start3A_24 = arith.constant 0 : i32
        %dma_start3A_25 = tpu.memref_slice %arg5[%add3A_11, %dma_start3A_24] : memref<160000x256xf32, #tpu.memory_space<hbm>> -> memref<200x256xf32, #tpu.memory_space<hbm>>
        tpu.enqueue_dma source(%arg7 : memref<200x256xf32, #tpu.memory_space<vmem>>) target(%dma_start3A_25 : memref<200x256xf32, #tpu.memory_space<hbm>>) target_semaphore(%run_scoped3A : memref<!tpu.dma_semaphore, #tpu.memory_space<semaphore_mem>>)
        %dma_wait3A_26 = arith.constant 0 : i32
        %dma_wait3A_27 = tpu.memref_slice %arg5[%add3A_11, %dma_wait3A_26] : memref<160000x256xf32, #tpu.memory_space<hbm>> -> memref<200x256xf32, #tpu.memory_space<hbm>>
        %dma_wait3A_28 = arith.constant 0 : i32
        %dma_wait3A_29 = tpu.memref_slice %arg5[%add3A_11, %dma_wait3A_28] : memref<160000x256xf32, #tpu.memory_space<hbm>> -> memref<200x256xf32, #tpu.memory_space<hbm>>
        tpu.wait_dma2 semaphore(%run_scoped3A : memref<!tpu.dma_semaphore, #tpu.memory_space<semaphore_mem>>) src(%arg7 : memref<200x256xf32, #tpu.memory_space<vmem>>) dst(%dma_wait3A_29 : memref<200x256xf32, #tpu.memory_space<hbm>>)
        tpu.yield
      }) : () -> ()
    }
    %scan3A_5 = arith.constant 25 : i32
    return
  }
}

module attributes {stable_mosaic.version = 14 : i64} {
  func.func @_matmul_bias_body(%arg0: i32, %arg1: memref<512x256xf32, #tpu.memory_space<vmem>>, %arg2: memref<256x256xf32, #tpu.memory_space<vmem>>, %arg3: memref<1x256xf32, #tpu.memory_space<vmem>>, %arg4: memref<512x256xf32, #tpu.memory_space<vmem>>) attributes {dimension_semantics = [#tpu.dimension_semantics<arbitrary>], iteration_bounds = array<i64: 20>, scalar_prefetch = 0 : i64, scratch_operands = 0 : i64, tpu.core_type = #tpu.core_type<tc>, window_params = [{transform_indices = @transform_0, window_bounds = array<i64: 512, 256>}, {pipeline_mode = #tpu.pipeline_mode<synchronous>, transform_indices = @transform_1, window_bounds = array<i64: 256, 256>}, {pipeline_mode = #tpu.pipeline_mode<synchronous>, transform_indices = @transform_2, window_bounds = array<i64: 1, 256>}, {transform_indices = @transform_3, window_bounds = array<i64: 512, 256>}]} {
    %get3A = arith.constant 0 : index
    %get3A_0 = arith.constant 0 : index
    %get3A_1 = vector.load %arg1[%get3A, %get3A_0] : memref<512x256xf32, #tpu.memory_space<vmem>>, vector<512x256xf32>
    %get3A_2 = arith.constant 0 : index
    %get3A_3 = arith.constant 0 : index
    %get3A_4 = vector.load %arg2[%get3A_2, %get3A_3] : memref<256x256xf32, #tpu.memory_space<vmem>>, vector<256x256xf32>
    %dot_general3A = arith.constant dense<0.000000e+00> : vector<512x256xf32>
    %dot_general3A_5 = tpu.matmul %get3A_1, %get3A_4, %dot_general3A {dimension_numbers = #tpu.dot_dimension_numbers<[1], [0], [0], [1], [0, 0, 1, 1], [], []>, transpose_lhs_hint = false} : vector<512x256xf32>, vector<256x256xf32>, vector<512x256xf32> -> vector<512x256xf32>
    %get3A_6 = arith.constant 0 : index
    %get3A_7 = arith.constant 0 : index
    %get3A_8 = vector.load %arg3[%get3A_6, %get3A_7] : memref<1x256xf32, #tpu.memory_space<vmem>>, vector<1x256xf32>
    %add3A = vector.broadcast %get3A_8 : vector<1x256xf32> to vector<512x256xf32>
    %add3A_9 = arith.addf %dot_general3A_5, %add3A : vector<512x256xf32>
    %swap3A = arith.constant 0 : index
    %swap3A_10 = arith.constant 0 : index
    %swap3A_11 = vector.load %arg4[%swap3A, %swap3A_10] : memref<512x256xf32, #tpu.memory_space<vmem>>, vector<512x256xf32>
    tpu.vector_store %arg4[%swap3A, %swap3A_10], %add3A_9 {strides = array<i32>} : memref<512x256xf32, #tpu.memory_space<vmem>>, vector<512x256xf32>,
    return
  }
  func.func @transform_0(%arg0: i32) -> (i32, i32) {
    %c0_i32 = arith.constant 0 : i32
    %c0_i32_0 = arith.constant 0 : i32
    return %arg0, %c0_i32 : i32, i32
  }
  func.func @transform_1(%arg0: i32) -> (i32, i32) {
    %c0_i32 = arith.constant 0 : i32
    %c0_i32_0 = arith.constant 0 : i32
    %c0_i32_1 = arith.constant 0 : i32
    return %c0_i32, %c0_i32_0 : i32, i32
  }
  func.func @transform_2(%arg0: i32) -> (i32, i32) {
    %c0_i32 = arith.constant 0 : i32
    %c0_i32_0 = arith.constant 0 : i32
    %c0_i32_1 = arith.constant 0 : i32
    return %c0_i32, %c0_i32_0 : i32, i32
  }
  func.func @transform_3(%arg0: i32) -> (i32, i32) {
    %c0_i32 = arith.constant 0 : i32
    %c0_i32_0 = arith.constant 0 : i32
    return %arg0, %c0_i32 : i32, i32
  }
}

module attributes {stable_mosaic.version = 14 : i64} {
  func.func @_score_body(%arg0: i32, %arg1: memref<640x256xf32, #tpu.memory_space<vmem>>, %arg2: memref<640x256xf32, #tpu.memory_space<vmem>>, %arg3: memref<256x256xf32, #tpu.memory_space<vmem>>, %arg4: memref<1x256xf32, #tpu.memory_space<vmem>>, %arg5: memref<256x16xf32, #tpu.memory_space<vmem>>, %arg6: memref<640x16xf32, #tpu.memory_space<vmem>>) attributes {dimension_semantics = [#tpu.dimension_semantics<arbitrary>], iteration_bounds = array<i64: 250>, scalar_prefetch = 0 : i64, scratch_operands = 0 : i64, tpu.core_type = #tpu.core_type<tc>, window_params = [{transform_indices = @transform_0, window_bounds = array<i64: 640, 256>}, {transform_indices = @transform_1, window_bounds = array<i64: 640, 256>}, {pipeline_mode = #tpu.pipeline_mode<synchronous>, transform_indices = @transform_2, window_bounds = array<i64: 256, 256>}, {pipeline_mode = #tpu.pipeline_mode<synchronous>, transform_indices = @transform_3, window_bounds = array<i64: 1, 256>}, {pipeline_mode = #tpu.pipeline_mode<synchronous>, transform_indices = @transform_4, window_bounds = array<i64: 256, 16>}, {transform_indices = @transform_5, window_bounds = array<i64: 640, 16>}]} {
    %get3A = arith.constant 0 : index
    %get3A_0 = arith.constant 0 : index
    %get3A_1 = vector.load %arg1[%get3A, %get3A_0] : memref<640x256xf32, #tpu.memory_space<vmem>>, vector<640x256xf32>
    %get3A_2 = arith.constant 0 : index
    %get3A_3 = arith.constant 0 : index
    %get3A_4 = vector.load %arg3[%get3A_2, %get3A_3] : memref<256x256xf32, #tpu.memory_space<vmem>>, vector<256x256xf32>
    %dot_general3A = arith.constant dense<0.000000e+00> : vector<640x256xf32>
    %dot_general3A_5 = tpu.matmul %get3A_1, %get3A_4, %dot_general3A {dimension_numbers = #tpu.dot_dimension_numbers<[1], [0], [0], [1], [0, 0, 1, 1], [], []>, transpose_lhs_hint = false} : vector<640x256xf32>, vector<256x256xf32>, vector<640x256xf32> -> vector<640x256xf32>
    %get3A_6 = arith.constant 0 : index
    %get3A_7 = arith.constant 0 : index
    %get3A_8 = vector.load %arg4[%get3A_6, %get3A_7] : memref<1x256xf32, #tpu.memory_space<vmem>>, vector<1x256xf32>
    %add3A = vector.broadcast %get3A_8 : vector<1x256xf32> to vector<640x256xf32>
    %add3A_9 = arith.addf %dot_general3A_5, %add3A : vector<640x256xf32>
    %get3A_10 = arith.constant 0 : index
    %get3A_11 = arith.constant 0 : index
    %get3A_12 = vector.load %arg2[%get3A_10, %get3A_11] : memref<640x256xf32, #tpu.memory_space<vmem>>, vector<640x256xf32>
    %mul3A = arith.mulf %add3A_9, %get3A_12 : vector<640x256xf32>
    %get3A_13 = arith.constant 0 : index
    %get3A_14 = arith.constant 0 : index
    %get3A_15 = vector.load %arg5[%get3A_13, %get3A_14] : memref<256x16xf32, #tpu.memory_space<vmem>>, vector<256x16xf32>
    %dot_general3A_16 = arith.constant dense<0.000000e+00> : vector<640x16xf32>
    %dot_general3A_17 = tpu.matmul %mul3A, %get3A_15, %dot_general3A_16 {dimension_numbers = #tpu.dot_dimension_numbers<[1], [0], [0], [1], [0, 0, 1, 1], [], []>, transpose_lhs_hint = false} : vector<640x256xf32>, vector<256x16xf32>, vector<640x16xf32> -> vector<640x16xf32>
    %mul3A_18 = arith.constant 0.176776692 : f32
    %mul3A_19 = vector.broadcast %mul3A_18 : f32 to vector<640x16xf32>
    %mul3A_20 = arith.mulf %dot_general3A_17, %mul3A_19 : vector<640x16xf32>
    %jit3A = arith.constant -5.000000e+00 : f32
    %jit3A_21 = arith.constant 5.000000e+00 : f32
    %max3A = vector.broadcast %jit3A : f32 to vector<640x16xf32>
    %max3A_22 = arith.maximumf %max3A, %mul3A_20 : vector<640x16xf32>
    %min3A = vector.broadcast %jit3A_21 : f32 to vector<640x16xf32>
    %min3A_23 = arith.minimumf %min3A, %max3A_22 : vector<640x16xf32>
    %exp3A = math.exp %min3A_23 : vector<640x16xf32>
    %swap3A = arith.constant 0 : index
    %swap3A_24 = arith.constant 0 : index
    %swap3A_25 = vector.load %arg6[%swap3A, %swap3A_24] : memref<640x16xf32, #tpu.memory_space<vmem>>, vector<640x16xf32>
    tpu.vector_store %arg6[%swap3A, %swap3A_24], %exp3A {strides = array<i32>} : memref<640x16xf32, #tpu.memory_space<vmem>>, vector<640x16xf32>,
    return
  }
  func.func @transform_0(%arg0: i32) -> (i32, i32) {
    %c0_i32 = arith.constant 0 : i32
    %c0_i32_0 = arith.constant 0 : i32
    return %arg0, %c0_i32 : i32, i32
  }
  func.func @transform_1(%arg0: i32) -> (i32, i32) {
    %c0_i32 = arith.constant 0 : i32
    %c0_i32_0 = arith.constant 0 : i32
    return %arg0, %c0_i32 : i32, i32
  }
  func.func @transform_2(%arg0: i32) -> (i32, i32) {
    %c0_i32 = arith.constant 0 : i32
    %c0_i32_0 = arith.constant 0 : i32
    %c0_i32_1 = arith.constant 0 : i32
    return %c0_i32, %c0_i32_0 : i32, i32
  }
  func.func @transform_3(%arg0: i32) -> (i32, i32) {
    %c0_i32 = arith.constant 0 : i32
    %c0_i32_0 = arith.constant 0 : i32
    %c0_i32_1 = arith.constant 0 : i32
    return %c0_i32, %c0_i32_0 : i32, i32
  }
  func.func @transform_4(%arg0: i32) -> (i32, i32) {
    %c0_i32 = arith.constant 0 : i32
    %c0_i32_0 = arith.constant 0 : i32
    %c0_i32_1 = arith.constant 0 : i32
    return %c0_i32, %c0_i32_0 : i32, i32
  }
  func.func @transform_5(%arg0: i32) -> (i32, i32) {
    %c0_i32 = arith.constant 0 : i32
    %c0_i32_0 = arith.constant 0 : i32
    return %arg0, %c0_i32 : i32, i32
  }
}

</mosaic_0001>

<sc_bundles>
// kernel: kernel.11.cloned.1.call-start
scs
__scs_entry_jumppad:
0x0: {  	(pc) =	sbr.rel $0x88, $3  }
0x1: {  	(tag) =	ssettag $0x0;
	lr =	simm.s32 $0x1  }
0x2: {  	[smem:$0x3F96] =	sst lr;
	_ =	strace $0xD0000000  }
0x3: {  	_ = 	snop  }
0x4: {  	_ = 	snop  }
0x5: {  	_ = 	snop  }
0x6: {  	_ = 	snop  }
0x7: {  	_ = 	snop  }
__scs_overlays_trampoline_lowered:
0x8: {  	[smem:$0x3FA5] =	sst s0  }
0x9: {  	[smem:$0x3FA6] =	sst s1  }
0xa: {  	[smem:$0x3FA7] =	sst s2  }
0xb: {  	[smem:$0x3FA8] =	sst s3  }
0xc: {  	[smem:$0x3FA9] =	sst s4  }
0xd: {  	[smem:$0x3FAA] =	sst s5  }
0xe: {  	[smem:$0x3FAB] =	sst s6  }
0xf: {  	[smem:$0x3FAC] =	sst s7  }
0x10: {  	[smem:$0x3FAD] =	sst s8  }
0x11: {  	[smem:$0x3FAE] =	sst s9;
	s0 =	simm.s32 @!p0 $0x0  }
0x12: {  	s1 =	sld [smem:$0x3F94];
	s0 =	simm.s32 @p0 $0x1  }
0x13: {  	[smem:$0x3FAF] =	sst s0;
	s0 =	simm.s32 @!p1 $0x0  }
0x14: {  	s2 =	sld [smem:$0x3F93];
	s0 =	simm.s32 @p1 $0x1  }
0x15: {  	[smem:$0x3FB0] =	sst s0;
	s0 =	simm.s32 @!p2 $0x0  }
0x16: {  	s3 =	sld [smem:$0x3FDB];
	s0 =	simm.s32 @p2 $0x1  }
0x17: {  	s4 =	simm.s32 $0x1BF5;
	[smem:$0x3FB2] =	sst s0  }
0x18: {  	s0 =	sld [smem:$0x3F95];
	_ =	swait.ge [sflag:s4], $0x0  }
0x19: {  	s7 =	sld [smem:$0x3F96]  }
0x1a: {  	s8 =	sadd.s32 $0xFFFFE003, lr  }
0x1b: {  	s9 =	sadd.s32 $0xFFFFFEF7, lr;
	s5 =	simm.s32 $0xFFFFFFFF;
	p2 =	slt.u32 s8, $0xFFFFF086  }
0x1c: {  	p1 =	slt.u32 s9, $0xF7A;
	s5 =	simm.s32 @!p2 $0x0  }
0x1d: {  	s5 =	simm.s32 @p1 $0x1;
	p0 =	seq.s32 s7, s2  }
0x1e: {  	s7 =	smul.u32 @!p0 $0xF7A, s2;
	p2 =	seq.s32 @!p0 s5, $0x0  }
0x1f: {  	s9 =	smul.u32 $0xF7A, s1;
	s8 =	simm.s32 @!p0 $0x1BF5;
	p2 =	por !p2, p0  }
0x20: {  	[sflag:s8] =	ssyncset.s32 @!p0 $0xFFFFF086;
	s6 =	sadd.s32 @!p0 s3, s7;
	s7 =	simm.s32 @!p0 $0x108  }
0x21: {  	s3 =	sadd.s32 s3, s9;
	s6 =	sadd.s32 @!p0 $0x88, s6;
	s7 =	simm.s32 @p2 $0x1082  }
0x22: {  	[simem:s7], [sflag:s8] =	dma.local @!p0 [hbm:s6], $0xF7A  }
0x23: {  	s9 =	sor.u32 $0xD0000000, s2;
	s6 =	simm.s32 $0x108;
	_ =	swait.ge @!p0 [sflag:s8], $0x0  }
0x24: {  	s3 =	sadd.s32 $0x88, s3;
	s6 =	simm.s32 @!p1 $0x1082;
	[sflag:s4] =	ssyncset.s32 $0xFFFFF086  }
0x25: {  	[simem:s6], [sflag:s4] =	dma.local [hbm:s3], $0xF7A  }
0x26: {  	[smem:$0x3F96] =	sst s1;
	(tag) =	ssettag s2;
	_ =	strace s9  }
0x27: {  	s1 =	sld [smem:$0x3FA6]  }
0x28: {  	s2 =	sld [smem:$0x3FA7]  }
0x29: {  	s4 =	sld [smem:$0x3FA9]  }
0x2a: {  	p0 =	seq.s32 s5, $0x0;
	s5 =	sld [smem:$0x3FAA]  }
0x2b: {  	s6 =	sld [smem:$0x3FAB]  }
0x2c: {  	s7 =	sld [smem:$0x3FAC]  }
0x2d: {  	s3 =	simm.s32 $0x108;
	s8 =	sld [smem:$0x3FAD]  }
0x2e: {  	s3 =	simm.s32 @!p0 $0x1082;
	s9 =	sld [smem:$0x3FAE]  }
0x2f: {  	lr =	sadd.s32 s0, s3;
	s0 =	sld [smem:$0x3FA5]  }
0x30: {  	s3 =	sld [smem:$0x3FA8]  }
0x31: {  	[smem:$0x3FB1] =	sst s10  }
0x32: {  	s10 =	sld [smem:$0x3FAF];
	_ =	sdelay $0x3  }
0x33: {  	p0 =	seq.s32 s10, $0x1;
	s10 =	sld [smem:$0x3FB1];
	_ =	sdelay $0x3  }
0x34: {  	[smem:$0x3FB1] =	sst s10  }
0x35: {  	s10 =	sld [smem:$0x3FB0];
	_ =	sdelay $0x3  }
0x36: {  	p1 =	seq.s32 s10, $0x1;
	s10 =	sld [smem:$0x3FB1];
	_ =	sdelay $0x3  }
0x37: {  	[smem:$0x3FB1] =	sst s10  }
0x38: {  	s10 =	sld [smem:$0x3FB2]  }
0x39: {  	_ = 	snop;
	(pc) =	sbr.ind lr, $3  }
0x3a: {  	_ = 	snop  }
0x3b: {  	_ = 	snop  }
0x3c: {  	p2 =	seq.s32 s10, $0x1;
	s10 =	sld [smem:$0x3FB1]  }
0x3d: {  	_ =	shalt  }
0x3e: {  	_ =	shalt  }
0x3f: {  	_ =	shalt  }
0x40: {  	_ =	shalt  }
0x41: {  	_ =	shalt  }
0x42: {  	_ =	shalt  }
0x43: {  	_ =	shalt  }
0x44: {  	_ =	shalt  }
0x45: {  	_ =	shalt  }
0x46: {  	_ =	shalt  }
0x47: {  	_ =	shalt  }
0x48: {  	_ =	shalt  }
0x49: {  	_ =	shalt  }
0x4a: {  	_ =	shalt  }
0x4b: {  	_ =	shalt  }
0x4c: {  	_ =	shalt  }
0x4d: {  	_ =	shalt  }
0x4e: {  	_ =	shalt  }
0x4f: {  	_ =	shalt  }
0x50: {  	_ =	shalt  }
0x51: {  	_ =	shalt  }
0x52: {  	_ =	shalt  }
0x53: {  	_ =	shalt  }
0x54: {  	_ =	shalt  }
0x55: {  	_ =	shalt  }
0x56: {  	_ =	shalt  }
0x57: {  	_ =	shalt  }
0x58: {  	_ =	shalt  }
0x59: {  	_ =	shalt  }
0x5a: {  	_ =	shalt  }
0x5b: {  	_ =	shalt  }
0x5c: {  	_ =	shalt  }
0x5d: {  	_ =	shalt  }
0x5e: {  	_ =	shalt  }
0x5f: {  	_ =	shalt  }
0x60: {  	_ =	shalt  }
0x61: {  	_ =	shalt  }
0x62: {  	_ =	shalt  }
0x63: {  	_ =	shalt  }
0x64: {  	_ =	shalt  }
0x65: {  	_ =	shalt  }
0x66: {  	_ =	shalt  }
0x67: {  	_ =	shalt  }
0x68: {  	_ =	shalt  }
0x69: {  	_ =	shalt  }
0x6a: {  	_ =	shalt  }
0x6b: {  	_ =	shalt  }
0x6c: {  	_ =	shalt  }
0x6d: {  	_ =	shalt  }
0x6e: {  	_ =	shalt  }
0x6f: {  	_ =	shalt  }
0x70: {  	_ =	shalt  }
0x71: {  	_ =	shalt  }
0x72: {  	_ =	shalt  }
0x73: {  	_ =	shalt  }
0x74: {  	_ =	shalt  }
0x75: {  	_ =	shalt  }
0x76: {  	_ =	shalt  }
0x77: {  	_ =	shalt  }
0x78: {  	_ =	shalt  }
0x79: {  	_ =	shalt  }
0x7a: {  	_ =	shalt  }
0x7b: {  	_ =	shalt  }
0x7c: {  	_ =	shalt  }
0x7d: {  	_ =	shalt  }
0x7e: {  	_ =	shalt  }
0x7f: {  	_ =	shalt  }
0x80: {  	_ =	shalt  }
0x81: {  	_ =	shalt  }
0x82: {  	_ =	shalt  }
0x83: {  	_ =	shalt  }
0x84: {  	_ =	shalt  }
0x85: {  	_ =	shalt  }
0x86: {  	_ =	shalt  }
0x87: {  	_ =	shalt  }
.Lfunc_end0:
.L_simem_size_0:
called_computation.3_lowered:
.L_overlay_start_0:
0x88: {  	s2 =	sld [smem:$0x3FD9]  }
0x89: {  	s3 =	sld [smem:$0x3FFE];
	_ =	sdelay $0x1  }
0x8a: {  	s1 =	srdreg.scid  }
0x8b: {  	s0 =	sand.u32 $0x1, s1  }
0x8c: {  	s17 =	sshll.u32 s0, $0xA;
	s2 =	sadd.s32 s3, s2  }
0x8d: {  	s2 =	sadd.s32 s2, s17  }
0x8e: {  	[smem:$0x3FBD] =	sst s2  }
0x8f: {  	_ = 	snop  }
0x90: {  	s2 =	sld [smem:$0x3FD0];
	(tm) =	ssettm $0x1  }
0x91: {  	s18 =	sld [smem:$0x3FFB];
	_ =	sdelay $0x3  }
0x92: {  	_ =	strace s18  }
0x93: {  	s3 =	sld [smem:$0x3FFC];
	_ =	sdelay $0x3  }
0x94: {  	_ =	strace s3  }
0x95: {  	s3 =	sld [smem:$0x3FFD];
	_ =	sdelay $0x3  }
0x96: {  	_ =	strace s3  }
0x97: {  	_ =	strace $0x8FFFFFFF  }
0x98: {  	s19 =	sld [smem:$0x3FDB];
	_ =	sdelay $0x1  }
0x99: {  	s4 =	simm.s32 $_scs_section_size  }
0x9a: {  	s5 =	simm.s32 $_size__tile_overlayer_lowered;
	s6 =	simm.s32 $_tile_overlayer_lowered  }
0x9b: {  	s22 =	simm.s32 $0x1BFF;
	s21 =	sshll.u32 s6, $0x1;
	s3 =	sadd.s32 s4, s19  }
0x9c: {  	s7 =	simm.s32 $0x0;
	s20 =	sshll.u32 s5, $0x1;
	s5 =	sadd.s32 s21, s3  }
0x9d: {  	[timem:s7], [sflag:s22] =	dma.local [hbm:s5], s20  }
0x9e: {  	_ =	swait.ge [sflag:s22], s20  }
0x9f: {  	s4 =	ssub.s32 $0x0, s20;
	[sflag:s22] =	ssyncset.done $0x0  }
0xa0: {  	[sflag:s22] =	ssyncadd.s32 s4;
	_ =	sdelay $0x1  }
0xa1: {  	s23 =	simm.s32 $0x1B8B  }
0xa2: {  	_ =	swait.ge [sflag:s23], $0x1  }
0xa3: {  	[sflag:s23] =	ssyncset.done $0x0  }
0xa4: {  	s25 =	simm.s32 $0x1B8E;
	s24 =	sld [smem:$0x3FFE];
	[sflag:s23] =	ssyncadd.s32 $0xFFFFFFFF  }
0xa5: {  	s26 =	simm.s32 $execute0_lowered;
	[smem:$0x3FD2] =	sst s25  }
0xa6: {  	s5 =	sshll.u32 s26, $0x1;
	_ =	strace $0x80000049;
	[dreg:$0x1] =	wrdreg $0xFFFFFFFF  }
0xa7: {  	s28 =	simm.s32 $_size_execute0_lowered;
	s3 =	sadd.s32 s3, s5;
	[dreg:$0x0] =	wrdreg $0x0  }
0xa8: {  	s5 =	sshll.u32 s28, $0x1;
	[dreg:$0x2] =	wrdreg s3  }
0xa9: {  	[dreg:$0x3] =	wrdreg s5  }
0xaa: {  	[dreg:$0x4] =	wrdreg $0xC0  }
0xab: {  	_ =	task [dreg:s7], $0x5FFFF  }
0xac: {  	[dreg:$0x1] =	wrdreg $0xFFFFFFFF  }
0xad: {  	[dreg:$0x0] =	wrdreg $0x60  }
0xae: {  	[dreg:$0x2] =	wrdreg s2  }
0xaf: {  	[dreg:$0x3] =	wrdreg s24  }
0xb0: {  	[dreg:$0x4] =	wrdreg $0x9  }
0xb1: {  	_ =	task.clear_ibuf [dreg:s7], $0x5FFFF;
	_ =	strace $0x90000049  }
0xb2: {  	s29 =	simm.s32 $0x9;
	_ =	strace $0x8000004B  }
0xb3: {  	_ =	swait.ge [sflag:s29], $0x1  }
0xb4: {  	[sflag:s29] =	ssyncadd.s32 $0xFFFFFFFF  }
0xb5: {  	_ =	strace $0x9000004B  }
0xb6: {  	_ =	sfence  }
0xb7: {  	s30 =	sld [smem:$0x0];
	_ =	sdelay $0x2  }
0xb8: {  	s31 =	sshll.u32 s1, $0xD;
	s1 =	sshrl.u32 s1, $0x2  }
0xb9: {  	s3 =	sand.u32 $0x4000, s31;
	s1 =	sadd.s32 s1, s30  }
0xba: {  	s0 =	sor.u32 s3, s0;
	s1 =	sshll.u32 s1, $0x11  }
0xbb: {  	s0 =	sor.u32 s1, s0  }
0xbc: {  	s0 =	sadd.s32 $0x8F2B, s0  }
0xbd: {  	[sflag:s0] =	ssyncadd.remote.s32 $0x1  }
0xbe: {  	_ =	sfence.sel $0xFFFF  }
0xbf: {  	[dreg:$0x0] =	wrdreg $0xFFFFFFFF;
	(pc) =	sbr.abs _section_cstart, $3  }
0xc0: {  	[dreg:$0x1] =	wrdreg $0xFFFFFFFF  }
0xc1: {  	_ =	task.clear_ibuf [dreg:s7], $0x2FFFF;
	_ =	strace $0x9FFFFFFF  }
0xc2: {  	(tm) =	ssettm $0x7FFFFFFF  }
0xc3: {  	_ =	shalt  }
tec
execute0_lowered:
.L_overlay_start_1:
0x0: {  	(tag) =	ssettag $0x1  }
0x1: {  	s1 =	rddreg [dreg:$0x0]  }
0x2: {  	s0 =	rddreg [dreg:$0x1];
	s2 =	simm.s32 $0x0;
	s25 =	srdreg.scid  }
0x3: {  	s8 =	stileid.u32;
	s9 =	simm.s32 $0x2;
	s10 =	simm.s32 $0x100  }
0x4: {  	s21 =	simm.s32 $0x5900;
	s22 =	simm.s32 $0x6100;
	s23 =	simm.s32 $0x6900  }
0x5: {  	s24 =	simm.s32 $0x7100;
	s28 =	simm.s32 $0x8900;
	s29 =	simm.s32 $0x9100  }
0x6: {  	s30 =	simm.s32 $0x9900;
	s31 =	simm.s32 $0xA100;
	s11 =	simm.s32 $0x1  }
0x7: {  	s13 =	simm.s32 $0x0;
	[smem:$0x7FF] =	sst s2;
	s2 =	sand.u32 $0x1, s25  }
0x8: {  	s4 =	sadd.s32 $0x589000, s0;
	s5 =	sadd.s32 $0xC00, s0;
	s6 =	sadd.s32 $0xAC00, s0  }
0x9: {  	s25 =	simm.s32 $0x7900;
	s3 =	ssub.s32 $0x2, s2;
	s2 =	sshll.u32 s2, $0x4  }
0xa: {  	_ =	strace $0x8000004A;
	s7 =	sshrl.u32 s3, $0x1;
	s2 =	sor.u32 s8, s2  }
0xb: {  	v2 =	vlaneseq.u32;
	s8 =	simm.s32 $0xB900;
	s26 =	ssub.s32 s3, s7;
	s7 =	smul.u32 $0x1388, s2  }
0xc: {  	vm0 =	vmmov $0xffff;
	v1 =	vshrl.u32 v2, $0x3;
	s3 =	simm.s32 $0xB100;
	s2 =	simm.s32 $0xC100;
	s0 =	smax.u32 s26, $0x1  }
0xd: {  	v0 =	vand.u32 $0x7, v2;
	v2 =	vor.u32 $0x8, v2;
	v1 =	vmul.u32 $0x8, v1;
	s26 =	simm.s32 $0x8100;
	[dreg:$0x3] =	wrdreg s0;
	s0 =	simm.s32 $0xA900  }
.LBB2_1:
0xe: {  	[dreg:$0x4] =	wrdreg s13;
	s12 =	simm.s32 $0x0  }
.LBB2_2:
0xf: {  	s13 =	smul.u32 $0xC8, s12;
	_ =	sdelay $0x1  }
0x10: {  	s13 =	sadd.s32 s7, s13  }
0x11: {  	s14 =	sshrl.u32 s13, $0x3  }
0x12: {  	s15 =	sadd.s32 s5, s14;
	s14 =	simm.s32 $0x0  }
0x13: {  	[tilespmem:s14], [sflag:$0x2] =	stream.linear.gather [hbm4b:s15+s14], $0xC8, $0x38;
	[tilespmem:$0x12D00] =	vst v63  }
0x14: {  	_ =	swait.ge [sflag:s9], $0xC8  }
0x15: {  	[sflag:s9] =	ssyncset.done $0x0  }
0x16: {  	[sflag:s9] =	ssyncadd.s32 $0xFFFFFF38  }
0x17: {  	v3 =	vld [tilespmem:$0x0];
	_ =	sdelay $0x4  }
0x18: {  	v4 =	vshll.u32 v3, $0x1  }
0x19: {  	v3 =	vand.u32 $0x7, v3;
	v4 =	vand.u32 $0xFFFFFFF0, v4  }
0x1a: {  	v3 =	vor.u32 v3, v4  }
0x1b: {  	v4 =	vperm.xlane v3, v0;
	_ =	sdelay $0x1  }
0x1c: {  	v3 =	vperm.xlane v3, v2;
	v4 =	vadd.s32 v1, v4;
	_ =	sdelay $0x1  }
0x1d: {  	v3 =	vadd.s32 v1, v3;
	_ =	sdelay $0x2  }
0x1e: {  	[tilespmem:s10], [sflag:$0x1] =	stream.indirect_vreg.gather [hbm4b:s1+s14], $0x80, v4, vm0, $0xb8;
	[tilespmem:$0x12D00] =	vst v63  }
0x1f: {  	s17 =	simm.s32 $0x900  }
0x20: {  	[tilespmem:s17], [sflag:$0x1] =	stream.indirect_vreg.gather [hbm4b:s1+s14], $0x80, v3, vm0, $0xb8;
	[tilespmem:$0x12D00] =	vst v63  }
0x21: {  	v3 =	vld [tilespmem:$0x10];
	_ =	sdelay $0x4  }
0x22: {  	v4 =	vshll.u32 v3, $0x1  }
0x23: {  	v3 =	vand.u32 $0x7, v3;
	v4 =	vand.u32 $0xFFFFFFF0, v4  }
0x24: {  	v3 =	vor.u32 v3, v4  }
0x25: {  	v4 =	vperm.xlane v3, v0;
	_ =	sdelay $0x1  }
0x26: {  	v3 =	vperm.xlane v3, v2;
	v4 =	vadd.s32 v1, v4;
	_ =	sdelay $0x1  }
0x27: {  	v3 =	vadd.s32 v1, v3;
	_ =	sdelay $0x1  }
0x28: {  	s18 =	simm.s32 $0x1100  }
0x29: {  	[tilespmem:s18], [sflag:$0x1] =	stream.indirect_vreg.gather [hbm4b:s1+s14], $0x80, v4, vm0, $0xb8;
	[tilespmem:$0x12D00] =	vst v63  }
0x2a: {  	s19 =	simm.s32 $0x1900  }
0x2b: {  	[tilespmem:s19], [sflag:$0x1] =	stream.indirect_vreg.gather [hbm4b:s1+s14], $0x80, v3, vm0, $0xb8;
	[tilespmem:$0x12D00] =	vst v63  }
0x2c: {  	v3 =	vld [tilespmem:$0x20];
	_ =	sdelay $0x4  }
0x2d: {  	v4 =	vshll.u32 v3, $0x1  }
0x2e: {  	v3 =	vand.u32 $0x7, v3;
	v4 =	vand.u32 $0xFFFFFFF0, v4  }
0x2f: {  	v3 =	vor.u32 v3, v4  }
0x30: {  	v4 =	vperm.xlane v3, v0;
	_ =	sdelay $0x1  }
0x31: {  	v3 =	vperm.xlane v3, v2;
	v4 =	vadd.s32 v1, v4;
	_ =	sdelay $0x1  }
0x32: {  	v3 =	vadd.s32 v1, v3;
	_ =	sdelay $0x1  }
0x33: {  	s20 =	simm.s32 $0x2100  }
0x34: {  	[tilespmem:s20], [sflag:$0x1] =	stream.indirect_vreg.gather [hbm4b:s1+s14], $0x80, v4, vm0, $0xb8;
	[tilespmem:$0x12D00] =	vst v63  }
0x35: {  	s16 =	simm.s32 $0x2900  }
0x36: {  	[tilespmem:s16], [sflag:$0x1] =	stream.indirect_vreg.gather [hbm4b:s1+s14], $0x80, v3, vm0, $0xb8;
	[tilespmem:$0x12D00] =	vst v63  }
0x37: {  	v3 =	vld [tilespmem:$0x30];
	_ =	sdelay $0x4  }
0x38: {  	v4 =	vshll.u32 v3, $0x1  }
0x39: {  	v3 =	vand.u32 $0x7, v3;
	v4 =	vand.u32 $0xFFFFFFF0, v4  }
0x3a: {  	v3 =	vor.u32 v3, v4  }
0x3b: {  	v4 =	vperm.xlane v3, v0;
	_ =	sdelay $0x1  }
0x3c: {  	v3 =	vperm.xlane v3, v2;
	v4 =	vadd.s32 v1, v4;
	_ =	sdelay $0x1  }
0x3d: {  	v3 =	vadd.s32 v1, v3;
	_ =	sdelay $0x1  }
0x3e: {  	s17 =	simm.s32 $0x3100  }
0x3f: {  	[tilespmem:s17], [sflag:$0x1] =	stream.indirect_vreg.gather [hbm4b:s1+s14], $0x80, v4, vm0, $0xb8;
	[tilespmem:$0x12D00] =	vst v63  }
0x40: {  	s18 =	simm.s32 $0x3900  }
0x41: {  	[tilespmem:s18], [sflag:$0x1] =	stream.indirect_vreg.gather [hbm4b:s1+s14], $0x80, v3, vm0, $0xb8;
	[tilespmem:$0x12D00] =	vst v63  }
0x42: {  	v3 =	vld [tilespmem:$0x40];
	_ =	sdelay $0x4  }
0x43: {  	v4 =	vshll.u32 v3, $0x1  }
0x44: {  	v3 =	vand.u32 $0x7, v3;
	v4 =	vand.u32 $0xFFFFFFF0, v4  }
0x45: {  	v3 =	vor.u32 v3, v4  }
0x46: {  	v4 =	vperm.xlane v3, v0;
	_ =	sdelay $0x1  }
0x47: {  	v3 =	vperm.xlane v3, v2;
	v4 =	vadd.s32 v1, v4;
	_ =	sdelay $0x1  }
0x48: {  	v3 =	vadd.s32 v1, v3;
	_ =	sdelay $0x1  }
0x49: {  	s19 =	simm.s32 $0x4100  }
0x4a: {  	[tilespmem:s19], [sflag:$0x1] =	stream.indirect_vreg.gather [hbm4b:s1+s14], $0x80, v4, vm0, $0xb8;
	[tilespmem:$0x12D00] =	vst v63  }
0x4b: {  	s20 =	simm.s32 $0x4900  }
0x4c: {  	[tilespmem:s20], [sflag:$0x1] =	stream.indirect_vreg.gather [hbm4b:s1+s14], $0x80, v3, vm0, $0xb8;
	[tilespmem:$0x12D00] =	vst v63  }
0x4d: {  	v3 =	vld [tilespmem:$0x50];
	_ =	sdelay $0x4  }
0x4e: {  	v4 =	vshll.u32 v3, $0x1  }
0x4f: {  	v3 =	vand.u32 $0x7, v3;
	v4 =	vand.u32 $0xFFFFFFF0, v4  }
0x50: {  	v3 =	vor.u32 v3, v4  }
0x51: {  	v4 =	vperm.xlane v3, v0;
	_ =	sdelay $0x1  }
0x52: {  	v3 =	vperm.xlane v3, v2;
	v4 =	vadd.s32 v1, v4;
	_ =	sdelay $0x1  }
0x53: {  	v3 =	vadd.s32 v1, v3;
	_ =	sdelay $0x1  }
0x54: {  	s16 =	simm.s32 $0x5100  }
0x55: {  	[tilespmem:s16], [sflag:$0x1] =	stream.indirect_vreg.gather [hbm4b:s1+s14], $0x80, v4, vm0, $0xb8;
	[tilespmem:$0x12D00] =	vst v63  }
0x56: {  	_ = 	snop  }
0x57: {  	[tilespmem:s21], [sflag:$0x1] =	stream.indirect_vreg.gather [hbm4b:s1+s14], $0x80, v3, vm0, $0xb8;
	[tilespmem:$0x12D00] =	vst v63  }
0x58: {  	v3 =	vld [tilespmem:$0x60];
	_ =	sdelay $0x4  }
0x59: {  	v4 =	vshll.u32 v3, $0x1  }
0x5a: {  	v3 =	vand.u32 $0x7, v3;
	v4 =	vand.u32 $0xFFFFFFF0, v4  }
0x5b: {  	v3 =	vor.u32 v3, v4  }
0x5c: {  	v4 =	vperm.xlane v3, v0;
	_ =	sdelay $0x1  }
0x5d: {  	v3 =	vperm.xlane v3, v2;
	v4 =	vadd.s32 v1, v4;
	_ =	sdelay $0x1  }
0x5e: {  	v3 =	vadd.s32 v1, v3;
	_ =	sdelay $0x2  }
0x5f: {  	[tilespmem:s22], [sflag:$0x1] =	stream.indirect_vreg.gather [hbm4b:s1+s14], $0x80, v4, vm0, $0xb8;
	[tilespmem:$0x12D00] =	vst v63  }
0x60: {  	_ = 	snop  }
0x61: {  	[tilespmem:s23], [sflag:$0x1] =	stream.indirect_vreg.gather [hbm4b:s1+s14], $0x80, v3, vm0, $0xb8;
	[tilespmem:$0x12D00] =	vst v63  }
0x62: {  	v3 =	vld [tilespmem:$0x70];
	_ =	sdelay $0x4  }
0x63: {  	v4 =	vshll.u32 v3, $0x1  }
0x64: {  	v3 =	vand.u32 $0x7, v3;
	v4 =	vand.u32 $0xFFFFFFF0, v4  }
0x65: {  	v3 =	vor.u32 v3, v4  }
0x66: {  	v4 =	vperm.xlane v3, v0;
	_ =	sdelay $0x1  }
0x67: {  	v3 =	vperm.xlane v3, v2;
	v4 =	vadd.s32 v1, v4;
	_ =	sdelay $0x1  }
0x68: {  	v3 =	vadd.s32 v1, v3;
	_ =	sdelay $0x2  }
0x69: {  	[tilespmem:s24], [sflag:$0x1] =	stream.indirect_vreg.gather [hbm4b:s1+s14], $0x80, v4, vm0, $0xb8;
	[tilespmem:$0x12D00] =	vst v63  }
0x6a: {  	_ = 	snop  }
0x6b: {  	[tilespmem:s25], [sflag:$0x1] =	stream.indirect_vreg.gather [hbm4b:s1+s14], $0x80, v3, vm0, $0xb8;
	[tilespmem:$0x12D00] =	vst v63  }
0x6c: {  	v3 =	vld [tilespmem:$0x80];
	_ =	sdelay $0x4  }
0x6d: {  	v4 =	vshll.u32 v3, $0x1  }
0x6e: {  	v3 =	vand.u32 $0x7, v3;
	v4 =	vand.u32 $0xFFFFFFF0, v4  }
0x6f: {  	v3 =	vor.u32 v3, v4  }
0x70: {  	v4 =	vperm.xlane v3, v0;
	_ =	sdelay $0x1  }
0x71: {  	v3 =	vperm.xlane v3, v2;
	v4 =	vadd.s32 v1, v4;
	_ =	sdelay $0x1  }
0x72: {  	v3 =	vadd.s32 v1, v3;
	_ =	sdelay $0x2  }
0x73: {  	[tilespmem:s26], [sflag:$0x1] =	stream.indirect_vreg.gather [hbm4b:s1+s14], $0x80, v4, vm0, $0xb8;
	[tilespmem:$0x12D00] =	vst v63  }
0x74: {  	_ = 	snop  }
0x75: {  	[tilespmem:s28], [sflag:$0x1] =	stream.indirect_vreg.gather [hbm4b:s1+s14], $0x80, v3, vm0, $0xb8;
	[tilespmem:$0x12D00] =	vst v63  }
0x76: {  	v3 =	vld [tilespmem:$0x90];
	_ =	sdelay $0x4  }
0x77: {  	v4 =	vshll.u32 v3, $0x1  }
0x78: {  	v3 =	vand.u32 $0x7, v3;
	v4 =	vand.u32 $0xFFFFFFF0, v4  }
0x79: {  	v3 =	vor.u32 v3, v4  }
0x7a: {  	v4 =	vperm.xlane v3, v0;
	_ =	sdelay $0x1  }
0x7b: {  	v3 =	vperm.xlane v3, v2;
	v4 =	vadd.s32 v1, v4;
	_ =	sdelay $0x1  }
0x7c: {  	v3 =	vadd.s32 v1, v3;
	_ =	sdelay $0x2  }
0x7d: {  	[tilespmem:s29], [sflag:$0x1] =	stream.indirect_vreg.gather [hbm4b:s1+s14], $0x80, v4, vm0, $0xb8;
	[tilespmem:$0x12D00] =	vst v63  }
0x7e: {  	_ = 	snop  }
0x7f: {  	[tilespmem:s30], [sflag:$0x1] =	stream.indirect_vreg.gather [hbm4b:s1+s14], $0x80, v3, vm0, $0xb8;
	[tilespmem:$0x12D00] =	vst v63  }
0x80: {  	v3 =	vld [tilespmem:$0xA0];
	_ =	sdelay $0x4  }
0x81: {  	v4 =	vshll.u32 v3, $0x1  }
0x82: {  	v3 =	vand.u32 $0x7, v3;
	v4 =	vand.u32 $0xFFFFFFF0, v4  }
0x83: {  	v3 =	vor.u32 v3, v4  }
0x84: {  	v4 =	vperm.xlane v3, v0;
	_ =	sdelay $0x1  }
0x85: {  	v3 =	vperm.xlane v3, v2;
	v4 =	vadd.s32 v1, v4;
	_ =	sdelay $0x1  }
0x86: {  	v3 =	vadd.s32 v1, v3;
	_ =	sdelay $0x2  }
0x87: {  	[tilespmem:s31], [sflag:$0x1] =	stream.indirect_vreg.gather [hbm4b:s1+s14], $0x80, v4, vm0, $0xb8;
	[tilespmem:$0x12D00] =	vst v63  }
0x88: {  	_ = 	snop  }
0x89: {  	[tilespmem:s0], [sflag:$0x1] =	stream.indirect_vreg.gather [hbm4b:s1+s14], $0x80, v3, vm0, $0xb8;
	[tilespmem:$0x12D00] =	vst v63  }
0x8a: {  	v3 =	vld [tilespmem:$0xB0];
	_ =	sdelay $0x4  }
0x8b: {  	v4 =	vshll.u32 v3, $0x1  }
0x8c: {  	v3 =	vand.u32 $0x7, v3;
	v4 =	vand.u32 $0xFFFFFFF0, v4  }
0x8d: {  	v3 =	vor.u32 v3, v4  }
0x8e: {  	v4 =	vperm.xlane v3, v0;
	_ =	sdelay $0x1  }
0x8f: {  	v3 =	vperm.xlane v3, v2;
	v4 =	vadd.s32 v1, v4;
	_ =	sdelay $0x1  }
0x90: {  	v3 =	vadd.s32 v1, v3;
	_ =	sdelay $0x2  }
0x91: {  	[tilespmem:s3], [sflag:$0x1] =	stream.indirect_vreg.gather [hbm4b:s1+s14], $0x80, v4, vm0, $0xb8;
	[tilespmem:$0x12D00] =	vst v63  }
0x92: {  	_ = 	snop  }
0x93: {  	[tilespmem:s8], [sflag:$0x1] =	stream.indirect_vreg.gather [hbm4b:s1+s14], $0x80, v3, vm0, $0xb8;
	[tilespmem:$0x12D00] =	vst v63  }
0x94: {  	v3 =	vld.msk [tilespmem:$0xC0], $0xff;
	_ =	sdelay $0x4  }
0x95: {  	v4 =	vshll.u32 v3, $0x1  }
0x96: {  	v3 =	vand.u32 $0x7, v3;
	v4 =	vand.u32 $0xFFFFFFF0, v4  }
0x97: {  	v3 =	vor.u32 v3, v4  }
0x98: {  	v3 =	vperm.xlane v3, v0;
	_ =	sdelay $0x1  }
0x99: {  	v3 =	vadd.s32 v1, v3;
	_ =	sdelay $0x3  }
0x9a: {  	s17 =	sshll.u32 s13, $0x4  }
0x9b: {  	[tilespmem:s2], [sflag:$0x1] =	stream.indirect_vreg.gather [hbm4b:s1+s14], $0x80, v3, vm0, $0xb8;
	[tilespmem:$0x12D00] =	vst v63  }
0x9c: {  	s15 =	sadd.s32 s4, s17;
	s16 =	simm.s32 $0xC900  }
0x9d: {  	[tilespmem:s16], [sflag:$0x2] =	stream.linear.gather [hbm4b:s15+s14], $0x6400, $0x38;
	[tilespmem:$0x12D00] =	vst v63  }
0x9e: {  	_ =	swait.ge [sflag:s9], $0x6400  }
0x9f: {  	[sflag:s9] =	ssyncset.done $0x0  }
0xa0: {  	[sflag:s9] =	ssyncadd.s32 $0xFFFF9C00  }
0xa1: {  	_ =	swait.ge [sflag:s11], $0xC800  }
0xa2: {  	s18 =	sand.u32 $0xF800, s14;
	s14 =	sand.u32 $0x380, s14;
	[sflag:s11] =	ssyncset.done $0x0  }
0xa3: {  	s15 =	sor.u32 s14, s18;
	[sflag:s11] =	ssyncadd.s32 $0xFFFF3800  }
0xa4: {  	v3 =	vld [tilespmem:s15+$0x100]  }
0xa5: {  	v11 =	vld [tilespmem:s15+$0x150]  }
0xa6: {  	v7 =	vld [tilespmem:s15+$0x160]  }
0xa7: {  	v5 =	vld [tilespmem:s15+$0x520]  }
0xa8: {  	v4 =	vld [tilespmem:s15+$0x130]  }
0xa9: {  	v10 =	vld [tilespmem:s16+$0x0]  }
0xaa: {  	v6 =	vld [tilespmem:s15+$0x170]  }
0xab: {  	v17 =	vld [tilespmem:s15+$0x500]  }
0xac: {  	v22 =	vld [tilespmem:s15+$0x140]  }
0xad: {  	v14 =	vld [tilespmem:s15+$0x110]  }
0xae: {  	v19 =	vld [tilespmem:s15+$0x570];
	v20 =	vbroadcast v10, $0x2;
	v12 =	vbroadcast v10, $0x3  }
0xaf: {  	s17 =	simm.s32 $0x80;
	s19 =	simm.s32 $0x100;
	v13 =	vld [tilespmem:s15+$0x540];
	v8 =	vbroadcast v10, $0x5;
	v9 =	vbroadcast v10, $0x7  }
0xb0: {  	s20 =	sand.u32 $0x380, s17;
	s18 =	simm.s32 $0xC980;
	s14 =	sand.u32 $0xF800, s19;
	v15 =	vld [tilespmem:s15+$0x530];
	v16 =	vbroadcast v10, $0x0;
	v21 =	vmul.f32 v7, v12  }
0xb1: {  	s19 =	simm.s32 $0x200;
	s14 =	sor.u32 s20, s14;
	v18 =	vld [tilespmem:s15+$0x120];
	s16 =	simm.s32 $0xC980;
	v22 =	vmul.f32 v22, v20;
	v7 =	vbroadcast v10, $0x4  }
.LBB2_3:
0xb2: {  	p0 =	sne.s32 s19, $0xC700;
	s17 =	sadd.s32 $0x80, s17;
	s18 =	sadd.s32 $0x80, s18;
	v14 =	vmul.f32 v14, v16;
	v11 =	vmul.f32 v11, v20;
	[tilespmem:s15+$0x160] =	vst v21  }
0xb3: {  	s20 =	smov.u32 s19;
	s19 =	sadd.s32 $0x100, s19;
	[tilespmem:s15+$0x140] =	vst v22;
	v17 =	vmul.f32 v17, v7;
	v20 =	vld [tilespmem:s15+$0x550];
	v19 =	vmul.f32 v19, v9  }
0xb4: {  	v21 =	vbroadcast v10, $0x1;
	v10 =	vbroadcast v10, $0x6;
	[tilespmem:s15+$0x150] =	vst v11;
	v11 =	vld [tilespmem:s15+$0x560]  }
0xb5: {  	v3 =	vmul.f32 v16, v3;
	v5 =	vmul.f32 v5, v8;
	[tilespmem:s15+$0x570] =	vst v19  }
0xb6: {  	v4 =	vmul.f32 v4, v21;
	v16 =	vmul.f32 v18, v21;
	[tilespmem:s15+$0x500] =	vst v17  }
0xb7: {  	[tilespmem:s15+$0x100] =	vst v3;
	v3 =	vmul.f32 v6, v12;
	v6 =	vmul.f32 v13, v10  }
0xb8: {  	[tilespmem:s15+$0x520] =	vst v5;
	v5 =	vmul.f32 v15, v8;
	v8 =	vmul.f32 v20, v10  }
0xb9: {  	[tilespmem:s15+$0x170] =	vst v3;
	v10 =	vld [tilespmem:s15+$0x510];
	v9 =	vmul.f32 v11, v9  }
0xba: {  	[tilespmem:s15+$0x550] =	vst v8  }
0xbb: {  	[tilespmem:s15+$0x130] =	vst v4  }
0xbc: {  	[tilespmem:s15+$0x540] =	vst v6  }
0xbd: {  	v3 =	vld [tilespmem:s14+$0x100];
	[tilespmem:s15+$0x560] =	vst v9  }
0xbe: {  	v11 =	vld [tilespmem:s14+$0x150];
	[tilespmem:s15+$0x120] =	vst v16;
	v6 =	vmul.f32 v10, v7  }
0xbf: {  	v7 =	vld [tilespmem:s14+$0x160];
	[tilespmem:s15+$0x530] =	vst v5  }
0xc0: {  	v5 =	vld [tilespmem:s14+$0x520];
	[tilespmem:s15+$0x110] =	vst v14  }
0xc1: {  	v4 =	vld [tilespmem:s14+$0x130];
	[tilespmem:s15+$0x510] =	vst v6;
	s15 =	smov.u32 s14  }
0xc2: {  	s14 =	sand.u32 $0xF800, s20;
	s20 =	sand.u32 $0x380, s17;
	v10 =	vld [tilespmem:s16+$0x0];
	s16 =	smov.u32 s18  }
0xc3: {  	s14 =	sor.u32 s20, s14;
	v6 =	vld [tilespmem:s15+$0x170]  }
0xc4: {  	v17 =	vld [tilespmem:s15+$0x500]  }
0xc5: {  	v22 =	vld [tilespmem:s15+$0x140]  }
.Ltmp0:
0xc6: {  	v14 =	vld [tilespmem:s15+$0x110];
	(pc) =	sbr.rel @p0 .LBB2_3-.Ltmp0, $4  }
0xc7: {  	v20 =	vbroadcast v10, $0x2;
	v12 =	vbroadcast v10, $0x3;
	v19 =	vld [tilespmem:s15+$0x570]  }
0xc8: {  	v8 =	vbroadcast v10, $0x5;
	v9 =	vbroadcast v10, $0x7;
	v13 =	vld [tilespmem:s15+$0x540]  }
0xc9: {  	v16 =	vbroadcast v10, $0x0;
	v21 =	vmul.f32 v7, v12;
	v15 =	vld [tilespmem:s15+$0x530]  }
0xca: {  	v7 =	vbroadcast v10, $0x4;
	v18 =	vld [tilespmem:s15+$0x120];
	v22 =	vmul.f32 v22, v20  }
0xcb: {  	v11 =	vmul.f32 v11, v20;
	[tilespmem:s15+$0x160] =	vst v21  }
0xcc: {  	v3 =	vmul.f32 v16, v3;
	[tilespmem:s15+$0x140] =	vst v22  }
0xcd: {  	v5 =	vmul.f32 v5, v8;
	[tilespmem:s15+$0x150] =	vst v11  }
0xce: {  	v19 =	vmul.f32 v19, v9;
	[tilespmem:s15+$0x100] =	vst v3  }
0xcf: {  	v32 =	vbroadcast v10, $0x1;
	v17 =	vmul.f32 v17, v7;
	[tilespmem:s15+$0x520] =	vst v5  }
0xd0: {  	v3 =	vmul.f32 v6, v12;
	[tilespmem:s15+$0x570] =	vst v19  }
0xd1: {  	v29 =	vld [tilespmem:s15+$0x550];
	v31 =	vbroadcast v10, $0x6;
	v4 =	vmul.f32 v4, v32;
	[tilespmem:s15+$0x500] =	vst v17  }
0xd2: {  	v30 =	vld [tilespmem:s15+$0x560];
	v37 =	vmul.f32 v15, v8;
	[tilespmem:s15+$0x170] =	vst v3  }
0xd3: {  	v34 =	vld [tilespmem:s15+$0x510];
	v3 =	vmul.f32 v13, v31;
	[tilespmem:s15+$0x130] =	vst v4  }
0xd4: {  	v36 =	vmul.f32 v18, v32;
	[tilespmem:s15+$0x530] =	vst v37  }
0xd5: {  	v39 =	vmul.f32 v14, v16;
	v38 =	vld [tilespmem:s14+$0x150];
	[tilespmem:s15+$0x540] =	vst v3  }
0xd6: {  	v33 =	vmul.f32 v29, v31;
	v3 =	vld [tilespmem:s14+$0x100];
	[tilespmem:s15+$0x120] =	vst v36  }
0xd7: {  	v35 =	vmul.f32 v30, v9;
	[tilespmem:s15+$0x110] =	vst v39  }
0xd8: {  	v40 =	vmul.f32 v34, v7;
	[tilespmem:s15+$0x550] =	vst v33  }
0xd9: {  	[tilespmem:s15+$0x560] =	vst v35  }
0xda: {  	v41 =	vld [tilespmem:s14+$0x520];
	[tilespmem:s15+$0x510] =	vst v40  }
0xdb: {  	v4 =	vld [tilespmem:s16+$0x0];
	_ =	sdelay $0x1  }
0xdc: {  	v42 =	vld [tilespmem:s14+$0x160]  }
0xdd: {  	v9 =	vld [tilespmem:s14+$0x140];
	_ =	sdelay $0x1  }
0xde: {  	v46 =	vld [tilespmem:s14+$0x570];
	v45 =	vbroadcast v4, $0x3  }
0xdf: {  	v47 =	vld [tilespmem:s14+$0x500];
	v48 =	vbroadcast v4, $0x2  }
0xe0: {  	v7 =	vmul.f32 v42, v45  }
0xe1: {  	v51 =	vbroadcast v4, $0x7;
	v9 =	vmul.f32 v9, v48  }
0xe2: {  	v55 =	vld [tilespmem:s14+$0x550];
	v53 =	vbroadcast v4, $0x4;
	v5 =	vmul.f32 v38, v48;
	[tilespmem:s14+$0x160] =	vst v7  }
0xe3: {  	v43 =	vld [tilespmem:s14+$0x130];
	v54 =	vbroadcast v4, $0x0;
	v12 =	vmul.f32 v46, v51;
	[tilespmem:s14+$0x140] =	vst v9  }
0xe4: {  	v52 =	vld [tilespmem:s14+$0x120];
	v56 =	vbroadcast v4, $0x5;
	v13 =	vmul.f32 v47, v53;
	[tilespmem:s14+$0x150] =	vst v5  }
0xe5: {  	v49 =	vld [tilespmem:s14+$0x110];
	v59 =	vbroadcast v4, $0x6;
	v3 =	vmul.f32 v54, v3;
	[tilespmem:s14+$0x570] =	vst v12  }
0xe6: {  	v44 =	vld [tilespmem:s14+$0x170];
	v4 =	vbroadcast v4, $0x1;
	v6 =	vmul.f32 v41, v56;
	[tilespmem:s14+$0x500] =	vst v13  }
0xe7: {  	v61 =	vld [tilespmem:s14+$0x510];
	v60 =	vmul.f32 v55, v59;
	[tilespmem:s14+$0x100] =	vst v3  }
0xe8: {  	v50 =	vld [tilespmem:s14+$0x540];
	v8 =	vmul.f32 v43, v4;
	[tilespmem:s14+$0x520] =	vst v6  }
0xe9: {  	v57 =	vld [tilespmem:s14+$0x560];
	v4 =	vmul.f32 v52, v4;
	[tilespmem:s14+$0x550] =	vst v60  }
0xea: {  	v58 =	vld [tilespmem:s14+$0x530];
	v62 =	vmul.f32 v49, v54;
	[tilespmem:s14+$0x130] =	vst v8  }
0xeb: {  	v3 =	vmul.f32 v44, v45;
	[tilespmem:s14+$0x120] =	vst v4  }
0xec: {  	v63 =	vmul.f32 v61, v53;
	[tilespmem:s14+$0x110] =	vst v62  }
0xed: {  	[tilespmem:s14+$0x170] =	vst v3;
	v3 =	vmul.f32 v50, v59  }
0xee: {  	v5 =	vmul.f32 v57, v51;
	[tilespmem:s14+$0x510] =	vst v63  }
0xef: {  	s12 =	sadd.s32 $0x1, s12;
	[tilespmem:s14+$0x540] =	vst v3;
	v3 =	vmul.f32 v58, v56  }
0xf0: {  	s13 =	sshll.u32 s13, $0x5;
	p0 =	sne.s32 s12, $0x19;
	[tilespmem:s14+$0x560] =	vst v5  }
.Ltmp1:
0xf1: {  	s20 =	simm.s32 $0x0;
	s13 =	sadd.s32 s6, s13;
	[tilespmem:s14+$0x530] =	vst v3;
	(pc) =	sbr.rel @p0 .LBB2_2-.Ltmp1, $4  }
0xf2: {  	[hbm4b:s13+s20] =	stream.linear.scatter [tilespmem:s10], [sflag:$0x2], $0xC800, $0x38;
	[tilespmem:$0x12D00] =	vst v63  }
0xf3: {  	_ =	swait.ge [sflag:s9], $0xC800  }
0xf4: {  	[sflag:s9] =	ssyncset.done $0x0  }
0xf5: {  	[sflag:s9] =	ssyncadd.s32 $0xFFFF3800  }
0xf6: {  	s13 =	rddreg [dreg:$0x4]  }
0xf7: {  	s12 =	rddreg [dreg:$0x3];
	s13 =	sadd.s32 $0x1, s13  }
0xf8: {  	p0 =	sne.s32 s13, s12  }
.Ltmp2:
0xf9: {  	_ = 	snop;
	(pc) =	sbr.rel @p0 .LBB2_1-.Ltmp2, $1  }
0xfa: {  	_ =	sdelay $0x3  }
0xfb: {  	_ =	sfence.sel $0x180000  }
0xfc: {  	[bflag:$0x0] =	sbarrier.arrive $0xFFFF  }
0xfd: {  	_ =	strace $0x9000004A  }
0xfe: {  	s0 =	stileid.u32;
	[bflag:$0x2] =	sbarrier.arrive $0xFFFF  }
0xff: {  	p0 =	sne.s32 s0, $0x0;
	s0 =	rddreg [dreg:$0x2]  }
0x100: {  	s0 =	sadd.s32 @!p0 $0x100000, s0  }
0x101: {  	[sflag:s0] =	ssyncadd.tile.s32 @!p0 $0x1;
	_ =	shalt  }
.Lfunc_end2:
_tile_overlayer_lowered:
.L_overlay_start_2:
0x102: {  	(tag) =	ssettag $0x2  }
0x103: {  	s0 =	rddreg [dreg:$0x0];
	s2 =	stileid.u32  }
0x104: {  	s1 =	rddreg [dreg:$0x1];
	p0 =	sne.s32 s2, $0x0  }
0x105: {  	s3 =	rddreg [dreg:$0x2];
	[bflag:$0x3] =	sbarrier.arrive $0xFFFF;
	s2 =	simm.s32 @!p0 $0x1C02  }
0x106: {  	[timem:s3], [sflag:s2] =	dma.local @!p0 [hbm:s0], s1  }
0x107: {  	s0 =	simm.s32 @!p0 $0x2  }
0x108: {  	_ =	swait.ge @!p0 [sflag:s0], s1  }
0x109: {  	s1 =	ssub.s32 @!p0 $0x0, s1;
	[sflag:s0] =	ssyncset.done @!p0 $0x0  }
0x10a: {  	[sflag:s0] =	ssyncadd.s32 @!p0 s1  }
0x10b: {  	[bflag:$0x3] =	sbarrier.arrive $0xFFFF  }
0x10c: {  	_ =	shalt  }

// kernel: kernel.8.cloned.1.call-start
scs
__scs_entry_jumppad:
0x0: {  	(pc) =	sbr.rel $0x88, $3  }
0x1: {  	(tag) =	ssettag $0x0;
	lr =	simm.s32 $0x1  }
0x2: {  	[smem:$0x3F96] =	sst lr;
	_ =	strace $0xD0000000  }
0x3: {  	_ = 	snop  }
0x4: {  	_ = 	snop  }
0x5: {  	_ = 	snop  }
0x6: {  	_ = 	snop  }
0x7: {  	_ = 	snop  }
__scs_overlays_trampoline_lowered:
0x8: {  	[smem:$0x3FA5] =	sst s0  }
0x9: {  	[smem:$0x3FA6] =	sst s1  }
0xa: {  	[smem:$0x3FA7] =	sst s2  }
0xb: {  	[smem:$0x3FA8] =	sst s3  }
0xc: {  	[smem:$0x3FA9] =	sst s4  }
0xd: {  	[smem:$0x3FAA] =	sst s5  }
0xe: {  	[smem:$0x3FAB] =	sst s6  }
0xf: {  	[smem:$0x3FAC] =	sst s7  }
0x10: {  	[smem:$0x3FAD] =	sst s8  }
0x11: {  	[smem:$0x3FAE] =	sst s9;
	s0 =	simm.s32 @!p0 $0x0  }
0x12: {  	s1 =	sld [smem:$0x3F94];
	s0 =	simm.s32 @p0 $0x1  }
0x13: {  	[smem:$0x3FAF] =	sst s0;
	s0 =	simm.s32 @!p1 $0x0  }
0x14: {  	s2 =	sld [smem:$0x3F93];
	s0 =	simm.s32 @p1 $0x1  }
0x15: {  	[smem:$0x3FB0] =	sst s0;
	s0 =	simm.s32 @!p2 $0x0  }
0x16: {  	s3 =	sld [smem:$0x3FDB];
	s0 =	simm.s32 @p2 $0x1  }
0x17: {  	s4 =	simm.s32 $0x1BF5;
	[smem:$0x3FB2] =	sst s0  }
0x18: {  	s0 =	sld [smem:$0x3F95];
	_ =	swait.ge [sflag:s4], $0x0  }
0x19: {  	s7 =	sld [smem:$0x3F96]  }
0x1a: {  	s8 =	sadd.s32 $0xFFFFE003, lr  }
0x1b: {  	s9 =	sadd.s32 $0xFFFFFEF7, lr;
	s5 =	simm.s32 $0xFFFFFFFF;
	p2 =	slt.u32 s8, $0xFFFFF086  }
0x1c: {  	p1 =	slt.u32 s9, $0xF7A;
	s5 =	simm.s32 @!p2 $0x0  }
0x1d: {  	s5 =	simm.s32 @p1 $0x1;
	p0 =	seq.s32 s7, s2  }
0x1e: {  	s7 =	smul.u32 @!p0 $0xF7A, s2;
	p2 =	seq.s32 @!p0 s5, $0x0  }
0x1f: {  	s9 =	smul.u32 $0xF7A, s1;
	s8 =	simm.s32 @!p0 $0x1BF5;
	p2 =	por !p2, p0  }
0x20: {  	[sflag:s8] =	ssyncset.s32 @!p0 $0xFFFFF086;
	s6 =	sadd.s32 @!p0 s3, s7;
	s7 =	simm.s32 @!p0 $0x108  }
0x21: {  	s3 =	sadd.s32 s3, s9;
	s6 =	sadd.s32 @!p0 $0x88, s6;
	s7 =	simm.s32 @p2 $0x1082  }
0x22: {  	[simem:s7], [sflag:s8] =	dma.local @!p0 [hbm:s6], $0xF7A  }
0x23: {  	s9 =	sor.u32 $0xD0000000, s2;
	s6 =	simm.s32 $0x108;
	_ =	swait.ge @!p0 [sflag:s8], $0x0  }
0x24: {  	s3 =	sadd.s32 $0x88, s3;
	s6 =	simm.s32 @!p1 $0x1082;
	[sflag:s4] =	ssyncset.s32 $0xFFFFF086  }
0x25: {  	[simem:s6], [sflag:s4] =	dma.local [hbm:s3], $0xF7A  }
0x26: {  	[smem:$0x3F96] =	sst s1;
	(tag) =	ssettag s2;
	_ =	strace s9  }
0x27: {  	s1 =	sld [smem:$0x3FA6]  }
0x28: {  	s2 =	sld [smem:$0x3FA7]  }
0x29: {  	s4 =	sld [smem:$0x3FA9]  }
0x2a: {  	p0 =	seq.s32 s5, $0x0;
	s5 =	sld [smem:$0x3FAA]  }
0x2b: {  	s6 =	sld [smem:$0x3FAB]  }
0x2c: {  	s7 =	sld [smem:$0x3FAC]  }
0x2d: {  	s3 =	simm.s32 $0x108;
	s8 =	sld [smem:$0x3FAD]  }
0x2e: {  	s3 =	simm.s32 @!p0 $0x1082;
	s9 =	sld [smem:$0x3FAE]  }
0x2f: {  	lr =	sadd.s32 s0, s3;
	s0 =	sld [smem:$0x3FA5]  }
0x30: {  	s3 =	sld [smem:$0x3FA8]  }
0x31: {  	[smem:$0x3FB1] =	sst s10  }
0x32: {  	s10 =	sld [smem:$0x3FAF];
	_ =	sdelay $0x3  }
0x33: {  	p0 =	seq.s32 s10, $0x1;
	s10 =	sld [smem:$0x3FB1];
	_ =	sdelay $0x3  }
0x34: {  	[smem:$0x3FB1] =	sst s10  }
0x35: {  	s10 =	sld [smem:$0x3FB0];
	_ =	sdelay $0x3  }
0x36: {  	p1 =	seq.s32 s10, $0x1;
	s10 =	sld [smem:$0x3FB1];
	_ =	sdelay $0x3  }
0x37: {  	[smem:$0x3FB1] =	sst s10  }
0x38: {  	s10 =	sld [smem:$0x3FB2]  }
0x39: {  	_ = 	snop;
	(pc) =	sbr.ind lr, $3  }
0x3a: {  	_ = 	snop  }
0x3b: {  	_ = 	snop  }
0x3c: {  	p2 =	seq.s32 s10, $0x1;
	s10 =	sld [smem:$0x3FB1]  }
0x3d: {  	_ =	shalt  }
0x3e: {  	_ =	shalt  }
0x3f: {  	_ =	shalt  }
0x40: {  	_ =	shalt  }
0x41: {  	_ =	shalt  }
0x42: {  	_ =	shalt  }
0x43: {  	_ =	shalt  }
0x44: {  	_ =	shalt  }
0x45: {  	_ =	shalt  }
0x46: {  	_ =	shalt  }
0x47: {  	_ =	shalt  }
0x48: {  	_ =	shalt  }
0x49: {  	_ =	shalt  }
0x4a: {  	_ =	shalt  }
0x4b: {  	_ =	shalt  }
0x4c: {  	_ =	shalt  }
0x4d: {  	_ =	shalt  }
0x4e: {  	_ =	shalt  }
0x4f: {  	_ =	shalt  }
0x50: {  	_ =	shalt  }
0x51: {  	_ =	shalt  }
0x52: {  	_ =	shalt  }
0x53: {  	_ =	shalt  }
0x54: {  	_ =	shalt  }
0x55: {  	_ =	shalt  }
0x56: {  	_ =	shalt  }
0x57: {  	_ =	shalt  }
0x58: {  	_ =	shalt  }
0x59: {  	_ =	shalt  }
0x5a: {  	_ =	shalt  }
0x5b: {  	_ =	shalt  }
0x5c: {  	_ =	shalt  }
0x5d: {  	_ =	shalt  }
0x5e: {  	_ =	shalt  }
0x5f: {  	_ =	shalt  }
0x60: {  	_ =	shalt  }
0x61: {  	_ =	shalt  }
0x62: {  	_ =	shalt  }
0x63: {  	_ =	shalt  }
0x64: {  	_ =	shalt  }
0x65: {  	_ =	shalt  }
0x66: {  	_ =	shalt  }
0x67: {  	_ =	shalt  }
0x68: {  	_ =	shalt  }
0x69: {  	_ =	shalt  }
0x6a: {  	_ =	shalt  }
0x6b: {  	_ =	shalt  }
0x6c: {  	_ =	shalt  }
0x6d: {  	_ =	shalt  }
0x6e: {  	_ =	shalt  }
0x6f: {  	_ =	shalt  }
0x70: {  	_ =	shalt  }
0x71: {  	_ =	shalt  }
0x72: {  	_ =	shalt  }
0x73: {  	_ =	shalt  }
0x74: {  	_ =	shalt  }
0x75: {  	_ =	shalt  }
0x76: {  	_ =	shalt  }
0x77: {  	_ =	shalt  }
0x78: {  	_ =	shalt  }
0x79: {  	_ =	shalt  }
0x7a: {  	_ =	shalt  }
0x7b: {  	_ =	shalt  }
0x7c: {  	_ =	shalt  }
0x7d: {  	_ =	shalt  }
0x7e: {  	_ =	shalt  }
0x7f: {  	_ =	shalt  }
0x80: {  	_ =	shalt  }
0x81: {  	_ =	shalt  }
0x82: {  	_ =	shalt  }
0x83: {  	_ =	shalt  }
0x84: {  	_ =	shalt  }
0x85: {  	_ =	shalt  }
0x86: {  	_ =	shalt  }
0x87: {  	_ =	shalt  }
.Lfunc_end0:
.L_simem_size_0:
called_computation.2_lowered:
.L_overlay_start_0:
0x88: {  	s2 =	sld [smem:$0x3FD9]  }
0x89: {  	s3 =	sld [smem:$0x3FFE];
	_ =	sdelay $0x1  }
0x8a: {  	s1 =	srdreg.scid  }
0x8b: {  	s0 =	sand.u32 $0x1, s1  }
0x8c: {  	s16 =	sshll.u32 s0, $0xA;
	s2 =	sadd.s32 s3, s2  }
0x8d: {  	s2 =	sadd.s32 s2, s16  }
0x8e: {  	[smem:$0x3FBD] =	sst s2  }
0x8f: {  	_ = 	snop  }
0x90: {  	(tm) =	ssettm $0x1  }
0x91: {  	s17 =	sld [smem:$0x3FFB];
	_ =	sdelay $0x3  }
0x92: {  	_ =	strace s17  }
0x93: {  	s2 =	sld [smem:$0x3FFC];
	_ =	sdelay $0x3  }
0x94: {  	_ =	strace s2  }
0x95: {  	s2 =	sld [smem:$0x3FFD];
	_ =	sdelay $0x3  }
0x96: {  	_ =	strace s2  }
0x97: {  	_ =	strace $0x8FFFFFFF  }
0x98: {  	s18 =	sld [smem:$0x3FDB];
	_ =	sdelay $0x1  }
0x99: {  	s19 =	simm.s32 $_scs_section_size  }
0x9a: {  	s4 =	simm.s32 $_size__tile_overlayer_lowered;
	s5 =	simm.s32 $_tile_overlayer_lowered  }
0x9b: {  	s22 =	simm.s32 $0x1BFF;
	s21 =	sshll.u32 s5, $0x1;
	s2 =	sadd.s32 s19, s18  }
0x9c: {  	s6 =	simm.s32 $0x0;
	s20 =	sshll.u32 s4, $0x1;
	s4 =	sadd.s32 s21, s2  }
0x9d: {  	[timem:s6], [sflag:s22] =	dma.local [hbm:s4], s20  }
0x9e: {  	_ =	swait.ge [sflag:s22], s20  }
0x9f: {  	s3 =	ssub.s32 $0x0, s20;
	[sflag:s22] =	ssyncset.done $0x0  }
0xa0: {  	[sflag:s22] =	ssyncadd.s32 s3;
	_ =	sdelay $0x1  }
0xa1: {  	s23 =	simm.s32 $0x1B8B  }
0xa2: {  	_ =	swait.ge [sflag:s23], $0x1  }
0xa3: {  	[sflag:s23] =	ssyncset.done $0x0  }
0xa4: {  	s25 =	simm.s32 $0x1B8E;
	s24 =	sld [smem:$0x3FFE];
	[sflag:s23] =	ssyncadd.s32 $0xFFFFFFFF  }
0xa5: {  	s26 =	simm.s32 $execute0_lowered;
	[smem:$0x3FD2] =	sst s25  }
0xa6: {  	s4 =	sshll.u32 s26, $0x1;
	_ =	strace $0x80000046;
	[dreg:$0x1] =	wrdreg $0xFFFFFFFF  }
0xa7: {  	s28 =	simm.s32 $_size_execute0_lowered;
	s2 =	sadd.s32 s2, s4;
	[dreg:$0x0] =	wrdreg $0x0  }
0xa8: {  	s4 =	sshll.u32 s28, $0x1;
	[dreg:$0x2] =	wrdreg s2  }
0xa9: {  	[dreg:$0x3] =	wrdreg s4  }
0xaa: {  	[dreg:$0x4] =	wrdreg $0xC0  }
0xab: {  	_ =	task [dreg:s6], $0x5FFFF  }
0xac: {  	[dreg:$0x1] =	wrdreg $0xFFFFFFFF  }
0xad: {  	[dreg:$0x0] =	wrdreg $0x60  }
0xae: {  	[dreg:$0x2] =	wrdreg s24  }
0xaf: {  	[dreg:$0x3] =	wrdreg $0x9  }
0xb0: {  	_ =	task.clear_ibuf [dreg:s6], $0x4FFFF;
	_ =	strace $0x90000046  }
0xb1: {  	s29 =	simm.s32 $0x9;
	_ =	strace $0x80000048  }
0xb2: {  	_ =	swait.ge [sflag:s29], $0x1  }
0xb3: {  	[sflag:s29] =	ssyncadd.s32 $0xFFFFFFFF  }
0xb4: {  	_ =	strace $0x90000048  }
0xb5: {  	_ =	sfence  }
0xb6: {  	s30 =	sld [smem:$0x0];
	_ =	sdelay $0x2  }
0xb7: {  	s31 =	sshll.u32 s1, $0xD;
	s1 =	sshrl.u32 s1, $0x2  }
0xb8: {  	s3 =	sand.u32 $0x4000, s31;
	s1 =	sadd.s32 s1, s30  }
0xb9: {  	s0 =	sor.u32 s3, s0;
	s1 =	sshll.u32 s1, $0x11  }
0xba: {  	s0 =	sor.u32 s1, s0  }
0xbb: {  	s0 =	sadd.s32 $0x8F2B, s0  }
0xbc: {  	[sflag:s0] =	ssyncadd.remote.s32 $0x1  }
0xbd: {  	_ =	sfence.sel $0xFFFF  }
0xbe: {  	[dreg:$0x0] =	wrdreg $0xFFFFFFFF;
	(pc) =	sbr.abs _section_cstart, $3  }
0xbf: {  	[dreg:$0x1] =	wrdreg $0xFFFFFFFF  }
0xc0: {  	_ =	task.clear_ibuf [dreg:s6], $0x2FFFF;
	_ =	strace $0x9FFFFFFF  }
0xc1: {  	(tm) =	ssettm $0x7FFFFFFF  }
tec
execute0_lowered:
.L_overlay_start_1:
0x0: {  	(tag) =	ssettag $0x1  }
0x1: {  	s0 =	rddreg [dreg:$0x0];
	s1 =	simm.s32 $0x0;
	s25 =	srdreg.scid  }
0x2: {  	s9 =	stileid.u32;
	s10 =	simm.s32 $0x3;
	s12 =	simm.s32 $0x200  }
0x3: {  	s28 =	simm.s32 $0x13200;
	s29 =	simm.s32 $0x13A00;
	s30 =	simm.s32 $0x14200  }
0x4: {  	s31 =	simm.s32 $0x14A00;
	s11 =	simm.s32 $0x17200;
	s13 =	simm.s32 $0x17A00  }
0x5: {  	s14 =	simm.s32 $0x18200;
	s15 =	simm.s32 $0x18A00;
	s16 =	simm.s32 $0x1  }
0x6: {  	s17 =	simm.s32 $0x2;
	s19 =	simm.s32 $0x0;
	[smem:$0x7FF] =	sst s1  }
0x7: {  	s2 =	sadd.s32 $0x58E00, s0;
	s3 =	sadd.s32 $0xAC00, s0;
	s1 =	sand.u32 $0x1, s25  }
0x8: {  	s5 =	sadd.s32 $0xC00, s0;
	s6 =	sadd.s32 $0x5C00, s0;
	s7 =	sadd.s32 $0xA7000, s0  }
0x9: {  	s25 =	simm.s32 $0x12200;
	s4 =	ssub.s32 $0x2, s1;
	s1 =	sshll.u32 s1, $0x4  }
0xa: {  	_ =	strace $0x80000047;
	s8 =	sshrl.u32 s4, $0x1;
	s1 =	sor.u32 s9, s1  }
0xb: {  	v2 =	vlaneseq.u32;
	s9 =	simm.s32 $0x16200;
	s26 =	ssub.s32 s4, s8;
	s8 =	smul.u32 $0x1388, s1  }
0xc: {  	vm0 =	vmmov $0xffff;
	v1 =	vshrl.u32 v2, $0x3;
	s4 =	simm.s32 $0x15A00;
	s1 =	simm.s32 $0x16A00;
	s0 =	smax.u32 s26, $0x1  }
0xd: {  	v0 =	vand.u32 $0x7, v2;
	v2 =	vor.u32 $0x8, v2;
	v1 =	vmul.u32 $0x8, v1;
	s26 =	simm.s32 $0x12A00;
	[dreg:$0x2] =	wrdreg s0;
	s0 =	simm.s32 $0x15200  }
.LBB2_1:
0xe: {  	[dreg:$0x3] =	wrdreg s19;
	s18 =	simm.s32 $0x0  }
.LBB2_2:
0xf: {  	s19 =	smul.u32 $0xC8, s18;
	_ =	sdelay $0x1  }
0x10: {  	s19 =	sadd.s32 s8, s19  }
0x11: {  	s21 =	sshrl.u32 s19, $0x3  }
0x12: {  	s20 =	simm.s32 $0x0;
	s22 =	sadd.s32 s5, s21  }
0x13: {  	[tilespmem:s20], [sflag:$0x3] =	stream.linear.gather [hbm4b:s22+s20], $0xC8, $0x38;
	[tilespmem:$0x19200] =	vst v63  }
0x14: {  	_ =	swait.ge [sflag:s10], $0xC8  }
0x15: {  	[sflag:s10] =	ssyncset.done $0x0  }
0x16: {  	s24 =	simm.s32 $0x100;
	s21 =	sadd.s32 s6, s21;
	[sflag:s10] =	ssyncadd.s32 $0xFFFFFF38  }
0x17: {  	[tilespmem:s24], [sflag:$0x3] =	stream.linear.gather [hbm4b:s21+s20], $0xC8, $0x38;
	[tilespmem:$0x19200] =	vst v63  }
0x18: {  	_ =	swait.ge [sflag:s10], $0xC8  }
0x19: {  	[sflag:s10] =	ssyncset.done $0x0  }
0x1a: {  	[sflag:s10] =	ssyncadd.s32 $0xFFFFFF38  }
0x1b: {  	v3 =	vld [tilespmem:$0x0];
	_ =	sdelay $0x4  }
0x1c: {  	v4 =	vshll.u32 v3, $0x1  }
0x1d: {  	v3 =	vand.u32 $0x7, v3;
	v4 =	vand.u32 $0xFFFFFFF0, v4  }
0x1e: {  	v3 =	vor.u32 v3, v4  }
0x1f: {  	v4 =	vperm.xlane v3, v0;
	_ =	sdelay $0x1  }
0x20: {  	v3 =	vperm.xlane v3, v2;
	v4 =	vadd.s32 v1, v4;
	_ =	sdelay $0x1  }
0x21: {  	v3 =	vadd.s32 v1, v3;
	_ =	sdelay $0x2  }
0x22: {  	[tilespmem:s12], [sflag:$0x1] =	stream.indirect_vreg.gather [hbm4b:s2+s20], $0x80, v4, vm0, $0xb8;
	[tilespmem:$0x19200] =	vst v63  }
0x23: {  	s22 =	simm.s32 $0xA00  }
0x24: {  	[tilespmem:s22], [sflag:$0x1] =	stream.indirect_vreg.gather [hbm4b:s2+s20], $0x80, v3, vm0, $0xb8;
	[tilespmem:$0x19200] =	vst v63  }
0x25: {  	v3 =	vld [tilespmem:$0x10];
	_ =	sdelay $0x4  }
0x26: {  	v4 =	vshll.u32 v3, $0x1  }
0x27: {  	v3 =	vand.u32 $0x7, v3;
	v4 =	vand.u32 $0xFFFFFFF0, v4  }
0x28: {  	v3 =	vor.u32 v3, v4  }
0x29: {  	v4 =	vperm.xlane v3, v0;
	_ =	sdelay $0x1  }
0x2a: {  	v3 =	vperm.xlane v3, v2;
	v4 =	vadd.s32 v1, v4;
	_ =	sdelay $0x1  }
0x2b: {  	v3 =	vadd.s32 v1, v3;
	_ =	sdelay $0x1  }
0x2c: {  	s23 =	simm.s32 $0x1200  }
0x2d: {  	[tilespmem:s23], [sflag:$0x1] =	stream.indirect_vreg.gather [hbm4b:s2+s20], $0x80, v4, vm0, $0xb8;
	[tilespmem:$0x19200] =	vst v63  }
0x2e: {  	s24 =	simm.s32 $0x1A00  }
0x2f: {  	[tilespmem:s24], [sflag:$0x1] =	stream.indirect_vreg.gather [hbm4b:s2+s20], $0x80, v3, vm0, $0xb8;
	[tilespmem:$0x19200] =	vst v63  }
0x30: {  	v3 =	vld [tilespmem:$0x20];
	_ =	sdelay $0x4  }
0x31: {  	v4 =	vshll.u32 v3, $0x1  }
0x32: {  	v3 =	vand.u32 $0x7, v3;
	v4 =	vand.u32 $0xFFFFFFF0, v4  }
0x33: {  	v3 =	vor.u32 v3, v4  }
0x34: {  	v4 =	vperm.xlane v3, v0;
	_ =	sdelay $0x1  }
0x35: {  	v3 =	vperm.xlane v3, v2;
	v4 =	vadd.s32 v1, v4;
	_ =	sdelay $0x1  }
0x36: {  	v3 =	vadd.s32 v1, v3;
	_ =	sdelay $0x1  }
0x37: {  	s22 =	simm.s32 $0x2200  }
0x38: {  	[tilespmem:s22], [sflag:$0x1] =	stream.indirect_vreg.gather [hbm4b:s2+s20], $0x80, v4, vm0, $0xb8;
	[tilespmem:$0x19200] =	vst v63  }
0x39: {  	s23 =	simm.s32 $0x2A00  }
0x3a: {  	[tilespmem:s23], [sflag:$0x1] =	stream.indirect_vreg.gather [hbm4b:s2+s20], $0x80, v3, vm0, $0xb8;
	[tilespmem:$0x19200] =	vst v63  }
0x3b: {  	v3 =	vld [tilespmem:$0x30];
	_ =	sdelay $0x4  }
0x3c: {  	v4 =	vshll.u32 v3, $0x1  }
0x3d: {  	v3 =	vand.u32 $0x7, v3;
	v4 =	vand.u32 $0xFFFFFFF0, v4  }
0x3e: {  	v3 =	vor.u32 v3, v4  }
0x3f: {  	v4 =	vperm.xlane v3, v0;
	_ =	sdelay $0x1  }
0x40: {  	v3 =	vperm.xlane v3, v2;
	v4 =	vadd.s32 v1, v4;
	_ =	sdelay $0x1  }
0x41: {  	v3 =	vadd.s32 v1, v3;
	_ =	sdelay $0x1  }
0x42: {  	s24 =	simm.s32 $0x3200  }
0x43: {  	[tilespmem:s24], [sflag:$0x1] =	stream.indirect_vreg.gather [hbm4b:s2+s20], $0x80, v4, vm0, $0xb8;
	[tilespmem:$0x19200] =	vst v63  }
0x44: {  	s22 =	simm.s32 $0x3A00  }
0x45: {  	[tilespmem:s22], [sflag:$0x1] =	stream.indirect_vreg.gather [hbm4b:s2+s20], $0x80, v3, vm0, $0xb8;
	[tilespmem:$0x19200] =	vst v63  }
0x46: {  	v3 =	vld [tilespmem:$0x40];
	_ =	sdelay $0x4  }
0x47: {  	v4 =	vshll.u32 v3, $0x1  }
0x48: {  	v3 =	vand.u32 $0x7, v3;
	v4 =	vand.u32 $0xFFFFFFF0, v4  }
0x49: {  	v3 =	vor.u32 v3, v4  }
0x4a: {  	v4 =	vperm.xlane v3, v0;
	_ =	sdelay $0x1  }
0x4b: {  	v3 =	vperm.xlane v3, v2;
	v4 =	vadd.s32 v1, v4;
	_ =	sdelay $0x1  }
0x4c: {  	v3 =	vadd.s32 v1, v3;
	_ =	sdelay $0x1  }
0x4d: {  	s23 =	simm.s32 $0x4200  }
0x4e: {  	[tilespmem:s23], [sflag:$0x1] =	stream.indirect_vreg.gather [hbm4b:s2+s20], $0x80, v4, vm0, $0xb8;
	[tilespmem:$0x19200] =	vst v63  }
0x4f: {  	s24 =	simm.s32 $0x4A00  }
0x50: {  	[tilespmem:s24], [sflag:$0x1] =	stream.indirect_vreg.gather [hbm4b:s2+s20], $0x80, v3, vm0, $0xb8;
	[tilespmem:$0x19200] =	vst v63  }
0x51: {  	v3 =	vld [tilespmem:$0x50];
	_ =	sdelay $0x4  }
0x52: {  	v4 =	vshll.u32 v3, $0x1  }
0x53: {  	v3 =	vand.u32 $0x7, v3;
	v4 =	vand.u32 $0xFFFFFFF0, v4  }
0x54: {  	v3 =	vor.u32 v3, v4  }
0x55: {  	v4 =	vperm.xlane v3, v0;
	_ =	sdelay $0x1  }
0x56: {  	v3 =	vperm.xlane v3, v2;
	v4 =	vadd.s32 v1, v4;
	_ =	sdelay $0x1  }
0x57: {  	v3 =	vadd.s32 v1, v3;
	_ =	sdelay $0x1  }
0x58: {  	s22 =	simm.s32 $0x5200  }
0x59: {  	[tilespmem:s22], [sflag:$0x1] =	stream.indirect_vreg.gather [hbm4b:s2+s20], $0x80, v4, vm0, $0xb8;
	[tilespmem:$0x19200] =	vst v63  }
0x5a: {  	s23 =	simm.s32 $0x5A00  }
0x5b: {  	[tilespmem:s23], [sflag:$0x1] =	stream.indirect_vreg.gather [hbm4b:s2+s20], $0x80, v3, vm0, $0xb8;
	[tilespmem:$0x19200] =	vst v63  }
0x5c: {  	v3 =	vld [tilespmem:$0x60];
	_ =	sdelay $0x4  }
0x5d: {  	v4 =	vshll.u32 v3, $0x1  }
0x5e: {  	v3 =	vand.u32 $0x7, v3;
	v4 =	vand.u32 $0xFFFFFFF0, v4  }
0x5f: {  	v3 =	vor.u32 v3, v4  }
0x60: {  	v4 =	vperm.xlane v3, v0;
	_ =	sdelay $0x1  }
0x61: {  	v3 =	vperm.xlane v3, v2;
	v4 =	vadd.s32 v1, v4;
	_ =	sdelay $0x1  }
0x62: {  	v3 =	vadd.s32 v1, v3;
	_ =	sdelay $0x1  }
0x63: {  	s24 =	simm.s32 $0x6200  }
0x64: {  	[tilespmem:s24], [sflag:$0x1] =	stream.indirect_vreg.gather [hbm4b:s2+s20], $0x80, v4, vm0, $0xb8;
	[tilespmem:$0x19200] =	vst v63  }
0x65: {  	s22 =	simm.s32 $0x6A00  }
0x66: {  	[tilespmem:s22], [sflag:$0x1] =	stream.indirect_vreg.gather [hbm4b:s2+s20], $0x80, v3, vm0, $0xb8;
	[tilespmem:$0x19200] =	vst v63  }
0x67: {  	v3 =	vld [tilespmem:$0x70];
	_ =	sdelay $0x4  }
0x68: {  	v4 =	vshll.u32 v3, $0x1  }
0x69: {  	v3 =	vand.u32 $0x7, v3;
	v4 =	vand.u32 $0xFFFFFFF0, v4  }
0x6a: {  	v3 =	vor.u32 v3, v4  }
0x6b: {  	v4 =	vperm.xlane v3, v0;
	_ =	sdelay $0x1  }
0x6c: {  	v3 =	vperm.xlane v3, v2;
	v4 =	vadd.s32 v1, v4;
	_ =	sdelay $0x1  }
0x6d: {  	v3 =	vadd.s32 v1, v3;
	_ =	sdelay $0x1  }
0x6e: {  	s23 =	simm.s32 $0x7200  }
0x6f: {  	[tilespmem:s23], [sflag:$0x1] =	stream.indirect_vreg.gather [hbm4b:s2+s20], $0x80, v4, vm0, $0xb8;
	[tilespmem:$0x19200] =	vst v63  }
0x70: {  	s24 =	simm.s32 $0x7A00  }
0x71: {  	[tilespmem:s24], [sflag:$0x1] =	stream.indirect_vreg.gather [hbm4b:s2+s20], $0x80, v3, vm0, $0xb8;
	[tilespmem:$0x19200] =	vst v63  }
0x72: {  	v3 =	vld [tilespmem:$0x80];
	_ =	sdelay $0x4  }
0x73: {  	v4 =	vshll.u32 v3, $0x1  }
0x74: {  	v3 =	vand.u32 $0x7, v3;
	v4 =	vand.u32 $0xFFFFFFF0, v4  }
0x75: {  	v3 =	vor.u32 v3, v4  }
0x76: {  	v4 =	vperm.xlane v3, v0;
	_ =	sdelay $0x1  }
0x77: {  	v3 =	vperm.xlane v3, v2;
	v4 =	vadd.s32 v1, v4;
	_ =	sdelay $0x1  }
0x78: {  	v3 =	vadd.s32 v1, v3;
	_ =	sdelay $0x1  }
0x79: {  	s22 =	simm.s32 $0x8200  }
0x7a: {  	[tilespmem:s22], [sflag:$0x1] =	stream.indirect_vreg.gather [hbm4b:s2+s20], $0x80, v4, vm0, $0xb8;
	[tilespmem:$0x19200] =	vst v63  }
0x7b: {  	s23 =	simm.s32 $0x8A00  }
0x7c: {  	[tilespmem:s23], [sflag:$0x1] =	stream.indirect_vreg.gather [hbm4b:s2+s20], $0x80, v3, vm0, $0xb8;
	[tilespmem:$0x19200] =	vst v63  }
0x7d: {  	v3 =	vld [tilespmem:$0x90];
	_ =	sdelay $0x4  }
0x7e: {  	v4 =	vshll.u32 v3, $0x1  }
0x7f: {  	v3 =	vand.u32 $0x7, v3;
	v4 =	vand.u32 $0xFFFFFFF0, v4  }
0x80: {  	v3 =	vor.u32 v3, v4  }
0x81: {  	v4 =	vperm.xlane v3, v0;
	_ =	sdelay $0x1  }
0x82: {  	v3 =	vperm.xlane v3, v2;
	v4 =	vadd.s32 v1, v4;
	_ =	sdelay $0x1  }
0x83: {  	v3 =	vadd.s32 v1, v3;
	_ =	sdelay $0x1  }
0x84: {  	s24 =	simm.s32 $0x9200  }
0x85: {  	[tilespmem:s24], [sflag:$0x1] =	stream.indirect_vreg.gather [hbm4b:s2+s20], $0x80, v4, vm0, $0xb8;
	[tilespmem:$0x19200] =	vst v63  }
0x86: {  	s22 =	simm.s32 $0x9A00  }
0x87: {  	[tilespmem:s22], [sflag:$0x1] =	stream.indirect_vreg.gather [hbm4b:s2+s20], $0x80, v3, vm0, $0xb8;
	[tilespmem:$0x19200] =	vst v63  }
0x88: {  	v3 =	vld [tilespmem:$0xA0];
	_ =	sdelay $0x4  }
0x89: {  	v4 =	vshll.u32 v3, $0x1  }
0x8a: {  	v3 =	vand.u32 $0x7, v3;
	v4 =	vand.u32 $0xFFFFFFF0, v4  }
0x8b: {  	v3 =	vor.u32 v3, v4  }
0x8c: {  	v4 =	vperm.xlane v3, v0;
	_ =	sdelay $0x1  }
0x8d: {  	v3 =	vperm.xlane v3, v2;
	v4 =	vadd.s32 v1, v4;
	_ =	sdelay $0x1  }
0x8e: {  	v3 =	vadd.s32 v1, v3;
	_ =	sdelay $0x1  }
0x8f: {  	s23 =	simm.s32 $0xA200  }
0x90: {  	[tilespmem:s23], [sflag:$0x1] =	stream.indirect_vreg.gather [hbm4b:s2+s20], $0x80, v4, vm0, $0xb8;
	[tilespmem:$0x19200] =	vst v63  }
0x91: {  	s24 =	simm.s32 $0xAA00  }
0x92: {  	[tilespmem:s24], [sflag:$0x1] =	stream.indirect_vreg.gather [hbm4b:s2+s20], $0x80, v3, vm0, $0xb8;
	[tilespmem:$0x19200] =	vst v63  }
0x93: {  	v3 =	vld [tilespmem:$0xB0];
	_ =	sdelay $0x4  }
0x94: {  	v4 =	vshll.u32 v3, $0x1  }
0x95: {  	v3 =	vand.u32 $0x7, v3;
	v4 =	vand.u32 $0xFFFFFFF0, v4  }
0x96: {  	v3 =	vor.u32 v3, v4  }
0x97: {  	v4 =	vperm.xlane v3, v0;
	_ =	sdelay $0x1  }
0x98: {  	v3 =	vperm.xlane v3, v2;
	v4 =	vadd.s32 v1, v4;
	_ =	sdelay $0x1  }
0x99: {  	v3 =	vadd.s32 v1, v3;
	_ =	sdelay $0x1  }
0x9a: {  	s22 =	simm.s32 $0xB200  }
0x9b: {  	[tilespmem:s22], [sflag:$0x1] =	stream.indirect_vreg.gather [hbm4b:s2+s20], $0x80, v4, vm0, $0xb8;
	[tilespmem:$0x19200] =	vst v63  }
0x9c: {  	s23 =	simm.s32 $0xBA00  }
0x9d: {  	[tilespmem:s23], [sflag:$0x1] =	stream.indirect_vreg.gather [hbm4b:s2+s20], $0x80, v3, vm0, $0xb8;
	[tilespmem:$0x19200] =	vst v63  }
0x9e: {  	v3 =	vld.msk [tilespmem:$0xC0], $0xff;
	_ =	sdelay $0x4  }
0x9f: {  	v4 =	vshll.u32 v3, $0x1  }
0xa0: {  	v3 =	vand.u32 $0x7, v3;
	v4 =	vand.u32 $0xFFFFFFF0, v4  }
0xa1: {  	v3 =	vor.u32 v3, v4  }
0xa2: {  	v3 =	vperm.xlane v3, v0;
	_ =	sdelay $0x1  }
0xa3: {  	v3 =	vadd.s32 v1, v3;
	_ =	sdelay $0x3  }
0xa4: {  	s24 =	simm.s32 $0xC200  }
0xa5: {  	[tilespmem:s24], [sflag:$0x1] =	stream.indirect_vreg.gather [hbm4b:s2+s20], $0x80, v3, vm0, $0xb8;
	[tilespmem:$0x19200] =	vst v63  }
0xa6: {  	v3 =	vld [tilespmem:$0x100];
	_ =	sdelay $0x4  }
0xa7: {  	v4 =	vshll.u32 v3, $0x1  }
0xa8: {  	v3 =	vand.u32 $0x7, v3;
	v4 =	vand.u32 $0xFFFFFFF0, v4  }
0xa9: {  	v3 =	vor.u32 v3, v4  }
0xaa: {  	v4 =	vperm.xlane v3, v0;
	_ =	sdelay $0x1  }
0xab: {  	v3 =	vperm.xlane v3, v2;
	v4 =	vadd.s32 v1, v4;
	_ =	sdelay $0x1  }
0xac: {  	v3 =	vadd.s32 v1, v3;
	_ =	sdelay $0x1  }
0xad: {  	s22 =	simm.s32 $0xCA00  }
0xae: {  	[tilespmem:s22], [sflag:$0x2] =	stream.indirect_vreg.gather [hbm4b:s3+s20], $0x80, v4, vm0, $0xb8;
	[tilespmem:$0x19200] =	vst v63  }
0xaf: {  	s23 =	simm.s32 $0xD200  }
0xb0: {  	[tilespmem:s23], [sflag:$0x2] =	stream.indirect_vreg.gather [hbm4b:s3+s20], $0x80, v3, vm0, $0xb8;
	[tilespmem:$0x19200] =	vst v63  }
0xb1: {  	v3 =	vld [tilespmem:$0x110];
	_ =	sdelay $0x4  }
0xb2: {  	v4 =	vshll.u32 v3, $0x1  }
0xb3: {  	v3 =	vand.u32 $0x7, v3;
	v4 =	vand.u32 $0xFFFFFFF0, v4  }
0xb4: {  	v3 =	vor.u32 v3, v4  }
0xb5: {  	v4 =	vperm.xlane v3, v0;
	_ =	sdelay $0x1  }
0xb6: {  	v3 =	vperm.xlane v3, v2;
	v4 =	vadd.s32 v1, v4;
	_ =	sdelay $0x1  }
0xb7: {  	v3 =	vadd.s32 v1, v3;
	_ =	sdelay $0x1  }
0xb8: {  	s24 =	simm.s32 $0xDA00  }
0xb9: {  	[tilespmem:s24], [sflag:$0x2] =	stream.indirect_vreg.gather [hbm4b:s3+s20], $0x80, v4, vm0, $0xb8;
	[tilespmem:$0x19200] =	vst v63  }
0xba: {  	s22 =	simm.s32 $0xE200  }
0xbb: {  	[tilespmem:s22], [sflag:$0x2] =	stream.indirect_vreg.gather [hbm4b:s3+s20], $0x80, v3, vm0, $0xb8;
	[tilespmem:$0x19200] =	vst v63  }
0xbc: {  	v3 =	vld [tilespmem:$0x120];
	_ =	sdelay $0x4  }
0xbd: {  	v4 =	vshll.u32 v3, $0x1  }
0xbe: {  	v3 =	vand.u32 $0x7, v3;
	v4 =	vand.u32 $0xFFFFFFF0, v4  }
0xbf: {  	v3 =	vor.u32 v3, v4  }
0xc0: {  	v4 =	vperm.xlane v3, v0;
	_ =	sdelay $0x1  }
0xc1: {  	v3 =	vperm.xlane v3, v2;
	v4 =	vadd.s32 v1, v4;
	_ =	sdelay $0x1  }
0xc2: {  	v3 =	vadd.s32 v1, v3;
	_ =	sdelay $0x1  }
0xc3: {  	s23 =	simm.s32 $0xEA00  }
0xc4: {  	[tilespmem:s23], [sflag:$0x2] =	stream.indirect_vreg.gather [hbm4b:s3+s20], $0x80, v4, vm0, $0xb8;
	[tilespmem:$0x19200] =	vst v63  }
0xc5: {  	s24 =	simm.s32 $0xF200  }
0xc6: {  	[tilespmem:s24], [sflag:$0x2] =	stream.indirect_vreg.gather [hbm4b:s3+s20], $0x80, v3, vm0, $0xb8;
	[tilespmem:$0x19200] =	vst v63  }
0xc7: {  	v3 =	vld [tilespmem:$0x130];
	_ =	sdelay $0x4  }
0xc8: {  	v4 =	vshll.u32 v3, $0x1  }
0xc9: {  	v3 =	vand.u32 $0x7, v3;
	v4 =	vand.u32 $0xFFFFFFF0, v4  }
0xca: {  	v3 =	vor.u32 v3, v4  }
0xcb: {  	v4 =	vperm.xlane v3, v0;
	_ =	sdelay $0x1  }
0xcc: {  	v3 =	vperm.xlane v3, v2;
	v4 =	vadd.s32 v1, v4;
	_ =	sdelay $0x1  }
0xcd: {  	v3 =	vadd.s32 v1, v3;
	_ =	sdelay $0x1  }
0xce: {  	s22 =	simm.s32 $0xFA00  }
0xcf: {  	[tilespmem:s22], [sflag:$0x2] =	stream.indirect_vreg.gather [hbm4b:s3+s20], $0x80, v4, vm0, $0xb8;
	[tilespmem:$0x19200] =	vst v63  }
0xd0: {  	s23 =	simm.s32 $0x10200  }
0xd1: {  	[tilespmem:s23], [sflag:$0x2] =	stream.indirect_vreg.gather [hbm4b:s3+s20], $0x80, v3, vm0, $0xb8;
	[tilespmem:$0x19200] =	vst v63  }
0xd2: {  	v3 =	vld [tilespmem:$0x140];
	_ =	sdelay $0x4  }
0xd3: {  	v4 =	vshll.u32 v3, $0x1  }
0xd4: {  	v3 =	vand.u32 $0x7, v3;
	v4 =	vand.u32 $0xFFFFFFF0, v4  }
0xd5: {  	v3 =	vor.u32 v3, v4  }
0xd6: {  	v4 =	vperm.xlane v3, v0;
	_ =	sdelay $0x1  }
0xd7: {  	v3 =	vperm.xlane v3, v2;
	v4 =	vadd.s32 v1, v4;
	_ =	sdelay $0x1  }
0xd8: {  	v3 =	vadd.s32 v1, v3;
	_ =	sdelay $0x1  }
0xd9: {  	s24 =	simm.s32 $0x10A00  }
0xda: {  	[tilespmem:s24], [sflag:$0x2] =	stream.indirect_vreg.gather [hbm4b:s3+s20], $0x80, v4, vm0, $0xb8;
	[tilespmem:$0x19200] =	vst v63  }
0xdb: {  	s22 =	simm.s32 $0x11200  }
0xdc: {  	[tilespmem:s22], [sflag:$0x2] =	stream.indirect_vreg.gather [hbm4b:s3+s20], $0x80, v3, vm0, $0xb8;
	[tilespmem:$0x19200] =	vst v63  }
0xdd: {  	v3 =	vld [tilespmem:$0x150];
	_ =	sdelay $0x4  }
0xde: {  	v4 =	vshll.u32 v3, $0x1  }
0xdf: {  	v3 =	vand.u32 $0x7, v3;
	v4 =	vand.u32 $0xFFFFFFF0, v4  }
0xe0: {  	v3 =	vor.u32 v3, v4  }
0xe1: {  	v4 =	vperm.xlane v3, v0;
	_ =	sdelay $0x1  }
0xe2: {  	v3 =	vperm.xlane v3, v2;
	v4 =	vadd.s32 v1, v4;
	_ =	sdelay $0x1  }
0xe3: {  	v3 =	vadd.s32 v1, v3;
	_ =	sdelay $0x1  }
0xe4: {  	s23 =	simm.s32 $0x11A00  }
0xe5: {  	[tilespmem:s23], [sflag:$0x2] =	stream.indirect_vreg.gather [hbm4b:s3+s20], $0x80, v4, vm0, $0xb8;
	[tilespmem:$0x19200] =	vst v63  }
0xe6: {  	_ = 	snop  }
0xe7: {  	[tilespmem:s25], [sflag:$0x2] =	stream.indirect_vreg.gather [hbm4b:s3+s20], $0x80, v3, vm0, $0xb8;
	[tilespmem:$0x19200] =	vst v63  }
0xe8: {  	v3 =	vld [tilespmem:$0x160];
	_ =	sdelay $0x4  }
0xe9: {  	v4 =	vshll.u32 v3, $0x1  }
0xea: {  	v3 =	vand.u32 $0x7, v3;
	v4 =	vand.u32 $0xFFFFFFF0, v4  }
0xeb: {  	v3 =	vor.u32 v3, v4  }
0xec: {  	v4 =	vperm.xlane v3, v0;
	_ =	sdelay $0x1  }
0xed: {  	v3 =	vperm.xlane v3, v2;
	v4 =	vadd.s32 v1, v4;
	_ =	sdelay $0x1  }
0xee: {  	v3 =	vadd.s32 v1, v3;
	_ =	sdelay $0x2  }
0xef: {  	[tilespmem:s26], [sflag:$0x2] =	stream.indirect_vreg.gather [hbm4b:s3+s20], $0x80, v4, vm0, $0xb8;
	[tilespmem:$0x19200] =	vst v63  }
0xf0: {  	_ = 	snop  }
0xf1: {  	[tilespmem:s28], [sflag:$0x2] =	stream.indirect_vreg.gather [hbm4b:s3+s20], $0x80, v3, vm0, $0xb8;
	[tilespmem:$0x19200] =	vst v63  }
0xf2: {  	v3 =	vld [tilespmem:$0x170];
	_ =	sdelay $0x4  }
0xf3: {  	v4 =	vshll.u32 v3, $0x1  }
0xf4: {  	v3 =	vand.u32 $0x7, v3;
	v4 =	vand.u32 $0xFFFFFFF0, v4  }
0xf5: {  	v3 =	vor.u32 v3, v4  }
0xf6: {  	v4 =	vperm.xlane v3, v0;
	_ =	sdelay $0x1  }
0xf7: {  	v3 =	vperm.xlane v3, v2;
	v4 =	vadd.s32 v1, v4;
	_ =	sdelay $0x1  }
0xf8: {  	v3 =	vadd.s32 v1, v3;
	_ =	sdelay $0x2  }
0xf9: {  	[tilespmem:s29], [sflag:$0x2] =	stream.indirect_vreg.gather [hbm4b:s3+s20], $0x80, v4, vm0, $0xb8;
	[tilespmem:$0x19200] =	vst v63  }
0xfa: {  	_ = 	snop  }
0xfb: {  	[tilespmem:s30], [sflag:$0x2] =	stream.indirect_vreg.gather [hbm4b:s3+s20], $0x80, v3, vm0, $0xb8;
	[tilespmem:$0x19200] =	vst v63  }
0xfc: {  	v3 =	vld [tilespmem:$0x180];
	_ =	sdelay $0x4  }
0xfd: {  	v4 =	vshll.u32 v3, $0x1  }
0xfe: {  	v3 =	vand.u32 $0x7, v3;
	v4 =	vand.u32 $0xFFFFFFF0, v4  }
0xff: {  	v3 =	vor.u32 v3, v4  }
0x100: {  	v4 =	vperm.xlane v3, v0;
	_ =	sdelay $0x1  }
0x101: {  	v3 =	vperm.xlane v3, v2;
	v4 =	vadd.s32 v1, v4;
	_ =	sdelay $0x1  }
0x102: {  	v3 =	vadd.s32 v1, v3;
	_ =	sdelay $0x2  }
0x103: {  	[tilespmem:s31], [sflag:$0x2] =	stream.indirect_vreg.gather [hbm4b:s3+s20], $0x80, v4, vm0, $0xb8;
	[tilespmem:$0x19200] =	vst v63  }
0x104: {  	_ = 	snop  }
0x105: {  	[tilespmem:s0], [sflag:$0x2] =	stream.indirect_vreg.gather [hbm4b:s3+s20], $0x80, v3, vm0, $0xb8;
	[tilespmem:$0x19200] =	vst v63  }
0x106: {  	v3 =	vld [tilespmem:$0x190];
	_ =	sdelay $0x4  }
0x107: {  	v4 =	vshll.u32 v3, $0x1  }
0x108: {  	v3 =	vand.u32 $0x7, v3;
	v4 =	vand.u32 $0xFFFFFFF0, v4  }
0x109: {  	v3 =	vor.u32 v3, v4  }
0x10a: {  	v4 =	vperm.xlane v3, v0;
	_ =	sdelay $0x1  }
0x10b: {  	v3 =	vperm.xlane v3, v2;
	v4 =	vadd.s32 v1, v4;
	_ =	sdelay $0x1  }
0x10c: {  	v3 =	vadd.s32 v1, v3;
	_ =	sdelay $0x2  }
0x10d: {  	[tilespmem:s4], [sflag:$0x2] =	stream.indirect_vreg.gather [hbm4b:s3+s20], $0x80, v4, vm0, $0xb8;
	[tilespmem:$0x19200] =	vst v63  }
0x10e: {  	_ = 	snop  }
0x10f: {  	[tilespmem:s9], [sflag:$0x2] =	stream.indirect_vreg.gather [hbm4b:s3+s20], $0x80, v3, vm0, $0xb8;
	[tilespmem:$0x19200] =	vst v63  }
0x110: {  	v3 =	vld [tilespmem:$0x1A0];
	_ =	sdelay $0x4  }
0x111: {  	v4 =	vshll.u32 v3, $0x1  }
0x112: {  	v3 =	vand.u32 $0x7, v3;
	v4 =	vand.u32 $0xFFFFFFF0, v4  }
0x113: {  	v3 =	vor.u32 v3, v4  }
0x114: {  	v4 =	vperm.xlane v3, v0;
	_ =	sdelay $0x1  }
0x115: {  	v3 =	vperm.xlane v3, v2;
	v4 =	vadd.s32 v1, v4;
	_ =	sdelay $0x1  }
0x116: {  	v3 =	vadd.s32 v1, v3;
	_ =	sdelay $0x2  }
0x117: {  	[tilespmem:s1], [sflag:$0x2] =	stream.indirect_vreg.gather [hbm4b:s3+s20], $0x80, v4, vm0, $0xb8;
	[tilespmem:$0x19200] =	vst v63  }
0x118: {  	_ = 	snop  }
0x119: {  	[tilespmem:s11], [sflag:$0x2] =	stream.indirect_vreg.gather [hbm4b:s3+s20], $0x80, v3, vm0, $0xb8;
	[tilespmem:$0x19200] =	vst v63  }
0x11a: {  	v3 =	vld [tilespmem:$0x1B0];
	_ =	sdelay $0x4  }
0x11b: {  	v4 =	vshll.u32 v3, $0x1  }
0x11c: {  	v3 =	vand.u32 $0x7, v3;
	v4 =	vand.u32 $0xFFFFFFF0, v4  }
0x11d: {  	v3 =	vor.u32 v3, v4  }
0x11e: {  	v4 =	vperm.xlane v3, v0;
	_ =	sdelay $0x1  }
0x11f: {  	v3 =	vperm.xlane v3, v2;
	v4 =	vadd.s32 v1, v4;
	_ =	sdelay $0x1  }
0x120: {  	v3 =	vadd.s32 v1, v3;
	_ =	sdelay $0x2  }
0x121: {  	[tilespmem:s13], [sflag:$0x2] =	stream.indirect_vreg.gather [hbm4b:s3+s20], $0x80, v4, vm0, $0xb8;
	[tilespmem:$0x19200] =	vst v63  }
0x122: {  	_ = 	snop  }
0x123: {  	[tilespmem:s14], [sflag:$0x2] =	stream.indirect_vreg.gather [hbm4b:s3+s20], $0x80, v3, vm0, $0xb8;
	[tilespmem:$0x19200] =	vst v63  }
0x124: {  	v3 =	vld.msk [tilespmem:$0x1C0], $0xff;
	_ =	sdelay $0x4  }
0x125: {  	v4 =	vshll.u32 v3, $0x1  }
0x126: {  	v3 =	vand.u32 $0x7, v3;
	v4 =	vand.u32 $0xFFFFFFF0, v4  }
0x127: {  	v3 =	vor.u32 v3, v4  }
0x128: {  	v3 =	vperm.xlane v3, v0;
	_ =	sdelay $0x1  }
0x129: {  	v3 =	vadd.s32 v1, v3;
	_ =	sdelay $0x4  }
0x12a: {  	[tilespmem:s15], [sflag:$0x2] =	stream.indirect_vreg.gather [hbm4b:s3+s20], $0x80, v3, vm0, $0xb8;
	[tilespmem:$0x19200] =	vst v63  }
0x12b: {  	_ =	swait.ge [sflag:s16], $0xC800  }
0x12c: {  	[sflag:s16] =	ssyncset.done $0x0  }
0x12d: {  	[sflag:s16] =	ssyncadd.s32 $0xFFFF3800  }
0x12e: {  	_ =	swait.ge [sflag:s17], $0xC800  }
0x12f: {  	s24 =	sand.u32 $0xF800, s20;
	s20 =	sand.u32 $0x380, s20;
	[sflag:s17] =	ssyncset.done $0x0  }
0x130: {  	s20 =	sor.u32 s20, s24;
	[sflag:s17] =	ssyncadd.s32 $0xFFFF3800  }
0x131: {  	v10 =	vld [tilespmem:s20+$0xCA00]  }
0x132: {  	v11 =	vld [tilespmem:s20+$0xCA10]  }
0x133: {  	v12 =	vld [tilespmem:s20+$0xCA20]  }
0x134: {  	v13 =	vld [tilespmem:s20+$0xCA30]  }
0x135: {  	v14 =	vld [tilespmem:s20+$0xCA40]  }
0x136: {  	v15 =	vld [tilespmem:s20+$0xCA50]  }
0x137: {  	v16 =	vld [tilespmem:s20+$0xCA60]  }
0x138: {  	v17 =	vld [tilespmem:s20+$0xCA70]  }
0x139: {  	v18 =	vld [tilespmem:s20+$0xCE00]  }
0x13a: {  	v9 =	vld [tilespmem:s20+$0xCE10]  }
0x13b: {  	v8 =	vld [tilespmem:s20+$0xCE20]  }
0x13c: {  	v7 =	vld [tilespmem:s20+$0xCE30]  }
0x13d: {  	v6 =	vld [tilespmem:s20+$0xCE40]  }
0x13e: {  	v5 =	vld [tilespmem:s20+$0xCE50]  }
0x13f: {  	v4 =	vld [tilespmem:s20+$0xCE60]  }
0x140: {  	v3 =	vld [tilespmem:s20+$0xCE70]  }
0x141: {  	v19 =	vld [tilespmem:s20+$0x200]  }
0x142: {  	v20 =	vld [tilespmem:s20+$0x210]  }
0x143: {  	v21 =	vld [tilespmem:s20+$0x220]  }
0x144: {  	v22 =	vld [tilespmem:s20+$0x230]  }
0x145: {  	v23 =	vld [tilespmem:s20+$0x240]  }
0x146: {  	v10 =	vmul.f32 v10, v19;
	v19 =	vld [tilespmem:s20+$0x250]  }
0x147: {  	v61 =	vld [tilespmem:s20+$0x260];
	v11 =	vmul.f32 v11, v20  }
0x148: {  	v62 =	vld [tilespmem:s20+$0x270];
	[tilespmem:s20+$0x200] =	vst v10;
	v10 =	vmul.f32 v12, v21  }
0x149: {  	v63 =	vld [tilespmem:s20+$0x600];
	[tilespmem:s20+$0x210] =	vst v11;
	v11 =	vmul.f32 v13, v22  }
0x14a: {  	v13 =	vld [tilespmem:s20+$0x610];
	[tilespmem:s20+$0x220] =	vst v10;
	v10 =	vmul.f32 v14, v23  }
0x14b: {  	v12 =	vld [tilespmem:s20+$0x620];
	[tilespmem:s20+$0x230] =	vst v11;
	v11 =	vmul.f32 v15, v19  }
0x14c: {  	v14 =	vmul.f32 v16, v61;
	[tilespmem:s20+$0x240] =	vst v10;
	v10 =	vld [tilespmem:s20+$0x630]  }
0x14d: {  	v16 =	vmul.f32 v17, v62;
	[tilespmem:s20+$0x250] =	vst v11;
	v11 =	vld [tilespmem:s20+$0x640]  }
0x14e: {  	s21 =	simm.s32 $0x80;
	s22 =	simm.s32 $0x100;
	v15 =	vmul.f32 v18, v63;
	[tilespmem:s20+$0x260] =	vst v14;
	v14 =	vld [tilespmem:s20+$0x650]  }
.LBB2_3:
0x14f: {  	s23 =	sand.u32 $0xF800, s22;
	s24 =	sand.u32 $0x380, s21;
	p0 =	sne.s32 s22, $0xC700;
	[tilespmem:s20+$0x270] =	vst v16;
	v9 =	vmul.f32 v9, v13;
	v13 =	vld [tilespmem:s20+$0x660]  }
0x150: {  	s23 =	sor.u32 s24, s23;
	[tilespmem:s20+$0x600] =	vst v15;
	v8 =	vmul.f32 v8, v12;
	v12 =	vld [tilespmem:s20+$0x670]  }
0x151: {  	v15 =	vld [tilespmem:s23+$0xCA00];
	[tilespmem:s20+$0x610] =	vst v9;
	v7 =	vmul.f32 v7, v10  }
0x152: {  	v10 =	vld [tilespmem:s23+$0xCA10];
	[tilespmem:s20+$0x620] =	vst v8;
	v6 =	vmul.f32 v6, v11  }
0x153: {  	v11 =	vld [tilespmem:s23+$0xCA20];
	[tilespmem:s20+$0x630] =	vst v7;
	v5 =	vmul.f32 v5, v14  }
0x154: {  	v14 =	vld [tilespmem:s23+$0xCA30];
	[tilespmem:s20+$0x640] =	vst v6;
	v4 =	vmul.f32 v4, v13  }
0x155: {  	v13 =	vld [tilespmem:s23+$0xCA40];
	[tilespmem:s20+$0x650] =	vst v5;
	v3 =	vmul.f32 v3, v12  }
0x156: {  	v12 =	vld [tilespmem:s23+$0xCA50];
	[tilespmem:s20+$0x660] =	vst v4  }
0x157: {  	v16 =	vld [tilespmem:s23+$0xCA60];
	[tilespmem:s20+$0x670] =	vst v3;
	s20 =	smov.u32 s23  }
0x158: {  	v17 =	vld [tilespmem:s20+$0xCA70]  }
0x159: {  	v18 =	vld [tilespmem:s20+$0xCE00]  }
0x15a: {  	v9 =	vld [tilespmem:s20+$0xCE10]  }
0x15b: {  	v8 =	vld [tilespmem:s20+$0xCE20]  }
0x15c: {  	v7 =	vld [tilespmem:s20+$0xCE30]  }
0x15d: {  	v6 =	vld [tilespmem:s20+$0xCE40]  }
0x15e: {  	v5 =	vld [tilespmem:s20+$0xCE50]  }
0x15f: {  	v4 =	vld [tilespmem:s20+$0xCE60]  }
0x160: {  	v3 =	vld [tilespmem:s20+$0xCE70]  }
0x161: {  	v19 =	vld [tilespmem:s20+$0x200]  }
0x162: {  	v20 =	vld [tilespmem:s20+$0x210]  }
0x163: {  	v21 =	vld [tilespmem:s20+$0x220]  }
0x164: {  	v22 =	vld [tilespmem:s20+$0x230]  }
0x165: {  	v23 =	vld [tilespmem:s20+$0x240]  }
0x166: {  	v15 =	vmul.f32 v15, v19;
	v19 =	vld [tilespmem:s20+$0x250]  }
0x167: {  	v10 =	vmul.f32 v10, v20;
	v20 =	vld [tilespmem:s20+$0x260]  }
0x168: {  	[tilespmem:s20+$0x200] =	vst v15;
	v11 =	vmul.f32 v11, v21;
	v15 =	vld [tilespmem:s20+$0x270]  }
0x169: {  	[tilespmem:s20+$0x210] =	vst v10;
	v10 =	vmul.f32 v14, v22;
	v14 =	vld [tilespmem:s20+$0x600]  }
.Ltmp0:
0x16a: {  	[tilespmem:s20+$0x220] =	vst v11;
	v11 =	vmul.f32 v13, v23;
	v13 =	vld [tilespmem:s20+$0x610];
	(pc) =	sbr.rel @p0 .LBB2_3-.Ltmp0, $4  }
0x16b: {  	[tilespmem:s20+$0x230] =	vst v10;
	v19 =	vmul.f32 v12, v19;
	v12 =	vld [tilespmem:s20+$0x620]  }
0x16c: {  	[tilespmem:s20+$0x240] =	vst v11;
	v20 =	vmul.f32 v16, v20;
	v10 =	vld [tilespmem:s20+$0x630]  }
0x16d: {  	[tilespmem:s20+$0x250] =	vst v19;
	v16 =	vmul.f32 v17, v15;
	v11 =	vld [tilespmem:s20+$0x640]  }
0x16e: {  	s21 =	sadd.s32 $0x80, s21;
	s22 =	sadd.s32 $0x100, s22;
	[tilespmem:s20+$0x260] =	vst v20;
	v15 =	vmul.f32 v18, v14;
	v14 =	vld [tilespmem:s20+$0x650]  }
0x16f: {  	[tilespmem:s20+$0x270] =	vst v16;
	v9 =	vmul.f32 v9, v13;
	v62 =	vld [tilespmem:s20+$0x660]  }
0x170: {  	v63 =	vld [tilespmem:s20+$0x670];
	[tilespmem:s20+$0x600] =	vst v15;
	v8 =	vmul.f32 v8, v12  }
0x171: {  	[tilespmem:s20+$0x610] =	vst v9;
	v7 =	vmul.f32 v7, v10  }
0x172: {  	[tilespmem:s20+$0x620] =	vst v8;
	v6 =	vmul.f32 v6, v11  }
0x173: {  	[tilespmem:s20+$0x630] =	vst v7;
	v5 =	vmul.f32 v5, v14  }
0x174: {  	[tilespmem:s20+$0x640] =	vst v6;
	v4 =	vmul.f32 v4, v62  }
0x175: {  	s18 =	sadd.s32 $0x1, s18;
	v3 =	vmul.f32 v3, v63;
	[tilespmem:s20+$0x650] =	vst v5  }
0x176: {  	s19 =	sshll.u32 s19, $0x5;
	p0 =	sne.s32 s18, $0x19;
	[tilespmem:s20+$0x660] =	vst v4  }
.Ltmp1:
0x177: {  	s24 =	simm.s32 $0x0;
	s19 =	sadd.s32 s7, s19;
	[tilespmem:s20+$0x670] =	vst v3;
	(pc) =	sbr.rel @p0 .LBB2_2-.Ltmp1, $4  }
0x178: {  	[hbm4b:s19+s24] =	stream.linear.scatter [tilespmem:s12], [sflag:$0x3], $0xC800, $0x38;
	[tilespmem:$0x19200] =	vst v63  }
0x179: {  	_ =	swait.ge [sflag:s10], $0xC800  }
0x17a: {  	[sflag:s10] =	ssyncset.done $0x0  }
0x17b: {  	[sflag:s10] =	ssyncadd.s32 $0xFFFF3800  }
0x17c: {  	s19 =	rddreg [dreg:$0x3]  }
0x17d: {  	s18 =	rddreg [dreg:$0x2];
	s19 =	sadd.s32 $0x1, s19  }
0x17e: {  	p0 =	sne.s32 s19, s18  }
.Ltmp2:
0x17f: {  	_ = 	snop;
	(pc) =	sbr.rel @p0 .LBB2_1-.Ltmp2, $1  }
0x180: {  	_ =	sdelay $0x3  }
0x181: {  	_ =	sfence.sel $0x180000  }
0x182: {  	[bflag:$0x0] =	sbarrier.arrive $0xFFFF  }
0x183: {  	_ =	strace $0x90000047  }
0x184: {  	s0 =	stileid.u32;
	[bflag:$0x2] =	sbarrier.arrive $0xFFFF  }
0x185: {  	p0 =	sne.s32 s0, $0x0;
	s0 =	rddreg [dreg:$0x1]  }
0x186: {  	s0 =	sadd.s32 @!p0 $0x100000, s0  }
0x187: {  	[sflag:s0] =	ssyncadd.tile.s32 @!p0 $0x1;
	_ =	shalt  }
.Lfunc_end2:
_tile_overlayer_lowered:
.L_overlay_start_2:
0x188: {  	(tag) =	ssettag $0x2  }
0x189: {  	s0 =	rddreg [dreg:$0x0];
	s2 =	stileid.u32  }
0x18a: {  	s1 =	rddreg [dreg:$0x1];
	p0 =	sne.s32 s2, $0x0  }
0x18b: {  	s3 =	rddreg [dreg:$0x2];
	[bflag:$0x3] =	sbarrier.arrive $0xFFFF;
	s2 =	simm.s32 @!p0 $0x1C03  }
0x18c: {  	[timem:s3], [sflag:s2] =	dma.local @!p0 [hbm:s0], s1  }
0x18d: {  	s0 =	simm.s32 @!p0 $0x3  }
0x18e: {  	_ =	swait.ge @!p0 [sflag:s0], s1  }
0x18f: {  	s1 =	ssub.s32 @!p0 $0x0, s1;
	[sflag:s0] =	ssyncset.done @!p0 $0x0  }
0x190: {  	[sflag:s0] =	ssyncadd.s32 @!p0 s1  }
0x191: {  	[bflag:$0x3] =	sbarrier.arrive $0xFFFF  }
0x192: {  	_ =	shalt  }

// kernel: scatter_offload_async_start
scs
__scs_entry_jumppad:
0x0: {  	(pc) =	sbr.rel $0x88, $3  }
0x1: {  	(tag) =	ssettag $0x0;
	lr =	simm.s32 $0x1  }
0x2: {  	[smem:$0x3F96] =	sst lr;
	_ =	strace $0xD0000000  }
0x3: {  	_ = 	snop  }
0x4: {  	_ = 	snop  }
0x5: {  	_ = 	snop  }
0x6: {  	_ = 	snop  }
0x7: {  	_ = 	snop  }
__scs_overlays_trampoline_lowered:
0x8: {  	[smem:$0x3FA5] =	sst s0  }
0x9: {  	[smem:$0x3FA6] =	sst s1  }
0xa: {  	[smem:$0x3FA7] =	sst s2  }
0xb: {  	[smem:$0x3FA8] =	sst s3  }
0xc: {  	[smem:$0x3FA9] =	sst s4  }
0xd: {  	[smem:$0x3FAA] =	sst s5  }
0xe: {  	[smem:$0x3FAB] =	sst s6  }
0xf: {  	[smem:$0x3FAC] =	sst s7  }
0x10: {  	[smem:$0x3FAD] =	sst s8  }
0x11: {  	[smem:$0x3FAE] =	sst s9;
	s0 =	simm.s32 @!p0 $0x0  }
0x12: {  	s1 =	sld [smem:$0x3F94];
	s0 =	simm.s32 @p0 $0x1  }
0x13: {  	[smem:$0x3FAF] =	sst s0;
	s0 =	simm.s32 @!p1 $0x0  }
0x14: {  	s2 =	sld [smem:$0x3F93];
	s0 =	simm.s32 @p1 $0x1  }
0x15: {  	[smem:$0x3FB0] =	sst s0;
	s0 =	simm.s32 @!p2 $0x0  }
0x16: {  	s3 =	sld [smem:$0x3FDB];
	s0 =	simm.s32 @p2 $0x1  }
0x17: {  	s4 =	simm.s32 $0x1BF5;
	[smem:$0x3FB2] =	sst s0  }
0x18: {  	s0 =	sld [smem:$0x3F95];
	_ =	swait.ge [sflag:s4], $0x0  }
0x19: {  	s7 =	sld [smem:$0x3F96]  }
0x1a: {  	s8 =	sadd.s32 $0xFFFFE003, lr  }
0x1b: {  	s9 =	sadd.s32 $0xFFFFFEF7, lr;
	s5 =	simm.s32 $0xFFFFFFFF;
	p2 =	slt.u32 s8, $0xFFFFF086  }
0x1c: {  	p1 =	slt.u32 s9, $0xF7A;
	s5 =	simm.s32 @!p2 $0x0  }
0x1d: {  	s5 =	simm.s32 @p1 $0x1;
	p0 =	seq.s32 s7, s2  }
0x1e: {  	s7 =	smul.u32 @!p0 $0xF7A, s2;
	p2 =	seq.s32 @!p0 s5, $0x0  }
0x1f: {  	s9 =	smul.u32 $0xF7A, s1;
	s8 =	simm.s32 @!p0 $0x1BF5;
	p2 =	por !p2, p0  }
0x20: {  	[sflag:s8] =	ssyncset.s32 @!p0 $0xFFFFF086;
	s6 =	sadd.s32 @!p0 s3, s7;
	s7 =	simm.s32 @!p0 $0x108  }
0x21: {  	s3 =	sadd.s32 s3, s9;
	s6 =	sadd.s32 @!p0 $0x88, s6;
	s7 =	simm.s32 @p2 $0x1082  }
0x22: {  	[simem:s7], [sflag:s8] =	dma.local @!p0 [hbm:s6], $0xF7A  }
0x23: {  	s9 =	sor.u32 $0xD0000000, s2;
	s6 =	simm.s32 $0x108;
	_ =	swait.ge @!p0 [sflag:s8], $0x0  }
0x24: {  	s3 =	sadd.s32 $0x88, s3;
	s6 =	simm.s32 @!p1 $0x1082;
	[sflag:s4] =	ssyncset.s32 $0xFFFFF086  }
0x25: {  	[simem:s6], [sflag:s4] =	dma.local [hbm:s3], $0xF7A  }
0x26: {  	[smem:$0x3F96] =	sst s1;
	(tag) =	ssettag s2;
	_ =	strace s9  }
0x27: {  	s1 =	sld [smem:$0x3FA6]  }
0x28: {  	s2 =	sld [smem:$0x3FA7]  }
0x29: {  	s4 =	sld [smem:$0x3FA9]  }
0x2a: {  	p0 =	seq.s32 s5, $0x0;
	s5 =	sld [smem:$0x3FAA]  }
0x2b: {  	s6 =	sld [smem:$0x3FAB]  }
0x2c: {  	s7 =	sld [smem:$0x3FAC]  }
0x2d: {  	s3 =	simm.s32 $0x108;
	s8 =	sld [smem:$0x3FAD]  }
0x2e: {  	s3 =	simm.s32 @!p0 $0x1082;
	s9 =	sld [smem:$0x3FAE]  }
0x2f: {  	lr =	sadd.s32 s0, s3;
	s0 =	sld [smem:$0x3FA5]  }
0x30: {  	s3 =	sld [smem:$0x3FA8]  }
0x31: {  	[smem:$0x3FB1] =	sst s10  }
0x32: {  	s10 =	sld [smem:$0x3FAF];
	_ =	sdelay $0x3  }
0x33: {  	p0 =	seq.s32 s10, $0x1;
	s10 =	sld [smem:$0x3FB1];
	_ =	sdelay $0x3  }
0x34: {  	[smem:$0x3FB1] =	sst s10  }
0x35: {  	s10 =	sld [smem:$0x3FB0];
	_ =	sdelay $0x3  }
0x36: {  	p1 =	seq.s32 s10, $0x1;
	s10 =	sld [smem:$0x3FB1];
	_ =	sdelay $0x3  }
0x37: {  	[smem:$0x3FB1] =	sst s10  }
0x38: {  	s10 =	sld [smem:$0x3FB2]  }
0x39: {  	_ = 	snop;
	(pc) =	sbr.ind lr, $3  }
0x3a: {  	_ = 	snop  }
0x3b: {  	_ = 	snop  }
0x3c: {  	p2 =	seq.s32 s10, $0x1;
	s10 =	sld [smem:$0x3FB1]  }
0x3d: {  	_ =	shalt  }
0x3e: {  	_ =	shalt  }
0x3f: {  	_ =	shalt  }
0x40: {  	_ =	shalt  }
0x41: {  	_ =	shalt  }
0x42: {  	_ =	shalt  }
0x43: {  	_ =	shalt  }
0x44: {  	_ =	shalt  }
0x45: {  	_ =	shalt  }
0x46: {  	_ =	shalt  }
0x47: {  	_ =	shalt  }
0x48: {  	_ =	shalt  }
0x49: {  	_ =	shalt  }
0x4a: {  	_ =	shalt  }
0x4b: {  	_ =	shalt  }
0x4c: {  	_ =	shalt  }
0x4d: {  	_ =	shalt  }
0x4e: {  	_ =	shalt  }
0x4f: {  	_ =	shalt  }
0x50: {  	_ =	shalt  }
0x51: {  	_ =	shalt  }
0x52: {  	_ =	shalt  }
0x53: {  	_ =	shalt  }
0x54: {  	_ =	shalt  }
0x55: {  	_ =	shalt  }
0x56: {  	_ =	shalt  }
0x57: {  	_ =	shalt  }
0x58: {  	_ =	shalt  }
0x59: {  	_ =	shalt  }
0x5a: {  	_ =	shalt  }
0x5b: {  	_ =	shalt  }
0x5c: {  	_ =	shalt  }
0x5d: {  	_ =	shalt  }
0x5e: {  	_ =	shalt  }
0x5f: {  	_ =	shalt  }
0x60: {  	_ =	shalt  }
0x61: {  	_ =	shalt  }
0x62: {  	_ =	shalt  }
0x63: {  	_ =	shalt  }
0x64: {  	_ =	shalt  }
0x65: {  	_ =	shalt  }
0x66: {  	_ =	shalt  }
0x67: {  	_ =	shalt  }
0x68: {  	_ =	shalt  }
0x69: {  	_ =	shalt  }
0x6a: {  	_ =	shalt  }
0x6b: {  	_ =	shalt  }
0x6c: {  	_ =	shalt  }
0x6d: {  	_ =	shalt  }
0x6e: {  	_ =	shalt  }
0x6f: {  	_ =	shalt  }
0x70: {  	_ =	shalt  }
0x71: {  	_ =	shalt  }
0x72: {  	_ =	shalt  }
0x73: {  	_ =	shalt  }
0x74: {  	_ =	shalt  }
0x75: {  	_ =	shalt  }
0x76: {  	_ =	shalt  }
0x77: {  	_ =	shalt  }
0x78: {  	_ =	shalt  }
0x79: {  	_ =	shalt  }
0x7a: {  	_ =	shalt  }
0x7b: {  	_ =	shalt  }
0x7c: {  	_ =	shalt  }
0x7d: {  	_ =	shalt  }
0x7e: {  	_ =	shalt  }
0x7f: {  	_ =	shalt  }
0x80: {  	_ =	shalt  }
0x81: {  	_ =	shalt  }
0x82: {  	_ =	shalt  }
0x83: {  	_ =	shalt  }
0x84: {  	_ =	shalt  }
0x85: {  	_ =	shalt  }
0x86: {  	_ =	shalt  }
0x87: {  	_ =	shalt  }
.Lfunc_end0:
.L_simem_size_0:
called_computation_lowered:
.L_overlay_start_0:
0x88: {  	s2 =	sld [smem:$0x3FD9]  }
0x89: {  	s3 =	sld [smem:$0x3FFE];
	_ =	sdelay $0x1  }
0x8a: {  	s1 =	srdreg.scid  }
0x8b: {  	s0 =	sand.u32 $0x1, s1  }
0x8c: {  	s17 =	sshll.u32 s0, $0xA;
	s2 =	sadd.s32 s3, s2  }
0x8d: {  	s2 =	sadd.s32 s2, s17  }
0x8e: {  	[smem:$0x3FBD] =	sst s2  }
0x8f: {  	_ = 	snop  }
0x90: {  	s18 =	sld [smem:$0x3FD0];
	(tm) =	ssettm $0x1  }
0x91: {  	s19 =	sld [smem:$0x3FFB];
	_ =	sdelay $0x3  }
0x92: {  	_ =	strace s19  }
0x93: {  	s2 =	sld [smem:$0x3FFC];
	_ =	sdelay $0x3  }
0x94: {  	_ =	strace s2  }
0x95: {  	s2 =	sld [smem:$0x3FFD];
	_ =	sdelay $0x3  }
0x96: {  	_ =	strace s2  }
0x97: {  	_ =	strace $0x8FFFFFFF  }
0x98: {  	s20 =	sld [smem:$0x3FDB];
	_ =	sdelay $0x1  }
0x99: {  	s4 =	simm.s32 $_scs_section_size  }
0x9a: {  	s5 =	simm.s32 $_size__tile_overlayer_lowered;
	s6 =	simm.s32 $_tile_overlayer_lowered  }
0x9b: {  	s7 =	simm.s32 $0x1BFF;
	s21 =	sshll.u32 s6, $0x1;
	s4 =	sadd.s32 s4, s20  }
0x9c: {  	s22 =	simm.s32 $0x0;
	s5 =	sshll.u32 s5, $0x1;
	s6 =	sadd.s32 s21, s4  }
0x9d: {  	[timem:s22], [sflag:s7] =	dma.local [hbm:s6], s5  }
0x9e: {  	_ =	swait.ge [sflag:s7], s5  }
0x9f: {  	s5 =	ssub.s32 $0x0, s5;
	[sflag:s7] =	ssyncset.done $0x0  }
0xa0: {  	[sflag:s7] =	ssyncadd.s32 s5;
	_ =	sdelay $0x1  }
0xa1: {  	s23 =	simm.s32 $0x1B8B  }
0xa2: {  	_ =	swait.ge [sflag:s23], $0x1  }
0xa3: {  	[sflag:s23] =	ssyncset.done $0x0  }
0xa4: {  	[sflag:s23] =	ssyncadd.s32 $0xFFFFFFFF  }
0xa5: {  	s5 =	sld [smem:$0x0]  }
0xa6: {  	s6 =	sand.u32 $0xFFFFFFFE, s1  }
0xa7: {  	p0 =	sne.s32 s1, s6  }
0xa8: {  	s6 =	sshll.u32 @p0 s6, $0xE  }
0xa9: {  	s6 =	sadd.s32 @p0 $0x11B8D, s6;
	s7 =	sshll.u32 @p0 s5, $0x11  }
0xaa: {  	s6 =	sor.u32 @p0 s7, s6  }
0xab: {  	[sflag:s6] =	ssyncadd.remote.s32 @p0 $0x1;
	_ =	sdelay $0x1  }
0xac: {  	s6 =	simm.s32 @p0 $0x1B8D  }
0xad: {  	_ =	swait.eq @p0 [sflag:s6], $0x1  }
0xae: {  	[sflag:s6] =	ssyncadd.s32 @p0 $0xFFFFFFFF  }
0xaf: {  	s7 =	sshll.u32 @!p0 s1, $0xE  }
0xb0: {  	s7 =	sor.u32 @!p0 $0x4000, s7;
	s6 =	simm.s32 @!p0 $0x1B8D  }
0xb1: {  	s8 =	sshll.u32 @!p0 s5, $0x11;
	s7 =	sadd.s32 @!p0 $0x11B8D, s7;
	_ =	swait.eq @!p0 [sflag:s6], $0x1  }
0xb2: {  	[sflag:s6] =	ssyncadd.s32 @!p0 $0xFFFFFFFF;
	s6 =	sor.u32 @!p0 s8, s7  }
0xb3: {  	s25 =	simm.s32 $0x1B8E;
	s24 =	sld [smem:$0x3FFE];
	[sflag:s6] =	ssyncadd.remote.s32 @!p0 $0x1  }
0xb4: {  	s26 =	simm.s32 $execute0_lowered;
	[smem:$0x3FD2] =	sst s25  }
0xb5: {  	s7 =	sshll.u32 s26, $0x1;
	_ =	strace $0x8000004F;
	[dreg:$0x1] =	wrdreg $0xFFFFFFFF  }
0xb6: {  	s28 =	simm.s32 $_size_execute0_lowered;
	s4 =	sadd.s32 s4, s7;
	[dreg:$0x0] =	wrdreg $0x0  }
0xb7: {  	s7 =	sshll.u32 s28, $0x1;
	[dreg:$0x2] =	wrdreg s4  }
0xb8: {  	[dreg:$0x3] =	wrdreg s7  }
0xb9: {  	[dreg:$0x4] =	wrdreg $0xC0  }
0xba: {  	_ =	task [dreg:s22], $0x5FFFF  }
0xbb: {  	[dreg:$0x1] =	wrdreg $0xFFFFFFFF  }
0xbc: {  	[dreg:$0x0] =	wrdreg $0x60  }
0xbd: {  	[dreg:$0x2] =	wrdreg s18  }
0xbe: {  	[dreg:$0x3] =	wrdreg s24  }
0xbf: {  	[dreg:$0x4] =	wrdreg s1  }
0xc0: {  	[dreg:$0x5] =	wrdreg s5  }
0xc1: {  	[dreg:$0x6] =	wrdreg $0x9  }
0xc2: {  	_ =	task.clear_ibuf [dreg:s22], $0x7FFFF;
	_ =	strace $0x9000004F  }
0xc3: {  	s29 =	simm.s32 $0x9;
	_ =	strace $0x80000051  }
0xc4: {  	_ =	swait.ge [sflag:s29], $0x1  }
0xc5: {  	[sflag:s29] =	ssyncadd.s32 $0xFFFFFFFF  }
0xc6: {  	_ =	strace $0x90000051  }
0xc7: {  	_ =	sfence  }
0xc8: {  	s30 =	sld [smem:$0x0];
	_ =	sdelay $0x2  }
0xc9: {  	s31 =	sshll.u32 s1, $0xD;
	s1 =	sshrl.u32 s1, $0x2  }
0xca: {  	s4 =	sand.u32 $0x4000, s31;
	s1 =	sadd.s32 s1, s30  }
0xcb: {  	s0 =	sor.u32 s4, s0;
	s1 =	sshll.u32 s1, $0x11  }
0xcc: {  	s0 =	sor.u32 s1, s0  }
0xcd: {  	s0 =	sadd.s32 $0x8F2B, s0  }
0xce: {  	[sflag:s0] =	ssyncadd.remote.s32 $0x1  }
0xcf: {  	_ =	sfence.sel $0xFFFF  }
0xd0: {  	[dreg:$0x0] =	wrdreg $0xFFFFFFFF;
	(pc) =	sbr.abs _section_cstart, $3  }
0xd1: {  	[dreg:$0x1] =	wrdreg $0xFFFFFFFF  }
0xd2: {  	_ =	task.clear_ibuf [dreg:s22], $0x2FFFF;
	_ =	strace $0x9FFFFFFF  }
0xd3: {  	(tm) =	ssettm $0x7FFFFFFF  }
tec
execute0_lowered:
.L_overlay_start_1:
0x0: {  	(tag) =	ssettag $0x1  }
0x1: {  	s1 =	rddreg [dreg:$0x0]  }
0x2: {  	s11 =	rddreg [dreg:$0x1]  }
0x3: {  	s3 =	rddreg [dreg:$0x2];
	_ =	strace $0x80000050;
	s12 =	simm.s32 $0x1  }
0x4: {  	v0 =	vimm.s32 $0x0;
	[sflag:s12] =	ssyncpa.u1 $0x0  }
0x5: {  	[tilespmem:$0x28] =	vst v0  }
0x6: {  	[tilespmem:$0x38] =	vst v0  }
0x7: {  	[tilespmem:$0x48] =	vst v0  }
0x8: {  	[tilespmem:$0x58] =	vst v0  }
0x9: {  	[tilespmem:$0x68] =	vst v0  }
0xa: {  	[tilespmem:$0x78] =	vst v0  }
0xb: {  	[tilespmem:$0x88] =	vst v0  }
0xc: {  	[tilespmem:$0x98] =	vst v0  }
0xd: {  	[tilespmem:$0xA8] =	vst v0  }
0xe: {  	[tilespmem:$0xB8] =	vst v0  }
0xf: {  	[tilespmem:$0xC8] =	vst v0  }
0x10: {  	[tilespmem:$0xD8] =	vst v0  }
0x11: {  	[tilespmem:$0xE8] =	vst v0  }
0x12: {  	[tilespmem:$0xF8] =	vst v0  }
0x13: {  	[tilespmem:$0x108] =	vst v0  }
0x14: {  	[tilespmem:$0x118] =	vst v0  }
0x15: {  	[tilespmem:$0x128] =	vst v0  }
0x16: {  	[tilespmem:$0x138] =	vst v0  }
0x17: {  	[tilespmem:$0x148] =	vst v0  }
0x18: {  	[tilespmem:$0x158] =	vst v0  }
0x19: {  	[tilespmem:$0x168] =	vst v0  }
0x1a: {  	[tilespmem:$0x178] =	vst v0  }
0x1b: {  	[tilespmem:$0x188] =	vst v0  }
0x1c: {  	[tilespmem:$0x198] =	vst v0  }
0x1d: {  	[tilespmem:$0x1A8] =	vst v0  }
0x1e: {  	[tilespmem:$0x1B8] =	vst v0  }
0x1f: {  	[tilespmem:$0x1C8] =	vst v0  }
0x20: {  	[tilespmem:$0x1D8] =	vst v0  }
0x21: {  	[tilespmem:$0x1E8] =	vst v0  }
0x22: {  	[tilespmem:$0x1F8] =	vst v0  }
0x23: {  	[tilespmem:$0x208] =	vst v0  }
0x24: {  	[tilespmem:$0x218] =	vst v0  }
0x25: {  	[tilespmem:$0x228] =	vst v0  }
0x26: {  	[tilespmem:$0x238] =	vst v0  }
0x27: {  	[tilespmem:$0x248] =	vst v0  }
0x28: {  	[tilespmem:$0x258] =	vst v0  }
0x29: {  	[tilespmem:$0x268] =	vst v0  }
0x2a: {  	[tilespmem:$0x278] =	vst v0  }
0x2b: {  	[tilespmem:$0x288] =	vst v0  }
0x2c: {  	[tilespmem:$0x298] =	vst v0  }
0x2d: {  	[tilespmem:$0x2A8] =	vst v0  }
0x2e: {  	[tilespmem:$0x2B8] =	vst v0  }
0x2f: {  	[tilespmem:$0x2C8] =	vst v0  }
0x30: {  	[tilespmem:$0x2D8] =	vst v0  }
0x31: {  	[tilespmem:$0x2E8] =	vst v0  }
0x32: {  	[tilespmem:$0x2F8] =	vst v0  }
0x33: {  	[tilespmem:$0x308] =	vst v0  }
0x34: {  	[tilespmem:$0x318] =	vst v0  }
0x35: {  	[tilespmem:$0x328] =	vst v0  }
0x36: {  	[tilespmem:$0x338] =	vst v0  }
0x37: {  	[tilespmem:$0x348] =	vst v0  }
0x38: {  	[tilespmem:$0x358] =	vst v0  }
0x39: {  	[tilespmem:$0x368] =	vst v0  }
0x3a: {  	[tilespmem:$0x378] =	vst v0  }
0x3b: {  	[tilespmem:$0x388] =	vst v0  }
0x3c: {  	[tilespmem:$0x398] =	vst v0  }
0x3d: {  	[tilespmem:$0x3A8] =	vst v0  }
0x3e: {  	[tilespmem:$0x3B8] =	vst v0  }
0x3f: {  	[tilespmem:$0x3C8] =	vst v0  }
0x40: {  	[tilespmem:$0x3D8] =	vst v0  }
0x41: {  	[tilespmem:$0x3E8] =	vst v0  }
0x42: {  	[tilespmem:$0x3F8] =	vst v0  }
0x43: {  	[tilespmem:$0x408] =	vst v0  }
0x44: {  	[tilespmem:$0x418] =	vst v0  }
0x45: {  	[tilespmem:$0x428] =	vst v0  }
0x46: {  	[tilespmem:$0x438] =	vst v0  }
0x47: {  	[tilespmem:$0x448] =	vst v0  }
0x48: {  	[tilespmem:$0x458] =	vst v0  }
0x49: {  	[tilespmem:$0x468] =	vst v0  }
0x4a: {  	[tilespmem:$0x478] =	vst v0  }
0x4b: {  	[tilespmem:$0x488] =	vst v0  }
0x4c: {  	[tilespmem:$0x498] =	vst v0  }
0x4d: {  	[tilespmem:$0x4A8] =	vst v0  }
0x4e: {  	[tilespmem:$0x4B8] =	vst v0  }
0x4f: {  	[tilespmem:$0x4C8] =	vst v0  }
0x50: {  	[tilespmem:$0x4D8] =	vst v0  }
0x51: {  	[tilespmem:$0x4E8] =	vst v0  }
0x52: {  	[tilespmem:$0x4F8] =	vst v0  }
0x53: {  	[tilespmem:$0x508] =	vst v0  }
0x54: {  	[tilespmem:$0x518] =	vst v0  }
0x55: {  	[tilespmem:$0x528] =	vst v0  }
0x56: {  	[tilespmem:$0x538] =	vst v0  }
0x57: {  	[tilespmem:$0x548] =	vst v0  }
0x58: {  	[tilespmem:$0x558] =	vst v0  }
0x59: {  	[tilespmem:$0x568] =	vst v0  }
0x5a: {  	[tilespmem:$0x578] =	vst v0  }
0x5b: {  	[tilespmem:$0x588] =	vst v0  }
0x5c: {  	[tilespmem:$0x598] =	vst v0  }
0x5d: {  	[tilespmem:$0x5A8] =	vst v0  }
0x5e: {  	[tilespmem:$0x5B8] =	vst v0  }
0x5f: {  	[tilespmem:$0x5C8] =	vst v0  }
0x60: {  	[tilespmem:$0x5D8] =	vst v0  }
0x61: {  	[tilespmem:$0x5E8] =	vst v0  }
0x62: {  	[tilespmem:$0x5F8] =	vst v0  }
0x63: {  	[tilespmem:$0x608] =	vst v0  }
0x64: {  	[tilespmem:$0x618] =	vst v0  }
0x65: {  	[tilespmem:$0x628] =	vst v0  }
0x66: {  	[tilespmem:$0x638] =	vst v0  }
0x67: {  	[tilespmem:$0x648] =	vst v0  }
0x68: {  	[tilespmem:$0x658] =	vst v0  }
0x69: {  	[tilespmem:$0x668] =	vst v0  }
0x6a: {  	[tilespmem:$0x678] =	vst v0  }
0x6b: {  	[tilespmem:$0x688] =	vst v0  }
0x6c: {  	[tilespmem:$0x698] =	vst v0  }
0x6d: {  	[tilespmem:$0x6A8] =	vst v0  }
0x6e: {  	[tilespmem:$0x6B8] =	vst v0  }
0x6f: {  	[tilespmem:$0x6C8] =	vst v0  }
0x70: {  	[tilespmem:$0x6D8] =	vst v0  }
0x71: {  	[tilespmem:$0x6E8] =	vst v0  }
0x72: {  	[tilespmem:$0x6F8] =	vst v0  }
0x73: {  	[tilespmem:$0x708] =	vst v0  }
0x74: {  	[tilespmem:$0x718] =	vst v0  }
0x75: {  	[tilespmem:$0x728] =	vst v0  }
0x76: {  	[tilespmem:$0x738] =	vst v0  }
0x77: {  	[tilespmem:$0x748] =	vst v0  }
0x78: {  	[tilespmem:$0x758] =	vst v0  }
0x79: {  	[tilespmem:$0x768] =	vst v0  }
0x7a: {  	[tilespmem:$0x778] =	vst v0  }
0x7b: {  	[tilespmem:$0x788] =	vst v0  }
0x7c: {  	[tilespmem:$0x798] =	vst v0  }
0x7d: {  	[tilespmem:$0x7A8] =	vst v0  }
0x7e: {  	[tilespmem:$0x7B8] =	vst v0  }
0x7f: {  	[tilespmem:$0x7C8] =	vst v0  }
0x80: {  	[tilespmem:$0x7D8] =	vst v0  }
0x81: {  	[tilespmem:$0x7E8] =	vst v0  }
0x82: {  	[tilespmem:$0x7F8] =	vst v0  }
0x83: {  	[tilespmem:$0x808] =	vst v0  }
0x84: {  	[tilespmem:$0x818] =	vst v0  }
0x85: {  	[tilespmem:$0x828] =	vst v0  }
0x86: {  	[tilespmem:$0x838] =	vst v0  }
0x87: {  	[tilespmem:$0x848] =	vst v0  }
0x88: {  	[tilespmem:$0x858] =	vst v0  }
0x89: {  	[tilespmem:$0x868] =	vst v0  }
0x8a: {  	[tilespmem:$0x878] =	vst v0  }
0x8b: {  	[tilespmem:$0x888] =	vst v0  }
0x8c: {  	[tilespmem:$0x898] =	vst v0  }
0x8d: {  	[tilespmem:$0x8A8] =	vst v0  }
0x8e: {  	[tilespmem:$0x8B8] =	vst v0  }
0x8f: {  	[tilespmem:$0x8C8] =	vst v0  }
0x90: {  	[tilespmem:$0x8D8] =	vst v0  }
0x91: {  	[tilespmem:$0x8E8] =	vst v0  }
0x92: {  	[tilespmem:$0x8F8] =	vst v0  }
0x93: {  	[tilespmem:$0x908] =	vst v0  }
0x94: {  	[tilespmem:$0x918] =	vst v0  }
0x95: {  	[tilespmem:$0x928] =	vst v0  }
0x96: {  	[tilespmem:$0x938] =	vst v0  }
0x97: {  	[tilespmem:$0x948] =	vst v0  }
0x98: {  	[tilespmem:$0x958] =	vst v0  }
0x99: {  	[tilespmem:$0x968] =	vst v0  }
0x9a: {  	[tilespmem:$0x978] =	vst v0  }
0x9b: {  	[tilespmem:$0x988] =	vst v0  }
0x9c: {  	[tilespmem:$0x998] =	vst v0  }
0x9d: {  	[tilespmem:$0x9A8] =	vst v0  }
0x9e: {  	[tilespmem:$0x9B8] =	vst v0  }
0x9f: {  	[tilespmem:$0x9C8] =	vst v0  }
0xa0: {  	[tilespmem:$0x9D8] =	vst v0  }
0xa1: {  	[tilespmem:$0x9E8] =	vst v0  }
0xa2: {  	[tilespmem:$0x9F8] =	vst v0  }
0xa3: {  	[tilespmem:$0xA08] =	vst v0  }
0xa4: {  	[tilespmem:$0xA18] =	vst v0  }
0xa5: {  	[tilespmem:$0xA28] =	vst v0  }
0xa6: {  	[tilespmem:$0xA38] =	vst v0  }
0xa7: {  	[tilespmem:$0xA48] =	vst v0  }
0xa8: {  	[tilespmem:$0xA58] =	vst v0  }
0xa9: {  	[tilespmem:$0xA68] =	vst v0  }
0xaa: {  	[tilespmem:$0xA78] =	vst v0  }
0xab: {  	[tilespmem:$0xA88] =	vst v0  }
0xac: {  	[tilespmem:$0xA98] =	vst v0  }
0xad: {  	[tilespmem:$0xAA8] =	vst v0  }
0xae: {  	[tilespmem:$0xAB8] =	vst v0  }
0xaf: {  	[tilespmem:$0xAC8] =	vst v0  }
0xb0: {  	[tilespmem:$0xAD8] =	vst v0  }
0xb1: {  	[tilespmem:$0xAE8] =	vst v0  }
0xb2: {  	[tilespmem:$0xAF8] =	vst v0  }
0xb3: {  	[tilespmem:$0xB08] =	vst v0  }
0xb4: {  	[tilespmem:$0xB18] =	vst v0  }
0xb5: {  	[tilespmem:$0xB28] =	vst v0  }
0xb6: {  	[tilespmem:$0xB38] =	vst v0  }
0xb7: {  	[tilespmem:$0xB48] =	vst v0  }
0xb8: {  	[tilespmem:$0xB58] =	vst v0  }
0xb9: {  	[tilespmem:$0xB68] =	vst v0  }
0xba: {  	[tilespmem:$0xB78] =	vst v0  }
0xbb: {  	[tilespmem:$0xB88] =	vst v0  }
0xbc: {  	[tilespmem:$0xB98] =	vst v0  }
0xbd: {  	[tilespmem:$0xBA8] =	vst v0  }
0xbe: {  	[tilespmem:$0xBB8] =	vst v0  }
0xbf: {  	[tilespmem:$0xBC8] =	vst v0  }
0xc0: {  	[tilespmem:$0xBD8] =	vst v0  }
0xc1: {  	[tilespmem:$0xBE8] =	vst v0  }
0xc2: {  	[tilespmem:$0xBF8] =	vst v0  }
0xc3: {  	[tilespmem:$0xC08] =	vst v0  }
0xc4: {  	[tilespmem:$0xC18] =	vst v0  }
0xc5: {  	[tilespmem:$0xC28] =	vst v0  }
0xc6: {  	[tilespmem:$0xC38] =	vst v0  }
0xc7: {  	[tilespmem:$0xC48] =	vst v0  }
0xc8: {  	[tilespmem:$0xC58] =	vst v0  }
0xc9: {  	[tilespmem:$0xC68] =	vst v0  }
0xca: {  	[tilespmem:$0xC78] =	vst v0  }
0xcb: {  	[tilespmem:$0xC88] =	vst v0  }
0xcc: {  	[tilespmem:$0xC98] =	vst v0  }
0xcd: {  	[tilespmem:$0xCA8] =	vst v0  }
0xce: {  	[tilespmem:$0xCB8] =	vst v0  }
0xcf: {  	[tilespmem:$0xCC8] =	vst v0  }
0xd0: {  	[tilespmem:$0xCD8] =	vst v0  }
0xd1: {  	[tilespmem:$0xCE8] =	vst v0  }
0xd2: {  	[tilespmem:$0xCF8] =	vst v0  }
0xd3: {  	[tilespmem:$0xD08] =	vst v0  }
0xd4: {  	[tilespmem:$0xD18] =	vst v0  }
0xd5: {  	[tilespmem:$0xD28] =	vst v0  }
0xd6: {  	[tilespmem:$0xD38] =	vst v0  }
0xd7: {  	[tilespmem:$0xD48] =	vst v0  }
0xd8: {  	[tilespmem:$0xD58] =	vst v0  }
0xd9: {  	[tilespmem:$0xD68] =	vst v0  }
0xda: {  	[tilespmem:$0xD78] =	vst v0  }
0xdb: {  	[tilespmem:$0xD88] =	vst v0  }
0xdc: {  	[tilespmem:$0xD98] =	vst v0  }
0xdd: {  	[tilespmem:$0xDA8] =	vst v0  }
0xde: {  	[tilespmem:$0xDB8] =	vst v0  }
0xdf: {  	[tilespmem:$0xDC8] =	vst v0  }
0xe0: {  	[tilespmem:$0xDD8] =	vst v0  }
0xe1: {  	[tilespmem:$0xDE8] =	vst v0  }
0xe2: {  	[tilespmem:$0xDF8] =	vst v0  }
0xe3: {  	[tilespmem:$0xE08] =	vst v0  }
0xe4: {  	[tilespmem:$0xE18] =	vst v0  }
0xe5: {  	[tilespmem:$0xE28] =	vst v0  }
0xe6: {  	[tilespmem:$0xE38] =	vst v0  }
0xe7: {  	[tilespmem:$0xE48] =	vst v0  }
0xe8: {  	[tilespmem:$0xE58] =	vst v0  }
0xe9: {  	[tilespmem:$0xE68] =	vst v0  }
0xea: {  	[tilespmem:$0xE78] =	vst v0  }
0xeb: {  	[tilespmem:$0xE88] =	vst v0  }
0xec: {  	[tilespmem:$0xE98] =	vst v0  }
0xed: {  	[tilespmem:$0xEA8] =	vst v0  }
0xee: {  	[tilespmem:$0xEB8] =	vst v0  }
0xef: {  	[tilespmem:$0xEC8] =	vst v0  }
0xf0: {  	[tilespmem:$0xED8] =	vst v0  }
0xf1: {  	[tilespmem:$0xEE8] =	vst v0  }
0xf2: {  	[tilespmem:$0xEF8] =	vst v0  }
0xf3: {  	[tilespmem:$0xF08] =	vst v0  }
0xf4: {  	[tilespmem:$0xF18] =	vst v0  }
0xf5: {  	[tilespmem:$0xF28] =	vst v0  }
0xf6: {  	[tilespmem:$0xF38] =	vst v0  }
0xf7: {  	[tilespmem:$0xF48] =	vst v0  }
0xf8: {  	[tilespmem:$0xF58] =	vst v0  }
0xf9: {  	[tilespmem:$0xF68] =	vst v0  }
0xfa: {  	[tilespmem:$0xF78] =	vst v0  }
0xfb: {  	[tilespmem:$0xF88] =	vst v0  }
0xfc: {  	[tilespmem:$0xF98] =	vst v0  }
0xfd: {  	[tilespmem:$0xFA8] =	vst v0  }
0xfe: {  	[tilespmem:$0xFB8] =	vst v0  }
0xff: {  	[tilespmem:$0xFC8] =	vst v0  }
0x100: {  	[tilespmem:$0xFD8] =	vst v0  }
0x101: {  	[tilespmem:$0xFE8] =	vst v0  }
0x102: {  	[tilespmem:$0xFF8] =	vst v0  }
0x103: {  	[tilespmem:$0x1028] =	vst v0  }
0x104: {  	[tilespmem:$0x10E8] =	vst v0  }
0x105: {  	[tilespmem:$0x1068] =	vst v0  }
0x106: {  	[tilespmem:$0x1058] =	vst v0  }
0x107: {  	[tilespmem:$0x1B28] =	vst v0  }
0x108: {  	[tilespmem:$0x1B18] =	vst v0  }
0x109: {  	[tilespmem:$0x1B08] =	vst v0  }
0x10a: {  	[tilespmem:$0x1AF8] =	vst v0  }
0x10b: {  	[tilespmem:$0x1AE8] =	vst v0  }
0x10c: {  	[tilespmem:$0x1AD8] =	vst v0  }
0x10d: {  	[tilespmem:$0x1AC8] =	vst v0  }
0x10e: {  	[tilespmem:$0x1AB8] =	vst v0  }
0x10f: {  	[tilespmem:$0x1AA8] =	vst v0  }
0x110: {  	[tilespmem:$0x1A98] =	vst v0  }
0x111: {  	[tilespmem:$0x1A88] =	vst v0  }
0x112: {  	[tilespmem:$0x1A78] =	vst v0  }
0x113: {  	[tilespmem:$0x1A68] =	vst v0  }
0x114: {  	[tilespmem:$0x1A58] =	vst v0  }
0x115: {  	[tilespmem:$0x1A48] =	vst v0  }
0x116: {  	[tilespmem:$0x1A38] =	vst v0  }
0x117: {  	[tilespmem:$0x1A28] =	vst v0  }
0x118: {  	[tilespmem:$0x1A18] =	vst v0  }
0x119: {  	[tilespmem:$0x1A08] =	vst v0  }
0x11a: {  	[tilespmem:$0x19F8] =	vst v0  }
0x11b: {  	[tilespmem:$0x19E8] =	vst v0  }
0x11c: {  	[tilespmem:$0x19D8] =	vst v0  }
0x11d: {  	[tilespmem:$0x19C8] =	vst v0  }
0x11e: {  	[tilespmem:$0x19B8] =	vst v0  }
0x11f: {  	[tilespmem:$0x19A8] =	vst v0  }
0x120: {  	[tilespmem:$0x1998] =	vst v0  }
0x121: {  	[tilespmem:$0x1988] =	vst v0  }
0x122: {  	[tilespmem:$0x1978] =	vst v0  }
0x123: {  	[tilespmem:$0x1968] =	vst v0  }
0x124: {  	[tilespmem:$0x1958] =	vst v0  }
0x125: {  	[tilespmem:$0x1948] =	vst v0  }
0x126: {  	[tilespmem:$0x1938] =	vst v0  }
0x127: {  	[tilespmem:$0x1928] =	vst v0  }
0x128: {  	[tilespmem:$0x1918] =	vst v0  }
0x129: {  	[tilespmem:$0x1908] =	vst v0  }
0x12a: {  	[tilespmem:$0x18F8] =	vst v0  }
0x12b: {  	[tilespmem:$0x18E8] =	vst v0  }
0x12c: {  	[tilespmem:$0x18D8] =	vst v0  }
0x12d: {  	[tilespmem:$0x18C8] =	vst v0  }
0x12e: {  	[tilespmem:$0x18B8] =	vst v0  }
0x12f: {  	[tilespmem:$0x18A8] =	vst v0  }
0x130: {  	[tilespmem:$0x1898] =	vst v0  }
0x131: {  	[tilespmem:$0x1888] =	vst v0  }
0x132: {  	[tilespmem:$0x1878] =	vst v0  }
0x133: {  	[tilespmem:$0x1868] =	vst v0  }
0x134: {  	[tilespmem:$0x1858] =	vst v0  }
0x135: {  	[tilespmem:$0x1848] =	vst v0  }
0x136: {  	[tilespmem:$0x1838] =	vst v0  }
0x137: {  	[tilespmem:$0x1828] =	vst v0  }
0x138: {  	[tilespmem:$0x1818] =	vst v0  }
0x139: {  	[tilespmem:$0x1808] =	vst v0  }
0x13a: {  	[tilespmem:$0x17F8] =	vst v0  }
0x13b: {  	[tilespmem:$0x17E8] =	vst v0  }
0x13c: {  	[tilespmem:$0x17D8] =	vst v0  }
0x13d: {  	[tilespmem:$0x17C8] =	vst v0  }
0x13e: {  	[tilespmem:$0x17B8] =	vst v0  }
0x13f: {  	[tilespmem:$0x17A8] =	vst v0  }
0x140: {  	[tilespmem:$0x1798] =	vst v0  }
0x141: {  	[tilespmem:$0x1788] =	vst v0  }
0x142: {  	[tilespmem:$0x1778] =	vst v0  }
0x143: {  	[tilespmem:$0x1768] =	vst v0  }
0x144: {  	[tilespmem:$0x1758] =	vst v0  }
0x145: {  	[tilespmem:$0x1748] =	vst v0  }
0x146: {  	[tilespmem:$0x1738] =	vst v0  }
0x147: {  	[tilespmem:$0x1728] =	vst v0  }
0x148: {  	[tilespmem:$0x1718] =	vst v0  }
0x149: {  	[tilespmem:$0x1708] =	vst v0  }
0x14a: {  	[tilespmem:$0x16F8] =	vst v0  }
0x14b: {  	[tilespmem:$0x16E8] =	vst v0  }
0x14c: {  	[tilespmem:$0x16D8] =	vst v0  }
0x14d: {  	[tilespmem:$0x16C8] =	vst v0  }
0x14e: {  	[tilespmem:$0x16B8] =	vst v0  }
0x14f: {  	[tilespmem:$0x16A8] =	vst v0  }
0x150: {  	[tilespmem:$0x1698] =	vst v0  }
0x151: {  	[tilespmem:$0x1688] =	vst v0  }
0x152: {  	[tilespmem:$0x1678] =	vst v0  }
0x153: {  	[tilespmem:$0x1668] =	vst v0  }
0x154: {  	[tilespmem:$0x1658] =	vst v0  }
0x155: {  	[tilespmem:$0x1648] =	vst v0  }
0x156: {  	[tilespmem:$0x1638] =	vst v0  }
0x157: {  	[tilespmem:$0x1628] =	vst v0  }
0x158: {  	[tilespmem:$0x1618] =	vst v0  }
0x159: {  	[tilespmem:$0x1608] =	vst v0  }
0x15a: {  	[tilespmem:$0x15F8] =	vst v0  }
0x15b: {  	[tilespmem:$0x15E8] =	vst v0  }
0x15c: {  	[tilespmem:$0x15D8] =	vst v0  }
0x15d: {  	[tilespmem:$0x15C8] =	vst v0  }
0x15e: {  	[tilespmem:$0x15B8] =	vst v0  }
0x15f: {  	[tilespmem:$0x15A8] =	vst v0  }
0x160: {  	[tilespmem:$0x1598] =	vst v0  }
0x161: {  	[tilespmem:$0x1588] =	vst v0  }
0x162: {  	[tilespmem:$0x1578] =	vst v0  }
0x163: {  	[tilespmem:$0x1568] =	vst v0  }
0x164: {  	[tilespmem:$0x1558] =	vst v0  }
0x165: {  	[tilespmem:$0x1548] =	vst v0  }
0x166: {  	[tilespmem:$0x1538] =	vst v0  }
0x167: {  	[tilespmem:$0x1528] =	vst v0  }
0x168: {  	[tilespmem:$0x1518] =	vst v0  }
0x169: {  	[tilespmem:$0x1508] =	vst v0  }
0x16a: {  	[tilespmem:$0x14F8] =	vst v0  }
0x16b: {  	[tilespmem:$0x14E8] =	vst v0  }
0x16c: {  	[tilespmem:$0x14D8] =	vst v0  }
0x16d: {  	[tilespmem:$0x14C8] =	vst v0  }
0x16e: {  	[tilespmem:$0x14B8] =	vst v0  }
0x16f: {  	[tilespmem:$0x14A8] =	vst v0  }
0x170: {  	[tilespmem:$0x1498] =	vst v0  }
0x171: {  	[tilespmem:$0x1488] =	vst v0  }
0x172: {  	[tilespmem:$0x1478] =	vst v0  }
0x173: {  	[tilespmem:$0x1468] =	vst v0  }
0x174: {  	[tilespmem:$0x1458] =	vst v0  }
0x175: {  	[tilespmem:$0x1448] =	vst v0  }
0x176: {  	[tilespmem:$0x1438] =	vst v0  }
0x177: {  	[tilespmem:$0x1428] =	vst v0  }
0x178: {  	[tilespmem:$0x1418] =	vst v0  }
0x179: {  	[tilespmem:$0x1408] =	vst v0  }
0x17a: {  	[tilespmem:$0x13F8] =	vst v0  }
0x17b: {  	[tilespmem:$0x13E8] =	vst v0  }
0x17c: {  	[tilespmem:$0x13D8] =	vst v0  }
0x17d: {  	[tilespmem:$0x13C8] =	vst v0  }
0x17e: {  	[tilespmem:$0x13B8] =	vst v0  }
0x17f: {  	[tilespmem:$0x13A8] =	vst v0  }
0x180: {  	[tilespmem:$0x1398] =	vst v0  }
0x181: {  	[tilespmem:$0x1388] =	vst v0  }
0x182: {  	[tilespmem:$0x1378] =	vst v0  }
0x183: {  	[tilespmem:$0x1368] =	vst v0  }
0x184: {  	[tilespmem:$0x1358] =	vst v0  }
0x185: {  	[tilespmem:$0x1348] =	vst v0  }
0x186: {  	[tilespmem:$0x1338] =	vst v0  }
0x187: {  	[tilespmem:$0x1328] =	vst v0  }
0x188: {  	[tilespmem:$0x1318] =	vst v0  }
0x189: {  	[tilespmem:$0x1308] =	vst v0  }
0x18a: {  	[tilespmem:$0x12F8] =	vst v0  }
0x18b: {  	[tilespmem:$0x12E8] =	vst v0  }
0x18c: {  	[tilespmem:$0x12D8] =	vst v0  }
0x18d: {  	[tilespmem:$0x12C8] =	vst v0  }
0x18e: {  	[tilespmem:$0x12B8] =	vst v0  }
0x18f: {  	[tilespmem:$0x12A8] =	vst v0  }
0x190: {  	[tilespmem:$0x1298] =	vst v0  }
0x191: {  	[tilespmem:$0x1288] =	vst v0  }
0x192: {  	[tilespmem:$0x1278] =	vst v0  }
0x193: {  	[tilespmem:$0x1268] =	vst v0  }
0x194: {  	[tilespmem:$0x1258] =	vst v0  }
0x195: {  	[tilespmem:$0x1248] =	vst v0  }
0x196: {  	[tilespmem:$0x1238] =	vst v0  }
0x197: {  	[tilespmem:$0x1228] =	vst v0  }
0x198: {  	[tilespmem:$0x1218] =	vst v0  }
0x199: {  	[tilespmem:$0x1208] =	vst v0  }
0x19a: {  	[tilespmem:$0x11F8] =	vst v0  }
0x19b: {  	[tilespmem:$0x11E8] =	vst v0  }
0x19c: {  	[tilespmem:$0x11D8] =	vst v0  }
0x19d: {  	[tilespmem:$0x11C8] =	vst v0  }
0x19e: {  	[tilespmem:$0x11B8] =	vst v0  }
0x19f: {  	[tilespmem:$0x11A8] =	vst v0  }
0x1a0: {  	[tilespmem:$0x1198] =	vst v0  }
0x1a1: {  	[tilespmem:$0x1188] =	vst v0  }
0x1a2: {  	[tilespmem:$0x1178] =	vst v0  }
0x1a3: {  	[tilespmem:$0x1168] =	vst v0  }
0x1a4: {  	[tilespmem:$0x1158] =	vst v0  }
0x1a5: {  	[tilespmem:$0x1148] =	vst v0  }
0x1a6: {  	[tilespmem:$0x1138] =	vst v0  }
0x1a7: {  	s4 =	stileid.u32;
	[tilespmem:$0x1128] =	vst v0  }
0x1a8: {  	s0 =	smul.u32 $0xB, s4;
	[tilespmem:$0x1118] =	vst v0  }
0x1a9: {  	s2 =	smin.u32 s4, $0xA;
	[tilespmem:$0x1108] =	vst v0  }
0x1aa: {  	[tilespmem:$0x10F8] =	vst v0;
	s0 =	sadd.s32 s2, s0  }
0x1ab: {  	p0 =	slt.u32 s4, $0xA;
	[tilespmem:$0x10C8] =	vst v0;
	s2 =	simm.s32 $0x1440;
	s6 =	smul.u32 $0x1B0, s0  }
0x1ac: {  	s2 =	simm.s32 @!p0 $0x1290;
	[tilespmem:$0x10D8] =	vst v0  }
0x1ad: {  	[tilespmem:$0x10B8] =	vst v0;
	s0 =	sadd.s32 s2, s6  }
0x1ae: {  	s5 =	simm.s32 $0x2;
	[tilespmem:$0x1038] =	vst v0;
	s7 =	smin.u32 s0, $0x13880  }
0x1af: {  	s8 =	simm.s32 $0x9;
	s10 =	simm.s32 $0xA;
	[tilespmem:$0x10A8] =	vst v0;
	s0 =	ssub.s32 s7, s6  }
0x1b0: {  	s30 =	simm.s32 $0xB;
	s16 =	simm.s32 $0x0;
	[tilespmem:$0x1098] =	vst v0;
	p0 =	sgt.s32 s0, $0x0  }
0x1b1: {  	p4 =	por $0x0, $0x0;
	s17 =	simm.s32 $0xC;
	[tilespmem:$0x1088] =	vst v0;
	s0 =	simm.s32 @!p0 $0x0  }
0x1b2: {  	s21 =	simm.s32 $0x0;
	s18 =	simm.s32 $0x0;
	[tilespmem:$0x1078] =	vst v0;
	s28 =	smulhi.u32 $0x4BDA12F7, s0  }
0x1b3: {  	s20 =	simm.s32 $0x0;
	s3 =	sand.u32 $0x1, s3;
	s31 =	sshll.u32 s4, $0x5;
	[tilespmem:$0x1048] =	vst v0  }
0x1b4: {  	s2 =	sshrl.u32 s28, $0x7;
	[tilespmem:$0x1018] =	vst v0;
	[dreg:$0x6] =	wrdreg s3;
	s3 =	smul.u32 $0x2710, s3  }
0x1b5: {  	[tilespmem:$0x1008] =	vst v0;
	[sflag:s5] =	ssyncpa.u1 $0x0;
	v0 =	vimm.s32 $0xFFFFFFFF;
	[dreg:$0x5] =	wrdreg s31;
	s29 =	smul.u32 $0x1B0, s2  }
.Ltmp0:
0x1b6: {  	[tilespmem:$0x3648] =	vst v0;
	[sflag:s8] =	ssyncpa.u1 $0x0;
	s3 =	sadd.s32 s3, s11;
	(pc) =	sbr.rel .LBB2_1-.Ltmp0, $4  }
0x1b7: {  	[sflag:s10] =	ssyncpa.u1 $0x0;
	s11 =	sadd.s32 $0x589000, s11;
	p0 =	sne.s32 s0, s29  }
0x1b8: {  	[sflag:s30] =	ssyncpa.u1 $0x0;
	s14 =	sadd.s32 $0xAC00, s3;
	s12 =	simm.s32 @!p0 $0x0  }
0x1b9: {  	s15 =	sadd.s32 $0xC00, s3;
	s19 =	smov.u32 s6;
	s12 =	sadd.s32 s12, s2  }
0x1ba: {  	v0 =	vlaneseq.u32;
	[dreg:$0x7] =	wrdreg s6;
	p0 =	por $0x1, $0x1;
	s4 =	sadd.s32 $0x1, s12  }
.LBB2_18:
0x1bb: {  	s0 =	simm.s32 $0x2  }
0x1bc: {  	_ =	swait.ge [sflag:s0], $0x0  }
0x1bd: {  	[sflag:s0] =	ssyncset.done $0x0;
	s0 =	simm.s32 $0x0  }
.LBB2_19:
0x1be: {  	_ =	swait.ge [sflag:s17], s0  }
0x1bf: {  	s31 =	ssub.s32 $0x0, s0;
	v1 =	vmov s23;
	vm0 =	veq.s32 v0, $0x0;
	[sflag:s17] =	ssyncset.done $0x0  }
0x1c0: {  	vm15 =	veq.s32 v0, $0x2;
	v1 =	vsel vm0, s28, v1;
	[sflag:s17] =	ssyncadd.s32 s31  }
0x1c1: {  	v1 =	vsel vm15, s21, v1;
	[sflag:s17] =	ssyncpa.u1 $0x1  }
0x1c2: {  	[tilespmem:$0x3648] =	vst v1  }
.LBB2_20:
0x1c3: {  	s0 =	sadd.s32 $0x1B0, s19  }
0x1c4: {  	s2 =	smov.u32 s6;
	p1 =	slt.s32 s0, s7  }
0x1c5: {  	s2 =	smov.u32 @p1 s0;
	p1 =	sne.s32 s20, s4  }
.Ltmp1:
0x1c6: {  	_ = 	snop;
	(pc) =	sbr.rel @!p1 .LBB2_21-.Ltmp1, $4  }
0x1c7: {  	_ = 	snop  }
0x1c8: {  	s21 =	smov.u32 s18  }
0x1c9: {  	s31 =	sadd.s32 $0x1, s20;
	s18 =	smov.u32 s19;
	p0 =	por !p0, !p0  }
0x1ca: {  	p4 =	por !p4, !p4;
	s20 =	smov.u32 s31;
	s19 =	smov.u32 s2  }
.LBB2_1:
0x1cb: {  	p2 =	sge.u32 s20, s12  }
0x1cc: {  	s0 =	smulhi.u32 @!p2 $0xAAAAAAAB, s20  }
0x1cd: {  	s2 =	smov.u32 s19;
	p3 =	sgt.s32 @!p2 s19, $0x136D0  }
0x1ce: {  	s3 =	sshra.s32 @!p2 s19, $0x1F;
	p3 =	por !p3, p2;
	s0 =	sshrl.u32 @!p2 s0, $0x1  }
0x1cf: {  	s3 =	sand.u32 @!p2 s3, s19;
	s2 =	simm.s32 @p3 $0x136D0;
	s0 =	smul.u32 @!p2 $0x3, s0  }
0x1d0: {  	s2 =	ssub.s32 @!p2 s2, s3  }
0x1d1: {  	s23 =	sadd.s32 $0xFFFFFFFF, s20;
	s2 =	sadd.s32 @!p2 $0xFFFEC930, s2;
	s0 =	ssub.s32 @!p2 s20, s0  }
0x1d2: {  	s3 =	sshll.u32 @!p2 s2, $0x2;
	p3 =	sgt.s32 @!p2 s2, $0x1AF;
	s0 =	smul.u32 @!p2 $0x6C0, s0  }
0x1d3: {  	s5 =	sand.u32 @!p2 $0x7, s19;
	s2 =	ssub.s32 @!p2 $0x6C0, s3;
	p3 =	por !p3, p2  }
0x1d4: {  	s3 =	sshrl.u32 @!p2 s19, $0x3;
	s2 =	sshrl.u32 @!p2 s2, $0x2;
	s0 =	sshrl.u32 @!p2 s0, $0x2  }
0x1d5: {  	s3 =	sadd.s32 @!p2 s3, s14;
	s2 =	simm.s32 @!p3 $0x0;
	s0 =	sadd.s32 @!p2 $0x3888, s0  }
0x1d6: {  	[tilespmem:s0], [sflag:$0xA] =	stream.linear.gather @!p2 [hbm4b:s3+s5], s2, $0x38;
	[tilespmem:$0x1F0F8] =	vst v63  }
0x1d7: {  	p2 =	sge.u32 s23, s12  }
0x1d8: {  	p3 =	sgt.s32 @!p2 s18, $0x136D0  }
0x1d9: {  	s0 =	smov.u32 s18;
	s2 =	sshra.s32 @!p2 s18, $0x1F;
	p3 =	por !p3, p2  }
0x1da: {  	s2 =	sand.u32 @!p2 s2, s18;
	s0 =	simm.s32 @p3 $0x136D0  }
0x1db: {  	s0 =	ssub.s32 @!p2 s0, s2  }
0x1dc: {  	s0 =	sadd.s32 @!p2 $0xFFFEC930, s0  }
0x1dd: {  	s2 =	sshll.u32 @!p2 s0, $0x2  }
0x1de: {  	p3 =	sgt.s32 @!p2 s0, $0x1AF;
	s0 =	ssub.s32 @!p2 $0x6C0, s2  }
0x1df: {  	s22 =	ssub.s32 @!p2 $0x13880, s18;
	p3 =	por !p3, p2;
	s0 =	sshrl.u32 @!p2 s0, $0x2  }
0x1e0: {  	s2 =	sand.u32 @!p2 $0x1, s23;
	s0 =	simm.s32 @!p3 $0x0;
	p3 =	slt.s32 @!p2 s22, $0x1  }
0x1e1: {  	s3 =	simm.s32 @!p2 $0xA;
	s2 =	smul.u32 @!p2 $0x6C0, s2;
	p3 =	por p2, p3  }
.Ltmp2:
0x1e2: {  	_ =	swait.ge @!p2 [sflag:s3], s0;
	(pc) =	sbr.rel @p3 .LBB2_7-.Ltmp2, $4  }
0x1e3: {  	s5 =	ssub.s32 @!p2 $0x0, s0;
	[sflag:s3] =	ssyncset.done @!p2 $0x0  }
0x1e4: {  	s2 =	sshrl.u32 @!p2 s2, $0x2;
	[sflag:s3] =	ssyncadd.s32 @!p2 s5;
	s3 =	sshrl.u32 @!p2 s18, $0x3  }
0x1e5: {  	s2 =	sadd.s32 @!p2 $0x3D98, s2;
	s5 =	sand.u32 @!p2 $0x7, s18;
	s3 =	sadd.s32 @!p2 s3, s15  }
0x1e6: {  	[tilespmem:s2], [sflag:$0xB] =	stream.linear.gather @!p2 [hbm4b:s3+s5], s0, $0x38;
	[tilespmem:$0x1F0F8] =	vst v63  }
0x1e7: {  	s0 =	smulhi.u32 $0xAAAAAAAB, s23;
	_ =	sdelay $0x1  }
0x1e8: {  	s0 =	sshrl.u32 s0, $0x1  }
0x1e9: {  	s0 =	smul.u32 $0x3, s0;
	_ =	sdelay $0x1  }
0x1ea: {  	s0 =	ssub.s32 s23, s0  }
0x1eb: {  	s2 =	simm.s32 $0x1;
	s0 =	smul.u32 $0x6C0, s0  }
.Ltmp3:
0x1ec: {  	s2 =	simm.s32 @!p0 $0x0;
	(pc) =	sbr.rel .LBB2_4-.Ltmp3, $4  }
0x1ed: {  	s2 =	smul.u32 $0x36000, s2  }
0x1ee: {  	p3 =	slt.s32 @!p2 s22, $0x1B0;
	s0 =	sshrl.u32 s0, $0x2  }
0x1ef: {  	p2 =	por !p3, p2;
	s2 =	sshrl.u32 s2, $0x2;
	s0 =	sadd.s32 $0x3888, s0  }
0x1f0: {  	s24 =	simm.s32 $0x0;
	s22 =	simm.s32 @p2 $0x1B0;
	s23 =	sadd.s32 $0x40F8, s2;
	v1 =	vmov s0  }
.LBB2_3:
0x1f1: {  	p2 =	sge.s32 s24, s22  }
.Ltmp4:
0x1f2: {  	_ = 	snop;
	(pc) =	sbr.rel @p2 .LBB2_7-.Ltmp4, $2  }
0x1f3: {  	_ =	sdelay $0x2  }
0x1f4: {  	s23 =	sadd.s32 $0x800, s23  }
.LBB2_4:
0x1f5: {  	p2 =	sle.s32 s22, s24  }
.Ltmp5:
0x1f6: {  	_ = 	snop;
	(pc) =	sbr.rel @p2 .LBB2_3-.Ltmp5, $2  }
0x1f7: {  	_ =	sdelay $0x2  }
0x1f8: {  	s0 =	smov.u32 s24;
	s24 =	sadd.s32 $0x10, s24  }
0x1f9: {  	s2 =	ssub.s32 s22, s0  }
0x1fa: {  	p2 =	slt.s32 s2, $0x10  }
0x1fb: {  	s2 =	simm.s32 @!p2 $0x10  }
0x1fc: {  	v2 =	vmov s2  }
0x1fd: {  	vm0 =	vgt.s32 v2, v0;
	_ =	sdelay $0x5  }
0x1fe: {  	v2 =	vld.idx.msk [tilespmem:v1+s0+$0x0 ss:$0x1], vm0;
	_ =	sdelay $0x2  }
0x1ff: {  	p2 =	slt.s32 s24, s22;
	s2 =	smov.u32 s22  }
0x200: {  	s3 =	smov.u32 s23;
	s25 =	simm.s32 $0x0;
	s2 =	smov.u32 @p2 s24  }
.LBB2_6:
0x201: {  	(v2sf) =	vpush v2, s25;
	_ =	sdelay $0xc  }
0x202: {  	s25 =	sadd.s32 $0x1, s25  }
0x203: {  	s31 =	sadd.s32 s25, s0  }
0x204: {  	p2 =	slt.s32 s31, s2;
	s5 =	spop (v2sf)  }
.Ltmp6:
0x205: {  	s5 =	sshll.u32 s5, $0x4;
	(pc) =	sbr.rel @p2 .LBB2_6-.Ltmp6, $4  }
0x206: {  	s5 =	sand.u32 $0x1FFFFFF0, s5  }
0x207: {  	s5 =	sadd.s32 s11, s5  }
0x208: {  	[tilespmem:s3], [sflag:$0x9] =	stream.linear.gather [hbm4b:s5+s16], $0x8, $0x38;
	[tilespmem:$0x1F0F8] =	vst v63  }
0x209: {  	s3 =	sadd.s32 $0x80, s3  }
.Ltmp7:
0x20a: {  	_ = 	snop;
	(pc) =	sbr.rel .LBB2_3-.Ltmp7, $1  }
0x20b: {  	_ =	sdelay $0x3  }
.LBB2_7:
0x20c: {  	p2 =	slt.u32 s20, $0x2  }
.Ltmp8:
0x20d: {  	_ = 	snop;
	(pc) =	sbr.rel @p2 .LBB2_20-.Ltmp8, $1  }
0x20e: {  	_ =	sdelay $0x3  }
0x20f: {  	p2 =	sgt.s32 s21, $0x136D0  }
0x210: {  	s0 =	smov.u32 s21;
	s2 =	sshra.s32 s21, $0x1F;
	s3 =	ssub.s32 $0x13880, s21  }
0x211: {  	s0 =	simm.s32 @!p2 $0x136D0;
	s2 =	sand.u32 s2, s21;
	p2 =	slt.s32 s3, $0x1B0  }
0x212: {  	s0 =	ssub.s32 s0, s2;
	s3 =	simm.s32 @!p2 $0x1B0  }
0x213: {  	s0 =	sadd.s32 $0xFFFEC930, s0;
	s24 =	sshll.u32 s3, $0x3  }
0x214: {  	s28 =	simm.s32 $0x9;
	s25 =	sshll.u32 s0, $0x2;
	s2 =	sand.u32 $0x3FFFFFF8, s24  }
0x215: {  	p2 =	sgt.s32 s0, $0x1AF;
	s26 =	ssub.s32 $0x6C0, s25;
	_ =	swait.ge [sflag:s28], s2  }
0x216: {  	s2 =	ssub.s32 $0x0, s2;
	[sflag:s28] =	ssyncset.done $0x0;
	s0 =	sshrl.u32 s26, $0x2  }
0x217: {  	s30 =	simm.s32 $0xB;
	[sflag:s28] =	ssyncadd.s32 s2;
	s0 =	simm.s32 @p2 $0x0  }
0x218: {  	_ =	swait.ge [sflag:s30], s0  }
0x219: {  	s0 =	ssub.s32 $0x0, s0;
	[sflag:s30] =	ssyncset.done $0x0  }
0x21a: {  	[sflag:s30] =	ssyncadd.s32 s0  }
0x21b: {  	v1 =	vld [tilespmem:$0x3648];
	_ =	sdelay $0x4  }
0x21c: {  	(v2sf) =	vpush v1, $0x0  }
0x21d: {  	(v2sf) =	vpush v1, $0x1  }
0x21e: {  	(v2sf) =	vpush v1, $0x2;
	_ =	sdelay $0x3  }
0x21f: {  	s0 =	sadd.s32 $0x1B0, s21  }
0x220: {  	s2 =	ssub.s32 $0x27100, s21;
	p2 =	slt.s32 s7, s0  }
0x221: {  	s0 =	smov.u32 @p2 s7;
	p2 =	sgt.s32 s2, $0x0  }
0x222: {  	s25 =	ssub.s32 s0, s21;
	s2 =	simm.s32 @!p2 $0x0  }
0x223: {  	p2 =	slt.s32 s2, s25  }
0x224: {  	s25 =	smov.u32 @p2 s2  }
0x225: {  	s24 =	simm.s32 $0x1;
	p2 =	slt.s32 s25, $0x1  }
.Ltmp9:
0x226: {  	s24 =	simm.s32 @!p4 $0x0;
	(pc) =	sbr.rel @p2 .LBB2_12-.Ltmp9, $4  }
0x227: {  	s31 =	smul.u32 $0x6C0, s24  }
0x228: {  	s26 =	spop (v2sf)  }
0x229: {  	s0 =	sshrl.u32 s31, $0x2;
	s29 =	spop (v2sf)  }
0x22a: {  	s22 =	sadd.s32 $0x3D98, s0;
	s21 =	spop (v2sf)  }
0x22b: {  	s0 =	smin.u32 s25, $0x10  }
0x22c: {  	v1 =	vmov s0  }
0x22d: {  	p3 =	sgt.s32 s25, $0x10;
	vm1 =	vgt.u32 v1, v0  }
.Ltmp10:
0x22e: {  	_ = 	snop;
	(pc) =	sbr.rel @!p3 .LBB2_11-.Ltmp10, $2  }
0x22f: {  	_ =	sdelay $0x2  }
0x230: {  	s23 =	simm.s32 $0x10;
	s28 =	sadd.s32 $0xFFFFFFF0, s25;
	s0 =	smov.u32 s22;
	vm0 =	vmmov vm1  }
.LBB2_10:
0x231: {  	s2 =	smin.u32 s28, $0x10;
	s23 =	sadd.s32 $0x10, s23;
	v1 =	vld.msk [tilespmem:s0+$0x0 ss:$0x1], vm1  }
0x232: {  	v2 =	vmov s2;
	p3 =	slt.s32 s23, s25  }
0x233: {  	vm1 =	vgt.u32 v2, v0  }
.Ltmp11:
0x234: {  	(pc) =	sbr.rel @p3 .LBB2_10-.Ltmp11, $3  }
0x235: {  	_ =	sdelay $0x1  }
0x236: {  	v1 =	vshll.u32 v1, $0x4  }
0x237: {  	s28 =	sadd.s32 $0xFFFFFFF0, s28;
	[tilespmem:s0+$0x0] =	vst.msk vm0, v1;
	s0 =	sadd.s32 $0x10, s0;
	vm0 =	vmmov vm1  }
.LBB2_11:
0x238: {  	_ =	sdelay $0x4  }
0x239: {  	v1 =	vld.msk [tilespmem:s0+$0x0 ss:$0x1], vm1;
	_ =	sdelay $0x4  }
0x23a: {  	v1 =	vshll.u32 v1, $0x4  }
0x23b: {  	[tilespmem:s0+$0x0] =	vst.msk vm0, v1  }
.LBB2_12:
0x23c: {  	s0 =	sand.u32 $0x1, s20  }
0x23d: {  	s0 =	smul.u32 $0x1B0, s0  }
0x23e: {  	p3 =	sne.s32 s29, $0xFFFFFFFF  }
0x23f: {  	v1 =	vld.msk @!p3 [tilespmem:s0+$0x3D98], $0x1;
	_ =	sdelay $0x4  }
0x240: {  	(v2sf) =	vpush @!p3 v1, $0x0;
	_ =	sdelay $0xc  }
.Ltmp12:
0x241: {  	_ = 	snop;
	(pc) =	sbr.rel @p2 .LBB2_18-.Ltmp12, $4  }
0x242: {  	_ = 	snop  }
0x243: {  	s28 =	spop @!p3 (v2sf)  }
0x244: {  	s21 =	simm.s32 @!p3 $0x0;
	s23 =	smov.u32 s28  }
0x245: {  	[sflag:s17] =	ssyncpa.u1 $0x0;
	s28 =	smov.u32 @p3 s26;
	s23 =	smov.u32 @p3 s29  }
0x246: {  	v1 =	vld.msk [tilespmem:s22+$0x0], $0x1;
	_ =	sdelay $0x4  }
0x247: {  	(v2sf) =	vpush v1, $0x0;
	_ =	sdelay $0xe  }
0x248: {  	s0 =	simm.s32 @!p4 $0x0;
	s26 =	smul.u32 $0x36000, s24;
	s31 =	spop (v2sf)  }
0x249: {  	s29 =	ssub.s32 $0x0, s25;
	s0 =	simm.s32 @p4 $0x1;
	p2 =	seq.s32 s28, s31  }
0x24a: {  	s2 =	smov.u32 s28;
	[smem:$0x7FD] =	sst s0;
	p3 =	sgt.s32 @!p2 s28, $0x0  }
0x24b: {  	s0 =	sshrl.u32 s26, $0x2;
	s26 =	sadd.s32 $0x1, s29;
	p3 =	por !p3, p2  }
0x24c: {  	s2 =	simm.s32 @p3 $0x0;
	p3 =	seq.s32 s26, $0x0  }
.Ltmp13:
0x24d: {  	_ = 	snop;
	(pc) =	sbr.rel @p3 .LBB2_15-.Ltmp13, $4  }
0x24e: {  	s6 =	smov.u32 s4;
	s25 =	simm.s32 $0x0  }
0x24f: {  	s24 =	sadd.s32 $0x40F8, s0;
	s0 =	simm.s32 @!p2 $0x1;
	s3 =	smin.u32 @!p2 s2, $0x270FF  }
0x250: {  	s30 =	sadd.s32 $0x1, s22;
	s0 =	smov.u32 @p2 s25;
	s5 =	sand.u32 @!p2 $0x3FFF8, s3  }
0x251: {  	s2 =	simm.s32 @!p2 $0x1B38;
	s3 =	sand.u32 @!p2 $0x7, s3;
	s5 =	sadd.s32 @!p2 s1, s5  }
.LBB2_14:
0x252: {  	s4 =	smov.u32 s0  }
0x253: {  	[tilespmem:s2], [sflag:$0x2] =	stream.linear.gather @!p2 [hbm4b:s5+s3], $0x8, $0x38;
	[tilespmem:$0x1F0F8] =	vst v63  }
0x254: {  	s26 =	sadd.s32 $0x1, s26;
	s3 =	smov.u32 s31;
	v1 =	vld.msk [tilespmem:s30+$0x0], $0x1  }
0x255: {  	p3 =	seq.s32 s26, $0x0;
	_ =	sdelay $0x3  }
0x256: {  	(v2sf) =	vpush v1, $0x0;
	_ =	sdelay $0xe  }
0x257: {  	s31 =	spop (v2sf)  }
0x258: {  	p2 =	seq.s32 s3, s31  }
0x259: {  	p4 =	sgt.s32 @!p2 s3, $0x0;
	s2 =	sshll.u32 @!p2 s0, $0x6;
	s0 =	sadd.s32 @!p2 $0x1, s0  }
.Ltmp14:
0x25a: {  	p4 =	por !p4, p2;
	s2 =	sshra.s32 @!p2 s2, $0x2;
	(pc) =	sbr.rel @!p3 .LBB2_14-.Ltmp14, $4  }
0x25b: {  	s0 =	smov.u32 @p2 s4;
	s3 =	simm.s32 @p4 $0x0;
	s2 =	sadd.s32 @!p2 $0x1B38, s2  }
0x25c: {  	s3 =	smin.u32 @!p2 s3, $0x270FF  }
0x25d: {  	s4 =	sand.u32 @!p2 $0x3FFF8, s3;
	s3 =	sand.u32 @!p2 $0x7, s3  }
0x25e: {  	s30 =	sadd.s32 $0x1, s30;
	s5 =	sadd.s32 @!p2 s1, s4  }
.LBB2_15:
0x25f: {  	[tilespmem:s2], [sflag:$0x2] =	stream.linear.gather @!p2 [hbm4b:s5+s3], $0x8, $0x38;
	[tilespmem:$0x1F0F8] =	vst v63  }
0x260: {  	s0 =	sshll.u32 s0, $0x3  }
0x261: {  	s31 =	simm.s32 $0x2;
	s0 =	sand.u32 $0x3FFFFFF8, s0  }
0x262: {  	_ =	swait.ge [sflag:s31], s0  }
0x263: {  	s0 =	ssub.s32 $0x0, s0;
	[sflag:s31] =	ssyncset.done $0x0  }
0x264: {  	[sflag:s31] =	ssyncadd.s32 s0  }
0x265: {  	v1 =	vld.msk [tilespmem:s22+$0x0], $0x1;
	_ =	sdelay $0x4  }
0x266: {  	(v2sf) =	vpush v1, $0x0;
	_ =	sdelay $0xe  }
0x267: {  	s26 =	spop (v2sf)  }
0x268: {  	p2 =	sne.s32 s28, s26  }
0x269: {  	p4 =	sne.s32 @p2 s28, s23  }
0x26a: {  	p3 =	por !p4, !p2  }
0x26b: {  	s0 =	simm.s32 @!p3 $0x0  }
0x26c: {  	v1 =	vld.msk @!p3 [tilespmem:s0+$0x1B38], $0xff  }
0x26d: {  	p5 =	sgt.u32 @!p3 s28, $0x270FF  }
0x26e: {  	s2 =	sshll.u32 @!p3 s21, $0x6;
	p6 =	por @p2 p5, !p4  }
0x26f: {  	s2 =	sshra.s32 @!p3 s2, $0x2;
	p1 =	por p6, !p2;
	p6 =	por p4, !p2  }
0x270: {  	s3 =	sadd.s32 @!p3 $0x28, s2;
	s4 =	sand.u32 @!p1 $0x3FFF8, s28;
	s5 =	sshll.u32 @!p6 s21, $0x6  }
0x271: {  	s28 =	sand.u32 @!p1 $0x7, s28;
	[tilespmem:s2+$0x28] =	vst.add.f32.msk @!p3 $0xff, v1;
	s2 =	sadd.s32 @!p1 s1, s4;
	s4 =	sshra.s32 @!p6 s5, $0x2  }
0x272: {  	[hbm4b:s2+s28] =	stream.linear.scatter @!p1 [tilespmem:s3], [sflag:$0xC], $0x8, $0x38;
	[tilespmem:$0x1F0F8] =	vst v63  }
0x273: {  	s0 =	rddreg [dreg:$0x5];
	s2 =	sadd.s32 @!p6 $0x28, s4;
	s3 =	simm.s32 @!p6 $0x1  }
0x274: {  	[spmem:s0] =	stream.linear.scatter @!p6 [tilespmem:s2], [sflag:$0x1], $0x8, $0x38;
	[tilespmem:$0x1F0F8] =	vst v63  }
0x275: {  	s0 =	sadd.s32 @p2 $0x1, s21;
	_ =	swait.ge @!p6 [sflag:s3], $0x8  }
0x276: {  	s2 =	sshrl.u32 @p2 s0, $0x4;
	[sflag:s3] =	ssyncset.done @!p6 $0x0  }
0x277: {  	s2 =	smulhi.u32 @p2 $0x97B425F, s2;
	[sflag:s3] =	ssyncadd.s32 @!p6 $0xFFFFFFF8  }
0x278: {  	s28 =	sadd.s32 $0x1, s29;
	v1 =	vld.msk @p2 [tilespmem:s24+$0x0], $0xff  }
0x279: {  	p1 =	por @p2 !p5, !p4;
	p4 =	seq.s32 s28, $0x0;
	s2 =	smul.u32 @p2 $0x1B0, s2  }
.Ltmp15:
0x27a: {  	p1 =	por !p1, !p2;
	s3 =	simm.s32 @!p3 $0x0;
	(pc) =	sbr.rel @p4 .LBB2_17-.Ltmp15, $4  }
0x27b: {  	s4 =	sshll.u32 @!p2 s21, $0x6;
	s3 =	simm.s32 @!p1 $0x20;
	s0 =	ssub.s32 @p2 s0, s2  }
0x27c: {  	s29 =	simm.s32 $0x0;
	s3 =	sadd.s32 @!p3 $0x0, s3;
	s5 =	sshll.u32 @p2 s0, $0x4  }
0x27d: {  	s30 =	sshra.s32 @!p2 s4, $0x2;
	s2 =	simm.s32 @p2 $0x1;
	s3 =	smov.u32 @p3 s25;
	[tilespmem:s5+$0x28] =	vst.msk @p2 $0xff, v1  }
0x27e: {  	s21 =	smov.u32 @p2 s0;
	s29 =	smov.u32 @p2 s3;
	s25 =	smov.u32 @p2 s2;
	v1 =	vld.msk @!p2 [tilespmem:s24+$0x0], $0xff  }
.LBB2_16:
0x27f: {  	_ =	sdelay $0x3  }
0x280: {  	s22 =	sadd.s32 $0x1, s22;
	[tilespmem:s30+$0x28] =	vst.add.f32.msk @!p2 $0xff, v1  }
0x281: {  	v1 =	vld.msk [tilespmem:s22+$0x0], $0x1;
	_ =	sdelay $0x4  }
0x282: {  	(v2sf) =	vpush v1, $0x0;
	_ =	sdelay $0xe  }
0x283: {  	s0 =	smov.u32 s26;
	s26 =	spop (v2sf)  }
0x284: {  	p2 =	sne.s32 s0, s26  }
0x285: {  	p5 =	sne.s32 @p2 s0, s23  }
0x286: {  	s4 =	sshll.u32 @!p2 s21, $0x6;
	p4 =	por !p5, !p2  }
0x287: {  	s30 =	sshra.s32 @!p2 s4, $0x2;
	s4 =	sshll.u32 @!p4 s25, $0x6  }
0x288: {  	s4 =	sshra.s32 @!p4 s4, $0x2  }
0x289: {  	p1 =	sgt.u32 @!p4 s0, $0x270FF;
	v1 =	vld.msk @!p4 [tilespmem:s4+$0x1B38], $0xff  }
0x28a: {  	s31 =	sshll.u32 @!p4 s21, $0x6;
	p6 =	por @p2 p1, !p5;
	p1 =	por @p2 !p1, !p5  }
0x28b: {  	s8 =	simm.s32 @!p4 $0x0;
	s31 =	sshra.s32 @!p4 s31, $0x2;
	p1 =	por !p1, !p2  }
0x28c: {  	p5 =	por p5, !p2;
	s8 =	simm.s32 @!p1 $0x20;
	p1 =	por p6, !p2  }
0x28d: {  	s4 =	sadd.s32 @!p4 $0x28, s31;
	s13 =	sshll.u32 @!p5 s21, $0x6;
	s10 =	sand.u32 @!p1 $0x3FFF8, s0  }
0x28e: {  	s13 =	sshra.s32 @!p5 s13, $0x2;
	s0 =	sand.u32 @!p1 $0x7, s0;
	s10 =	sadd.s32 @!p1 s1, s10;
	[tilespmem:s31+$0x28] =	vst.add.f32.msk @!p4 $0xff, v1  }
0x28f: {  	[hbm4b:s10+s0] =	stream.linear.scatter @!p1 [tilespmem:s4], [sflag:$0xC], $0x8, $0x38;
	[tilespmem:$0x1F0F8] =	vst v63  }
0x290: {  	s2 =	rddreg [dreg:$0x5];
	s0 =	sadd.s32 @!p5 $0x28, s13;
	s4 =	simm.s32 @!p5 $0x1  }
0x291: {  	[spmem:s2] =	stream.linear.scatter @!p5 [tilespmem:s0], [sflag:$0x1], $0x8, $0x38;
	[tilespmem:$0x1F0F8] =	vst v63  }
0x292: {  	s3 =	sadd.s32 @p2 $0x1, s21;
	_ =	swait.ge @!p5 [sflag:s4], $0x8  }
0x293: {  	s5 =	sshrl.u32 @p2 s3, $0x4;
	[sflag:s4] =	ssyncset.done @!p5 $0x0  }
0x294: {  	s24 =	sadd.s32 $0x80, s24;
	s5 =	smulhi.u32 @p2 $0x97B425F, s5;
	[sflag:s4] =	ssyncadd.s32 @!p5 $0xFFFFFFF8  }
0x295: {  	s28 =	sadd.s32 $0x1, s28;
	v1 =	vld.msk @p2 [tilespmem:s24+$0x0], $0xff  }
0x296: {  	p3 =	seq.s32 s28, $0x0;
	s5 =	smul.u32 @p2 $0x1B0, s5  }
.Ltmp16:
0x297: {  	_ = 	snop;
	(pc) =	sbr.rel @!p3 .LBB2_16-.Ltmp16, $4  }
0x298: {  	s3 =	ssub.s32 @p2 s3, s5  }
0x299: {  	s8 =	sadd.s32 @!p4 s8, s29;
	s5 =	sshll.u32 @p2 s3, $0x4  }
0x29a: {  	s9 =	sadd.s32 @p2 $0x1, s25;
	s8 =	smov.u32 @p4 s29;
	[tilespmem:s5+$0x28] =	vst.msk @p2 $0xff, v1  }
0x29b: {  	s25 =	smov.u32 @p2 s9;
	s21 =	smov.u32 @p2 s3;
	s29 =	smov.u32 @p2 s8;
	v1 =	vld.msk @!p2 [tilespmem:s24+$0x0], $0xff  }
.LBB2_17:
.Ltmp17:
0x29c: {  	_ = 	snop;
	(pc) =	sbr.rel .LBB2_19-.Ltmp17, $3  }
0x29d: {  	s2 =	sld [smem:$0x7FD];
	_ =	sdelay $0x1  }
0x29e: {  	s0 =	sshrl.u32 s29, $0x2;
	s28 =	smov.u32 s26  }
0x29f: {  	s4 =	smov.u32 s6;
	s6 =	rddreg [dreg:$0x7];
	p4 =	seq.s32 s2, $0x1;
	[tilespmem:s30+$0x28] =	vst.add.f32.msk @!p2 $0xff, v1  }
.LBB2_21:
0x2a0: {  	_ =	sfence.sel $0x180000  }
0x2a1: {  	s0 =	simm.s32 $0x9;
	[bflag:$0x0] =	sbarrier.arrive $0xFFFF  }
0x2a2: {  	s24 =	simm.s32 $0xA;
	[sflag:s0] =	ssyncpa.u1 $0x1  }
0x2a3: {  	s25 =	simm.s32 $0xB;
	[sflag:s24] =	ssyncpa.u1 $0x1  }
0x2a4: {  	s26 =	simm.s32 $0x2;
	[sflag:s25] =	ssyncpa.u1 $0x1  }
0x2a5: {  	[sflag:s26] =	ssyncpa.u1 $0x1  }
0x2a6: {  	v0 =	vld [tilespmem:$0x3648];
	_ =	sdelay $0x4  }
0x2a7: {  	(v2sf) =	vpush v0, $0x0  }
0x2a8: {  	(v2sf) =	vpush v0, $0x1;
	_ =	sdelay $0x1  }
0x2a9: {  	(v2sf) =	vpush v0, $0x2;
	_ =	sdelay $0xb  }
0x2aa: {  	s0 =	spop (v2sf)  }
0x2ab: {  	s2 =	spop (v2sf)  }
0x2ac: {  	s3 =	smov.u32 s0;
	p0 =	sne.s32 s0, s2  }
0x2ad: {  	s4 =	spop (v2sf);
	s3 =	simm.s32 @!p0 $0xFFFFFFFF  }
0x2ae: {  	v2 =	vimm.s32 $0x1;
	v3 =	vlaneseq.u32;
	p0 =	seq.s32 s4, $0xFFFFFFFF;
	v1 =	vmov s3  }
0x2af: {  	s16 =	stileid.u32;
	v0 =	vperm.xlane v0, v2;
	p1 =	sne.s32 @!p0 s0, s2;
	v1 =	vperm.xlane v1, v3  }
0x2b0: {  	vm0 =	vcmask $0x3F04;
	s6 =	simm.s32 $0x3648;
	s0 =	simm.s32 @!p0 $0x1;
	p1 =	por !p1, p0  }
0x2b1: {  	s3 =	sshll.u32 s16, $0x1;
	s2 =	sshll.u32 @!p0 s4, $0x6;
	s0 =	simm.s32 @p1 $0x0;
	v0 =	vsel vm0, v1, v0  }
0x2b2: {  	s5 =	sor.u32 $0x200, s3;
	s2 =	sshra.s32 @!p0 s2, $0x2;
	s0 =	sor.u32 @!p0 s0, s3;
	[tilespmem:$0x3648] =	vst v0  }
0x2b3: {  	[spmem:s5] =	stream.linear.scatter [tilespmem:s6], [sflag:$0x1], $0x2, $0x38;
	[tilespmem:$0x1F0F8] =	vst v63  }
0x2b4: {  	s2 =	sadd.s32 @!p0 $0x28, s2;
	s0 =	sshll.u32 @!p0 s0, $0x4  }
0x2b5: {  	[spmem:s0] =	stream.linear.scatter @!p0 [tilespmem:s2], [sflag:$0x1], $0x10, $0x38;
	[tilespmem:$0x1F0F8] =	vst v63  }
0x2b6: {  	s0 =	simm.s32 @!p0 $0x12  }
0x2b7: {  	s28 =	simm.s32 $0x1;
	s0 =	simm.s32 @p0 $0x2  }
0x2b8: {  	_ =	swait.ge [sflag:s28], s0  }
0x2b9: {  	s0 =	ssub.s32 $0x0, s0;
	[sflag:s28] =	ssyncset.done $0x0  }
0x2ba: {  	p0 =	sne.s32 s16, $0x0;
	[sflag:s28] =	ssyncadd.s32 s0  }
.Ltmp18:
0x2bb: {  	_ =	sfence.stream.spmem;
	(pc) =	sbr.rel @p0 .LBB2_38-.Ltmp18, $4  }
0x2bc: {  	s29 =	simm.s32 $0x3;
	[bflag:$0x0] =	sbarrier.arrive $0xFFFF  }
0x2bd: {  	s30 =	simm.s32 $0x4;
	[sflag:s29] =	ssyncpa.u1 $0x1  }
0x2be: {  	s31 =	simm.s32 $0x3C;
	[sflag:s30] =	ssyncpa.u1 $0x1  }
0x2bf: {  	s17 =	rddreg [dreg:$0x6];
	[sflag:s31] =	ssyncpa.u1 $0x1  }
0x2c0: {  	_ =	sfence.stream.spmem;
	s0 =	simm.s32 $0x5  }
0x2c1: {  	s2 =	simm.s32 $0x200;
	s3 =	simm.s32 $0x3658;
	[sflag:s0] =	ssyncpa.u1 $0x0  }
0x2c2: {  	[tilespmem:s3], [sflag:$0x5] =	stream.linear.gather [spmem:s2], $0x20, $0x38;
	[tilespmem:$0x1F0F8] =	vst v63  }
0x2c3: {  	s26 =	simm.s32 $0x0;
	s28 =	simm.s32 $0x3678  }
0x2c4: {  	[tilespmem:s28], [sflag:$0x5] =	stream.linear.gather [spmem:s26], $0x200, $0x38;
	[tilespmem:$0x1F0F8] =	vst v63  }
0x2c5: {  	_ =	swait.ge [sflag:s0], $0x220  }
0x2c6: {  	[sflag:s0] =	ssyncset.done $0x0  }
0x2c7: {  	s29 =	simm.s32 $0x0;
	[sflag:s0] =	ssyncadd.s32 $0xFFFFFDE0  }
0x2c8: {  	v0 =	vld.msk [tilespmem:s29+$0x3658], $0x1;
	_ =	sdelay $0x1  }
0x2c9: {  	s30 =	simm.s32 $0x1  }
0x2ca: {  	v1 =	vld.msk [tilespmem:s30+$0x3658], $0x1;
	_ =	sdelay $0x1  }
0x2cb: {  	(v2sf) =	vpush v0, $0x0;
	_ =	sdelay $0x2  }
0x2cc: {  	(v2sf) =	vpush v1, $0x0;
	_ =	sdelay $0x2  }
0x2cd: {  	s31 =	simm.s32 $0x2  }
0x2ce: {  	v0 =	vld.msk [tilespmem:s31+$0x3658], $0x1;
	_ =	sdelay $0x2  }
0x2cf: {  	s6 =	simm.s32 $0xFFFFFFFF;
	s2 =	simm.s32 $0xFFFFFFFF;
	s0 =	simm.s32 $0xC  }
.LBB2_23:
0x2d0: {  	s3 =	smov.u32 s6;
	s4 =	smov.u32 s2  }
0x2d1: {  	s2 =	sshra.s32 s0, $0x2;
	p1 =	sne.s32 s0, $0x7C;
	s0 =	sadd.s32 $0x4, s0;
	(v2sf) =	vpush v0, $0x0  }
0x2d2: {  	v0 =	vld.msk [tilespmem:s2+$0x3658], $0x1  }
.Ltmp19:
0x2d3: {  	(pc) =	sbr.rel @p1 .LBB2_23-.Ltmp19, $4  }
0x2d4: {  	s6 =	spop (v2sf)  }
0x2d5: {  	p2 =	sne.s32 s4, $0xFFFFFFFF;
	s2 =	smov.u32 s6  }
0x2d6: {  	p3 =	seq.s32 s6, $0xFFFFFFFF;
	s2 =	smov.u32 @p2 s4  }
0x2d7: {  	s6 =	smov.u32 @p3 s3;
	s2 =	smov.u32 @p3 s4  }
0x2d8: {  	(v2sf) =	vpush v0, $0x0;
	_ =	sdelay $0x8  }
0x2d9: {  	s0 =	spop (v2sf)  }
0x2da: {  	p1 =	sne.s32 s2, $0xFFFFFFFF;
	s3 =	smov.u32 s0  }
0x2db: {  	s9 =	simm.s32 $0x6;
	p2 =	seq.s32 s0, $0xFFFFFFFF;
	s3 =	smov.u32 @p1 s2  }
0x2dc: {  	s10 =	simm.s32 $0x3638;
	s3 =	smov.u32 @p2 s2;
	s2 =	spop (v2sf)  }
0x2dd: {  	s0 =	smov.u32 @p2 s6;
	p1 =	sne.s32 s3, $0xFFFFFFFF;
	s4 =	smov.u32 s2  }
.Ltmp20:
0x2de: {  	p2 =	seq.s32 s2, $0xFFFFFFFF;
	s4 =	smov.u32 @p1 s3;
	(pc) =	sbr.rel .LBB2_25-.Ltmp20, $4  }
0x2df: {  	s11 =	simm.s32 $0x0;
	s4 =	smov.u32 @p2 s3;
	s7 =	spop (v2sf)  }
0x2e0: {  	[sflag:s9] =	ssyncpa.u1 $0x0;
	p1 =	sne.s32 s4, $0xFFFFFFFF;
	s8 =	smov.u32 s7  }
0x2e1: {  	s2 =	smov.u32 @p2 s0;
	p2 =	seq.s32 s7, $0xFFFFFFFF;
	s8 =	smov.u32 @p1 s4  }
0x2e2: {  	s6 =	simm.s32 $0x0;
	s7 =	smov.u32 @p2 s2;
	s8 =	smov.u32 @p2 s4  }
.LBB2_30:
0x2e3: {  	p1 =	sgt.u32 s12, $0x270FF  }
0x2e4: {  	p2 =	seq.s32 @!p1 s12, s8  }
0x2e5: {  	p1 =	por p1, p2  }
0x2e6: {  	p2 =	sne.s32 @!p1 s12, s7  }
0x2e7: {  	p1 =	por p1, !p2  }
0x2e8: {  	s0 =	sshll.u32 @p1 s11, $0x6  }
0x2e9: {  	s0 =	sand.u32 @!p1 $0x3FFF8, s12  }
0x2ea: {  	s2 =	sand.u32 @!p1 $0x7, s12;
	s0 =	sadd.s32 @!p1 s1, s0  }
0x2eb: {  	[tilespmem:s10], [sflag:$0x6] =	stream.linear.gather @!p1 [hbm4b:s0+s2], $0x8, $0x38;
	[tilespmem:$0x1F0F8] =	vst v63  }
0x2ec: {  	_ =	swait.ge @!p1 [sflag:s9], $0x8  }
0x2ed: {  	[sflag:s9] =	ssyncset.done @!p1 $0x0  }
0x2ee: {  	[sflag:s9] =	ssyncadd.s32 @!p1 $0xFFFFFFF8  }
0x2ef: {  	v1 =	vld @!p1 [tilespmem:$0x3638];
	_ =	sdelay $0x2  }
0x2f0: {  	s0 =	sshll.u32 @!p1 s11, $0x6  }
0x2f1: {  	s2 =	sshrl.u32 @!p1 s0, $0x2  }
0x2f2: {  	[tilespmem:s2+$0x3678] =	vst.add.f32.msk @!p1 $0xffff, v1  }
0x2f3: {  	s0 =	sshrl.u32 s0, $0x2;
	[tilespmem:s6+$0x3658] =	vst.msk $0x1, v0  }
0x2f4: {  	v0 =	vld [tilespmem:s0+$0x3678];
	_ =	sdelay $0x2  }
0x2f5: {  	s31 =	sshll.u32 s6, $0x6  }
0x2f6: {  	s0 =	sshra.s32 s31, $0x2  }
0x2f7: {  	s6 =	sadd.s32 $0x1, s6;
	[tilespmem:s0+$0x3678] =	vst v0  }
.LBB2_32:
0x2f8: {  	s11 =	sadd.s32 $0x1, s11  }
0x2f9: {  	p1 =	sne.s32 s11, $0x20  }
.Ltmp21:
0x2fa: {  	_ = 	snop;
	(pc) =	sbr.rel @!p1 .LBB2_33-.Ltmp21, $1  }
0x2fb: {  	_ =	sdelay $0x3  }
.LBB2_25:
0x2fc: {  	v0 =	vld.msk [tilespmem:s11+$0x3658], $0x1;
	_ =	sdelay $0x4  }
0x2fd: {  	(v2sf) =	vpush v0, $0x0;
	_ =	sdelay $0xe  }
0x2fe: {  	s12 =	spop (v2sf)  }
0x2ff: {  	p1 =	seq.s32 s12, $0xFFFFFFFF  }
.Ltmp22:
0x300: {  	_ = 	snop;
	(pc) =	sbr.rel @p1 .LBB2_32-.Ltmp22, $1  }
0x301: {  	_ =	sdelay $0x3  }
0x302: {  	p1 =	slt.s32 s6, $0x1  }
.Ltmp23:
0x303: {  	_ = 	snop;
	(pc) =	sbr.rel @p1 .LBB2_30-.Ltmp23, $1  }
0x304: {  	_ =	sdelay $0x3  }
0x305: {  	s13 =	simm.s32 $0x3658;
	p1 =	por $0x0, $0x0  }
0x306: {  	v1 =	vld.msk @!p1 [tilespmem:s13+$0x0], $0x1;
	_ =	sdelay $0x4  }
0x307: {  	(v2sf) =	vpush @!p1 v1, $0x0;
	_ =	sdelay $0xd  }
0x308: {  	p3 =	sne.s32 s6, $0x1  }
.Ltmp24:
0x309: {  	s0 =	spop @!p1 (v2sf);
	(pc) =	sbr.rel @!p3 .LBB2_29-.Ltmp24, $4  }
0x30a: {  	p2 =	seq.s32 @!p1 s12, s0  }
0x30b: {  	s14 =	simm.s32 $0x0;
	p2 =	por !p2, p1  }
0x30c: {  	s0 =	simm.s32 $0xFFFFFFFF;
	s14 =	simm.s32 @p2 $0xFFFFFFFF  }
0x30d: {  	s15 =	simm.s32 $0x1;
	s14 =	smov.u32 @p1 s0  }
.LBB2_28:
0x30e: {  	s0 =	smov.u32 s14;
	p1 =	sne.s32 s14, $0xFFFFFFFF  }
0x30f: {  	s13 =	sadd.s32 $0x1, s13;
	s14 =	smov.u32 s15;
	s15 =	sadd.s32 $0x1, s15  }
0x310: {  	p2 =	sne.s32 s6, s15;
	v1 =	vld.msk @!p1 [tilespmem:s13+$0x0], $0x1;
	_ =	sdelay $0x4  }
0x311: {  	(v2sf) =	vpush @!p1 v1, $0x0;
	_ =	sdelay $0xe  }
.Ltmp25:
0x312: {  	s2 =	spop @!p1 (v2sf);
	(pc) =	sbr.rel @p2 .LBB2_28-.Ltmp25, $4  }
0x313: {  	p3 =	seq.s32 @!p1 s12, s2  }
0x314: {  	p3 =	por !p3, p1  }
0x315: {  	s14 =	simm.s32 @p3 $0xFFFFFFFF  }
0x316: {  	s14 =	smov.u32 @p1 s0  }
.LBB2_29:
0x317: {  	p1 =	sne.s32 s14, $0xFFFFFFFF  }
.Ltmp26:
0x318: {  	_ = 	snop;
	(pc) =	sbr.rel @!p1 .LBB2_30-.Ltmp26, $1  }
0x319: {  	_ =	sdelay $0x3  }
0x31a: {  	s0 =	sshll.u32 s11, $0x4  }
0x31b: {  	s0 =	sand.u32 $0x3FFFFFF0, s0  }
0x31c: {  	v0 =	vld [tilespmem:s0+$0x3678]  }
.Ltmp27:
0x31d: {  	_ = 	snop;
	(pc) =	sbr.rel .LBB2_32-.Ltmp27, $4  }
0x31e: {  	_ = 	snop  }
0x31f: {  	s31 =	sshll.u32 s14, $0x6  }
0x320: {  	s0 =	sshra.s32 s31, $0x2  }
0x321: {  	[tilespmem:s0+$0x3678] =	vst.add.f32.msk $0xffff, v0  }
.LBB2_33:
0x322: {  	s0 =	simm.s32 $0x6;
	p1 =	seq.s32 s6, $0x0  }
0x323: {  	[sflag:s0] =	ssyncpa.u1 $0x1;
	v0 =	vimm.s32 @p1 $0xFFFFFFFF  }
0x324: {  	s9 =	sadd.s32 $0xFFFFFFFF, s6;
	[tilespmem:$0x3878] =	vst @p1 v0  }
0x325: {  	v0 =	vld.msk @!p1 [tilespmem:s9+$0x3658], $0x1;
	_ =	sdelay $0x1  }
0x326: {  	v1 =	vld.msk @!p1 [tilespmem:$0x3658], $0x1;
	_ =	sdelay $0x2  }
0x327: {  	p2 =	seq.s32 @!p1 s9, $0x0;
	v0 =	vbroadcast @!p1 v0, $0x0  }
0x328: {  	vm0 =	vmmov @!p1 $0x1;
	p2 =	por !p2, p1  }
0x329: {  	v1 =	vnsel @!p1 vm0, $0xFFFFFFFF, v1;
	vm0 =	vcmask @!p1 $0x308;
	v0 =	vpsel !p2, $0xFFFFFFFF, v0  }
0x32a: {  	p2 =	sne.s32 @!p1 s8, s7;
	v0 =	vsel @!p1 vm0, v1, v0  }
0x32b: {  	s0 =	simm.s32 @!p1 $0x3678;
	s2 =	simm.s32 @!p1 $0x0;
	p3 =	por !p2, p1;
	[tilespmem:$0x3878] =	vst @!p1 v0  }
0x32c: {  	[spmem:s2] =	stream.linear.scatter @!p1 [tilespmem:s0], [sflag:$0x1], $0x10, $0x38;
	[tilespmem:$0x1F0F8] =	vst v63  }
0x32d: {  	s0 =	sshll.u32 @!p3 s9, $0x6  }
0x32e: {  	s0 =	sshra.s32 @!p3 s0, $0x2  }
0x32f: {  	s2 =	simm.s32 @!p3 $0x10;
	s0 =	sadd.s32 @!p3 $0x3678, s0  }
0x330: {  	[spmem:s2] =	stream.linear.scatter @!p3 [tilespmem:s0], [sflag:$0x1], $0x10, $0x38;
	[tilespmem:$0x1F0F8] =	vst v63  }
0x331: {  	s0 =	simm.s32 @!p3 $0x1  }
0x332: {  	_ =	swait.ge @!p3 [sflag:s0], $0x20  }
0x333: {  	p1 =	por p2, p1;
	[sflag:s0] =	ssyncset.done @!p3 $0x0  }
0x334: {  	[sflag:s0] =	ssyncadd.s32 @!p3 $0xFFFFFFE0;
	s0 =	simm.s32 @!p1 $0x1  }
0x335: {  	_ =	swait.ge @!p1 [sflag:s0], $0x10  }
0x336: {  	s29 =	simm.s32 $0x3878;
	[sflag:s0] =	ssyncset.done @!p1 $0x0  }
0x337: {  	s30 =	simm.s32 $0x200;
	s31 =	simm.s32 $0x1;
	[sflag:s0] =	ssyncadd.s32 @!p1 $0xFFFFFFF0  }
0x338: {  	[spmem:s30] =	stream.linear.scatter [tilespmem:s29], [sflag:$0x1], $0x10, $0x38;
	[tilespmem:$0x1F0F8] =	vst v63  }
0x339: {  	_ =	swait.ge [sflag:s31], $0x10  }
0x33a: {  	[sflag:s31] =	ssyncset.done $0x0  }
0x33b: {  	p1 =	seq.s32 s17, $0x0;
	s8 =	rddreg [dreg:$0x2];
	[sflag:s31] =	ssyncadd.s32 $0xFFFFFFF0  }
0x33c: {  	s2 =	sshll.u32 @p1 s8, $0xE;
	s7 =	rddreg [dreg:$0x3]  }
0x33d: {  	s0 =	sadd.s32 @p1 $0x15C3C, s2;
	s2 =	sshll.u32 @p1 s7, $0x11  }
0x33e: {  	_ =	sfence.stream.spmem;
	s0 =	sor.u32 @p1 s2, s0  }
0x33f: {  	[sflag:s0] =	ssyncadd.remote.s32 @p1 $0x1;
	s0 =	simm.s32 @p1 $0x4  }
0x340: {  	s3 =	simm.s32 @!p1 $0x3C;
	s2 =	sand.u32 $0xFFFFFFFE, s8;
	_ =	swait.ge @p1 [sflag:s0], $0x6  }
0x341: {  	s4 =	simm.s32 @!p1 $0x0;
	s2 =	sadd.s32 @!p1 $0x4, s2;
	[sflag:s0] =	ssyncset.done @p1 $0x0  }
0x342: {  	s5 =	simm.s32 @!p1 $0x20;
	[sflag:s0] =	ssyncadd.s32 @p1 $0xFFFFFFFA;
	s0 =	sshll.u32 @!p1 s2, $0x1A  }
0x343: {  	s2 =	sshll.u32 @!p1 s2, $0xD;
	s0 =	sor.u32 @!p1 s0, s7;
	_ =	swait.eq @!p1 [sflag:s3], $0x1  }
0x344: {  	s2 =	sor.u32 @!p1 $0x1C04, s2;
	s3 =	simm.s32 @!p1 $0x1C03;
	s0 =	sor.u32 @!p1 $0x80004000, s0  }
0x345: {  	[spmem:s5], [sflag:s2] =	dma.general @!p1 [spmem:s4], [sflag:s3], length:$0x4, [dreg:$0x0], stride_count:$0x0, ici_dest:s0, dma_misc:DstOpCode:WRITE  }
0x346: {  	p2 =	slt.s32 s9, $0x2;
	s4 =	simm.s32 @!p1 $0x40;
	s5 =	simm.s32 @!p1 $0x42  }
0x347: {  	[spmem:s5], [sflag:s2] =	dma.general @!p1 [spmem:s4], [sflag:s3], length:$0x2, [dreg:$0x0], stride_count:$0x0, ici_dest:s0, dma_misc:DstOpCode:WRITE  }
.Ltmp28:
0x348: {  	s0 =	simm.s32 @!p1 $0x3;
	(pc) =	sbr.rel @p2 .LBB2_37-.Ltmp28, $4  }
0x349: {  	s2 =	sshll.u32 @!p1 s8, $0xE;
	_ =	swait.ge @!p1 [sflag:s0], $0x6  }
0x34a: {  	s3 =	sshll.u32 @!p1 s7, $0x11;
	s2 =	sadd.s32 @!p1 $0x11C3C, s2;
	[sflag:s0] =	ssyncset.done @!p1 $0x0  }
0x34b: {  	[sflag:s0] =	ssyncadd.s32 @!p1 $0xFFFFFFFA;
	s0 =	sor.u32 @!p1 s3, s2  }
0x34c: {  	[sflag:s0] =	ssyncadd.remote.s32 @!p1 $0xFFFFFFFF;
	s0 =	simm.s32 $0x0  }
0x34d: {  	s0 =	simm.s32 $0x3659  }
0x34e: {  	v0 =	vld.msk [tilespmem:s0+$0x0], $0x1;
	_ =	sdelay $0x4  }
0x34f: {  	(v2sf) =	vpush v0, $0x0;
	_ =	sdelay $0xd  }
0x350: {  	s3 =	sadd.s32 $0xFFFFFFFE, s6  }
0x351: {  	s3 =	sadd.s32 $0xFFFFFFFF, s3;
	s0 =	spop (v2sf)  }
0x352: {  	p2 =	sne.s32 s3, $0x0;
	p1 =	sgt.u32 s0, $0x270FF  }
.Ltmp29:
0x353: {  	s4 =	sand.u32 @!p1 $0x3FFF8, s0;
	(pc) =	sbr.rel @!p2 .LBB2_36-.Ltmp29, $4  }
0x354: {  	s2 =	simm.s32 $0x3688;
	s0 =	sand.u32 @!p1 $0x7, s0;
	s4 =	sadd.s32 @!p1 s1, s4  }
0x355: {  	[hbm4b:s4+s0] =	stream.linear.scatter @!p1 [tilespmem:s2], [sflag:$0x5], $0x8, $0x38;
	[tilespmem:$0x1F0F8] =	vst v63  }
0x356: {  	s0 =	simm.s32 $0x0  }
0x357: {  	s6 =	simm.s32 $0x0;
	s7 =	simm.s32 $0x365A;
	s0 =	simm.s32 @!p1 $0x20  }
.LBB2_35:
0x358: {  	v0 =	vld.msk [tilespmem:s7+$0x0], $0x1;
	s3 =	sadd.s32 $0xFFFFFFFF, s3;
	s6 =	sadd.s32 s6, s0  }
0x359: {  	p1 =	sne.s32 s3, $0x0;
	_ =	sdelay $0x3  }
0x35a: {  	(v2sf) =	vpush v0, $0x0;
	_ =	sdelay $0xe  }
.Ltmp30:
0x35b: {  	s4 =	spop (v2sf);
	(pc) =	sbr.rel @p1 .LBB2_35-.Ltmp30, $4  }
0x35c: {  	s0 =	simm.s32 $0x0;
	p2 =	sgt.u32 s4, $0x270FF  }
0x35d: {  	s2 =	sadd.s32 $0x10, s2;
	s0 =	simm.s32 @!p2 $0x20;
	s5 =	sand.u32 @!p2 $0x3FFF8, s4  }
0x35e: {  	s7 =	sadd.s32 $0x1, s7;
	s4 =	sand.u32 @!p2 $0x7, s4;
	s5 =	sadd.s32 @!p2 s1, s5  }
0x35f: {  	[hbm4b:s5+s4] =	stream.linear.scatter @!p2 [tilespmem:s2], [sflag:$0x5], $0x8, $0x38;
	[tilespmem:$0x1F0F8] =	vst v63  }
.LBB2_36:
0x360: {  	s0 =	sadd.s32 s6, s0  }
0x361: {  	s0 =	sshrl.u32 s0, $0x2  }
.LBB2_37:
0x362: {  	s2 =	simm.s32 $0x5  }
0x363: {  	_ =	swait.ge [sflag:s2], s0  }
0x364: {  	s31 =	ssub.s32 $0x0, s0;
	[sflag:s2] =	ssyncset.done $0x0  }
0x365: {  	[sflag:s2] =	ssyncadd.s32 s31  }
0x366: {  	[sflag:s2] =	ssyncpa.u1 $0x1  }
.LBB2_38:
0x367: {  	s0 =	sor.u32 s17, s16  }
0x368: {  	p1 =	sne.s32 s0, $0x0  }
.Ltmp31:
0x369: {  	_ = 	snop;
	(pc) =	sbr.rel @p1 .LBB2_53-.Ltmp31, $3  }
0x36a: {  	_ =	sdelay $0x1  }
0x36b: {  	[bflag:$0x0] =	sbarrier.arrive $0xFFFF  }
0x36c: {  	_ =	sfence  }
0x36d: {  	s0 =	simm.s32 $0x7  }
0x36e: {  	s2 =	simm.s32 $0x200;
	s3 =	simm.s32 $0x3658;
	[sflag:s0] =	ssyncpa.u1 $0x0  }
0x36f: {  	[tilespmem:s3], [sflag:$0x7] =	stream.linear.gather [spmem:s2], $0x20, $0x38;
	[tilespmem:$0x1F0F8] =	vst v63  }
0x370: {  	s30 =	simm.s32 $0x3678;
	s2 =	simm.s32 $0x0  }
0x371: {  	[tilespmem:s30], [sflag:$0x7] =	stream.linear.gather [spmem:s2], $0x200, $0x38;
	[tilespmem:$0x1F0F8] =	vst v63  }
.Ltmp32:
0x372: {  	_ = 	snop;
	(pc) =	sbr.rel .LBB2_40-.Ltmp32, $4  }
0x373: {  	_ =	swait.ge [sflag:s0], $0x220  }
0x374: {  	[sflag:s0] =	ssyncset.done $0x0  }
0x375: {  	s31 =	simm.s32 $0x8;
	[sflag:s0] =	ssyncadd.s32 $0xFFFFFDE0  }
0x376: {  	s3 =	simm.s32 $0x0;
	[sflag:s31] =	ssyncpa.u1 $0x0  }
.LBB2_45:
0x377: {  	p1 =	slt.u32 s4, $0x27100  }
0x378: {  	s0 =	sand.u32 @p1 $0x3FFF8, s4  }
0x379: {  	s4 =	sand.u32 @p1 $0x7, s4;
	s5 =	simm.s32 @p1 $0x3638;
	s0 =	sadd.s32 @p1 s1, s0  }
0x37a: {  	[tilespmem:s5], [sflag:$0x8] =	stream.linear.gather @p1 [hbm4b:s0+s4], $0x8, $0x38;
	[tilespmem:$0x1F0F8] =	vst v63  }
0x37b: {  	s0 =	simm.s32 @p1 $0x8  }
0x37c: {  	_ =	swait.ge @p1 [sflag:s0], $0x8  }
0x37d: {  	[sflag:s0] =	ssyncset.done @p1 $0x0  }
0x37e: {  	[sflag:s0] =	ssyncadd.s32 @p1 $0xFFFFFFF8  }
0x37f: {  	v1 =	vld @p1 [tilespmem:$0x3638];
	_ =	sdelay $0x2  }
0x380: {  	s0 =	sshll.u32 @p1 s3, $0x6  }
0x381: {  	s5 =	sshll.u32 @!p1 s3, $0x6;
	s4 =	sshrl.u32 @p1 s0, $0x2  }
0x382: {  	s5 =	smov.u32 @p1 s0;
	[tilespmem:s4+$0x3678] =	vst.add.f32.msk @p1 $0xffff, v1  }
0x383: {  	s0 =	sshrl.u32 s5, $0x2;
	[tilespmem:s2+$0x3658] =	vst.msk $0x1, v0  }
0x384: {  	v0 =	vld [tilespmem:s0+$0x3678];
	_ =	sdelay $0x2  }
0x385: {  	s31 =	sshll.u32 s2, $0x6  }
0x386: {  	s0 =	sshra.s32 s31, $0x2  }
0x387: {  	s2 =	sadd.s32 $0x1, s2;
	[tilespmem:s0+$0x3678] =	vst v0  }
.LBB2_47:
0x388: {  	s3 =	sadd.s32 $0x1, s3  }
0x389: {  	p1 =	sne.s32 s3, $0x20  }
.Ltmp33:
0x38a: {  	_ = 	snop;
	(pc) =	sbr.rel @!p1 .LBB2_48-.Ltmp33, $1  }
0x38b: {  	_ =	sdelay $0x3  }
.LBB2_40:
0x38c: {  	v0 =	vld.msk [tilespmem:s3+$0x3658], $0x1;
	_ =	sdelay $0x4  }
0x38d: {  	(v2sf) =	vpush v0, $0x0;
	_ =	sdelay $0xe  }
0x38e: {  	s4 =	spop (v2sf)  }
0x38f: {  	p1 =	seq.s32 s4, $0xFFFFFFFF  }
.Ltmp34:
0x390: {  	_ = 	snop;
	(pc) =	sbr.rel @p1 .LBB2_47-.Ltmp34, $1  }
0x391: {  	_ =	sdelay $0x3  }
0x392: {  	p1 =	slt.s32 s2, $0x1  }
.Ltmp35:
0x393: {  	_ = 	snop;
	(pc) =	sbr.rel @p1 .LBB2_45-.Ltmp35, $1  }
0x394: {  	_ =	sdelay $0x3  }
0x395: {  	s5 =	simm.s32 $0x3658;
	p1 =	por $0x0, $0x0  }
0x396: {  	v1 =	vld.msk @!p1 [tilespmem:s5+$0x0], $0x1;
	_ =	sdelay $0x4  }
0x397: {  	(v2sf) =	vpush @!p1 v1, $0x0;
	_ =	sdelay $0xd  }
0x398: {  	p3 =	sne.s32 s2, $0x1  }
.Ltmp36:
0x399: {  	s0 =	spop @!p1 (v2sf);
	(pc) =	sbr.rel @!p3 .LBB2_44-.Ltmp36, $4  }
0x39a: {  	p2 =	seq.s32 @!p1 s4, s0  }
0x39b: {  	s6 =	simm.s32 $0x0;
	p2 =	por !p2, p1  }
0x39c: {  	s0 =	simm.s32 $0xFFFFFFFF;
	s6 =	simm.s32 @p2 $0xFFFFFFFF  }
0x39d: {  	s7 =	simm.s32 $0x1;
	s6 =	smov.u32 @p1 s0  }
.LBB2_43:
0x39e: {  	s0 =	smov.u32 s6;
	p1 =	sne.s32 s6, $0xFFFFFFFF  }
0x39f: {  	s5 =	sadd.s32 $0x1, s5;
	s6 =	smov.u32 s7;
	s7 =	sadd.s32 $0x1, s7  }
0x3a0: {  	p2 =	sne.s32 s2, s7;
	v1 =	vld.msk @!p1 [tilespmem:s5+$0x0], $0x1;
	_ =	sdelay $0x4  }
0x3a1: {  	(v2sf) =	vpush @!p1 v1, $0x0;
	_ =	sdelay $0xe  }
.Ltmp37:
0x3a2: {  	s8 =	spop @!p1 (v2sf);
	(pc) =	sbr.rel @p2 .LBB2_43-.Ltmp37, $4  }
0x3a3: {  	p3 =	seq.s32 @!p1 s4, s8  }
0x3a4: {  	p3 =	por !p3, p1  }
0x3a5: {  	s6 =	simm.s32 @p3 $0xFFFFFFFF  }
0x3a6: {  	s6 =	smov.u32 @p1 s0  }
.LBB2_44:
0x3a7: {  	p1 =	sne.s32 s6, $0xFFFFFFFF  }
.Ltmp38:
0x3a8: {  	_ = 	snop;
	(pc) =	sbr.rel @!p1 .LBB2_45-.Ltmp38, $1  }
0x3a9: {  	_ =	sdelay $0x3  }
0x3aa: {  	s0 =	sshll.u32 s3, $0x4  }
0x3ab: {  	s0 =	sand.u32 $0x3FFFFFF0, s0  }
0x3ac: {  	v0 =	vld [tilespmem:s0+$0x3678]  }
.Ltmp39:
0x3ad: {  	_ = 	snop;
	(pc) =	sbr.rel .LBB2_47-.Ltmp39, $4  }
0x3ae: {  	_ = 	snop  }
0x3af: {  	s31 =	sshll.u32 s6, $0x6  }
0x3b0: {  	s0 =	sshra.s32 s31, $0x2  }
0x3b1: {  	[tilespmem:s0+$0x3678] =	vst.add.f32.msk $0xffff, v0  }
.LBB2_48:
0x3b2: {  	p1 =	slt.s32 s2, $0x1  }
.Ltmp40:
0x3b3: {  	_ = 	snop;
	(pc) =	sbr.rel @p1 .LBB2_52-.Ltmp40, $3  }
0x3b4: {  	_ =	sdelay $0x1  }
0x3b5: {  	s0 =	simm.s32 $0x8  }
0x3b6: {  	s3 =	simm.s32 $0x0;
	[sflag:s0] =	ssyncpa.u1 $0x1  }
0x3b7: {  	s0 =	simm.s32 $0x3658  }
0x3b8: {  	v0 =	vld.msk [tilespmem:s0+$0x0], $0x1;
	_ =	sdelay $0x4  }
0x3b9: {  	(v2sf) =	vpush v0, $0x0;
	_ =	sdelay $0xe  }
0x3ba: {  	s2 =	sadd.s32 $0xFFFFFFFF, s2;
	s0 =	spop (v2sf)  }
0x3bb: {  	p2 =	sne.s32 s2, $0x0;
	p1 =	sgt.u32 s0, $0x270FF  }
.Ltmp41:
0x3bc: {  	s5 =	sand.u32 @!p1 $0x3FFF8, s0;
	(pc) =	sbr.rel @!p2 .LBB2_51-.Ltmp41, $4  }
0x3bd: {  	s4 =	simm.s32 $0x3678;
	s0 =	sand.u32 @!p1 $0x7, s0;
	s5 =	sadd.s32 @!p1 s1, s5  }
0x3be: {  	[hbm4b:s5+s0] =	stream.linear.scatter @!p1 [tilespmem:s4], [sflag:$0x7], $0x8, $0x38;
	[tilespmem:$0x1F0F8] =	vst v63  }
0x3bf: {  	s0 =	simm.s32 $0x0  }
0x3c0: {  	s5 =	simm.s32 $0x3659;
	s0 =	simm.s32 @!p1 $0x20  }
.LBB2_50:
0x3c1: {  	v0 =	vld.msk [tilespmem:s5+$0x0], $0x1;
	s2 =	sadd.s32 $0xFFFFFFFF, s2;
	s3 =	sadd.s32 s3, s0  }
0x3c2: {  	p1 =	sne.s32 s2, $0x0;
	_ =	sdelay $0x3  }
0x3c3: {  	(v2sf) =	vpush v0, $0x0;
	_ =	sdelay $0xe  }
.Ltmp42:
0x3c4: {  	s6 =	spop (v2sf);
	(pc) =	sbr.rel @p1 .LBB2_50-.Ltmp42, $4  }
0x3c5: {  	s0 =	simm.s32 $0x0;
	p2 =	sgt.u32 s6, $0x270FF  }
0x3c6: {  	s4 =	sadd.s32 $0x10, s4;
	s0 =	simm.s32 @!p2 $0x20;
	s7 =	sand.u32 @!p2 $0x3FFF8, s6  }
0x3c7: {  	s5 =	sadd.s32 $0x1, s5;
	s6 =	sand.u32 @!p2 $0x7, s6;
	s7 =	sadd.s32 @!p2 s1, s7  }
0x3c8: {  	[hbm4b:s7+s6] =	stream.linear.scatter @!p2 [tilespmem:s4], [sflag:$0x7], $0x8, $0x38;
	[tilespmem:$0x1F0F8] =	vst v63  }
.LBB2_51:
0x3c9: {  	s0 =	sadd.s32 s3, s0  }
0x3ca: {  	s3 =	sshrl.u32 s0, $0x2  }
.LBB2_52:
0x3cb: {  	s0 =	simm.s32 $0x7  }
0x3cc: {  	_ =	swait.ge [sflag:s0], s3  }
0x3cd: {  	s1 =	ssub.s32 $0x0, s3;
	[sflag:s0] =	ssyncset.done $0x0  }
0x3ce: {  	[sflag:s0] =	ssyncadd.s32 s1  }
0x3cf: {  	[sflag:s0] =	ssyncpa.u1 $0x1  }
.LBB2_53:
0x3d0: {  	_ =	sfence;
	s0 =	simm.s32 $0x1  }
0x3d1: {  	[sflag:s0] =	ssyncpa.u1 $0x1  }
0x3d2: {  	_ =	strace $0x90000050  }
0x3d3: {  	[bflag:$0x2] =	sbarrier.arrive $0xFFFF  }
0x3d4: {  	s0 =	rddreg [dreg:$0x4]  }
0x3d5: {  	s0 =	sadd.s32 @!p0 $0x100000, s0  }
0x3d6: {  	[sflag:s0] =	ssyncadd.tile.s32 @!p0 $0x1;
	_ =	shalt  }
.Lfunc_end2:
_tile_overlayer_lowered:
.L_overlay_start_2:
0x3d7: {  	(tag) =	ssettag $0x2  }
0x3d8: {  	s0 =	rddreg [dreg:$0x0];
	s2 =	stileid.u32  }
0x3d9: {  	s1 =	rddreg [dreg:$0x1];
	p0 =	sne.s32 s2, $0x0  }
0x3da: {  	s3 =	rddreg [dreg:$0x2];
	[bflag:$0x3] =	sbarrier.arrive $0xFFFF;
	s2 =	simm.s32 @!p0 $0x1C01  }
0x3db: {  	[timem:s3], [sflag:s2] =	dma.local @!p0 [hbm:s0], s1  }
0x3dc: {  	s0 =	simm.s32 @!p0 $0x1  }
0x3dd: {  	_ =	swait.ge @!p0 [sflag:s0], s1  }
0x3de: {  	s1 =	ssub.s32 @!p0 $0x0, s1;
	[sflag:s0] =	ssyncset.done @!p0 $0x0  }
0x3df: {  	[sflag:s0] =	ssyncadd.s32 @!p0 s1  }
0x3e0: {  	[bflag:$0x3] =	sbarrier.arrive $0xFFFF  }
0x3e1: {  	_ =	shalt  }

// kernel: sparse-core-data-format-call.cloned.1.call-start
scs
called_computation.1_lowered:
.L_overlay_start_0:
0x0: {  	s1 =	sld [smem:$0x3FD9]  }
0x1: {  	s2 =	sld [smem:$0x3FFE];
	_ =	sdelay $0x1  }
0x2: {  	s3 =	srdreg.scid  }
0x3: {  	s0 =	sand.u32 $0x1, s3  }
0x4: {  	s17 =	sshll.u32 s0, $0xA;
	s1 =	sadd.s32 s2, s1  }
0x5: {  	s1 =	sadd.s32 s1, s17  }
0x6: {  	[smem:$0x3FBD] =	sst s1  }
0x7: {  	_ = 	snop  }
0x8: {  	(tm) =	ssettm $0x1  }
0x9: {  	s18 =	sld [smem:$0x3FFB];
	_ =	sdelay $0x3  }
0xa: {  	_ =	strace s18  }
0xb: {  	s1 =	sld [smem:$0x3FFC];
	_ =	sdelay $0x3  }
0xc: {  	_ =	strace s1  }
0xd: {  	s1 =	sld [smem:$0x3FFD];
	_ =	sdelay $0x3  }
0xe: {  	_ =	strace s1  }
0xf: {  	_ =	strace $0x8FFFFFFF  }
0x10: {  	s19 =	sld [smem:$0x3FDB];
	_ =	sdelay $0x1  }
0x11: {  	s20 =	simm.s32 $_scs_section_size  }
0x12: {  	s4 =	simm.s32 $_size__tile_overlayer_lowered;
	s5 =	simm.s32 $_tile_overlayer_lowered  }
0x13: {  	s23 =	simm.s32 $0x1BFF;
	s22 =	sshll.u32 s5, $0x1;
	s1 =	sadd.s32 s20, s19  }
0x14: {  	s6 =	simm.s32 $0x0;
	s21 =	sshll.u32 s4, $0x1;
	s4 =	sadd.s32 s22, s1  }
0x15: {  	[timem:s6], [sflag:s23] =	dma.local [hbm:s4], s21  }
0x16: {  	_ =	swait.ge [sflag:s23], s21  }
0x17: {  	s2 =	ssub.s32 $0x0, s21;
	[sflag:s23] =	ssyncset.done $0x0  }
0x18: {  	[sflag:s23] =	ssyncadd.s32 s2;
	_ =	sdelay $0x1  }
0x19: {  	s24 =	simm.s32 $0x1B8B  }
0x1a: {  	_ =	swait.ge [sflag:s24], $0x1  }
0x1b: {  	[sflag:s24] =	ssyncset.done $0x0  }
0x1c: {  	s26 =	simm.s32 $0x1B8E;
	s25 =	sld [smem:$0x3FFE];
	[sflag:s24] =	ssyncadd.s32 $0xFFFFFFFF  }
0x1d: {  	s27 =	simm.s32 $execute0_lowered;
	[smem:$0x3FD2] =	sst s26  }
0x1e: {  	s4 =	sshll.u32 s27, $0x1;
	_ =	strace $0x8000004C;
	[dreg:$0x1] =	wrdreg $0xFFFFFFFF  }
0x1f: {  	s28 =	simm.s32 $_size_execute0_lowered;
	s1 =	sadd.s32 s1, s4;
	[dreg:$0x0] =	wrdreg $0x0  }
0x20: {  	s4 =	sshll.u32 s28, $0x1;
	[dreg:$0x2] =	wrdreg s1  }
0x21: {  	[dreg:$0x3] =	wrdreg s4  }
0x22: {  	[dreg:$0x4] =	wrdreg $0xC0  }
0x23: {  	_ =	task [dreg:s6], $0x5FFFF  }
0x24: {  	[dreg:$0x1] =	wrdreg $0xFFFFFFFF  }
0x25: {  	[dreg:$0x0] =	wrdreg $0x60  }
0x26: {  	[dreg:$0x2] =	wrdreg s25  }
0x27: {  	[dreg:$0x3] =	wrdreg $0xA  }
0x28: {  	_ =	task.clear_ibuf [dreg:s6], $0x4FFFF;
	_ =	strace $0x9000004C  }
0x29: {  	s29 =	simm.s32 $0xA;
	_ =	strace $0x8000004E  }
0x2a: {  	_ =	swait.ge [sflag:s29], $0x1  }
0x2b: {  	[sflag:s29] =	ssyncadd.s32 $0xFFFFFFFF  }
0x2c: {  	_ =	strace $0x9000004E  }
0x2d: {  	_ =	sfence  }
0x2e: {  	s30 =	sld [smem:$0x0];
	_ =	sdelay $0x2  }
0x2f: {  	s31 =	sshll.u32 s3, $0xD;
	s3 =	sshrl.u32 s3, $0x2  }
0x30: {  	s2 =	sand.u32 $0x4000, s31;
	s1 =	sadd.s32 s3, s30  }
0x31: {  	s0 =	sor.u32 s2, s0;
	s1 =	sshll.u32 s1, $0x11  }
0x32: {  	s0 =	sor.u32 s1, s0  }
0x33: {  	s0 =	sadd.s32 $0x8F2B, s0  }
0x34: {  	[sflag:s0] =	ssyncadd.remote.s32 $0x1  }
0x35: {  	_ =	sfence.sel $0xFFFF  }
0x36: {  	[dreg:$0x0] =	wrdreg $0xFFFFFFFF;
	(pc) =	sbr.abs _section_cstart, $3  }
0x37: {  	[dreg:$0x1] =	wrdreg $0xFFFFFFFF  }
0x38: {  	_ =	task.clear_ibuf [dreg:s6], $0x2FFFF;
	_ =	strace $0x9FFFFFFF  }
0x39: {  	(tm) =	ssettm $0x7FFFFFFF  }
tec
execute0_lowered:
.L_overlay_start_1:
0x0: {  	(tag) =	ssettag $0x1  }
0x1: {  	s0 =	stileid.u32  }
0x2: {  	s1 =	srdreg.scid;
	s7 =	rddreg [dreg:$0x0];
	s31 =	simm.s32 $0x2  }
0x3: {  	s14 =	simm.s32 $0x0;
	s15 =	simm.s32 $0x0;
	s16 =	simm.s32 $0x0  }
0x4: {  	s2 =	sshll.u32 s0, $0x3;
	s3 =	sshll.u32 s0, $0x6;
	s1 =	sshll.u32 s1, $0xA  }
0x5: {  	s12 =	simm.s32 $0x0;
	s2 =	sand.u32 $0x18, s2;
	s1 =	sor.u32 s3, s1  }
0x6: {  	s13 =	simm.s32 $0x0;
	s3 =	sand.u32 $0x700, s1;
	s4 =	ssub.s32 $0x20, s2  }
0x7: {  	s1 =	rddreg [dreg:$0x1];
	_ =	strace $0x8000004D;
	s11 =	smov.u32 s2  }
0x8: {  	s5 =	sand.u32 $0x18, s4;
	s6 =	ssub.s32 $0x27100, s3;
	s4 =	sshrl.u32 s4, $0x5  }
0x9: {  	p0 =	sne.s32 s5, $0x0;
	s5 =	simm.s32 $0x1;
	s8 =	sand.u32 $0x700, s6  }
0xa: {  	s5 =	simm.s32 @!p0 $0x0;
	p0 =	sne.s32 s8, $0x0;
	s8 =	simm.s32 $0x1  }
.Ltmp0:
0xb: {  	s6 =	sshrl.u32 s6, $0xB;
	s8 =	simm.s32 @!p0 $0x0;
	(pc) =	sbr.rel .LBB1_1-.Ltmp0, $4  }
0xc: {  	s10 =	smov.u32 s3;
	s9 =	sadd.s32 s5, s4;
	s6 =	sadd.s32 s8, s6  }
0xd: {  	s4 =	sadd.s32 $0x7FA000, s7;
	s5 =	simm.s32 $0x1;
	s6 =	smul.u32 s9, s6  }
0xe: {  	s7 =	sadd.s32 $0xCDC000, s7;
	p0 =	por $0x0, $0x0;
	[sflag:s5] =	ssyncpa.u1 $0x0  }
0xf: {  	[sflag:s31] =	ssyncpa.u1 $0x0;
	s9 =	simm.s32 $0x80;
	s8 =	sadd.s32 $0x1, s6  }
.LBB1_7:
0x10: {  	s17 =	sadd.s32 $0x800, s10  }
0x11: {  	s14 =	sadd.s32 $0x20, s11;
	s18 =	smov.u32 s11;
	p2 =	sgt.s32 s17, $0x270FF  }
0x12: {  	s18 =	smov.u32 @p2 s14  }
0x13: {  	s20 =	smov.u32 s12;
	s14 =	sadd.s32 $0x8, s12;
	p3 =	sgt.s32 s18, $0x1F  }
0x14: {  	s20 =	smov.u32 @p3 s14  }
0x15: {  	s17 =	smov.u32 @p2 s3;
	p2 =	sgt.s32 s20, $0x7  }
0x16: {  	p1 =	slt.u32 s13, $0x2;
	s20 =	simm.s32 @p2 $0x0;
	p2 =	sne.s32 s13, s8  }
.Ltmp1:
0x17: {  	s19 =	simm.s32 @!p1 $0x2;
	(pc) =	sbr.rel @!p2 .LBB1_8-.Ltmp1, $4  }
0x18: {  	s15 =	smov.u32 s11;
	s16 =	smov.u32 s12;
	_ =	swait.ge @!p1 [sflag:s19], $0x4000  }
0x19: {  	p0 =	por !p0, !p0;
	[sflag:s19] =	ssyncset.done @!p1 $0x0;
	s18 =	smov.u32 @p3 s2  }
0x1a: {  	s14 =	smov.u32 s10;
	[sflag:s19] =	ssyncadd.s32 @!p1 $0xFFFFC000;
	s10 =	smov.u32 s17  }
0x1b: {  	s11 =	smov.u32 s18;
	s13 =	sadd.s32 $0x1, s13;
	s12 =	smov.u32 s20  }
.LBB1_1:
0x1c: {  	p1 =	sge.u32 s13, s6  }
0x1d: {  	s17 =	sshrl.u32 @!p1 s11, $0x3  }
0x1e: {  	s18 =	sshll.u32 @!p1 s10, $0x3;
	s17 =	smul.u32 @!p1 $0x138800, s17  }
0x1f: {  	s19 =	sshll.u32 @!p1 s11, $0x7;
	s18 =	sand.u32 @!p1 $0xFFFFFC00, s18  }
0x20: {  	s17 =	sadd.s32 @!p1 s17, s18;
	s18 =	sand.u32 @!p1 $0x380, s19  }
0x21: {  	s19 =	sand.u32 @!p1 $0x7F, s10;
	s17 =	sor.u32 @!p1 s18, s17  }
0x22: {  	s18 =	sor.u32 @!p1 s19, s17  }
0x23: {  	s19 =	smulhi.u32 @!p1 $0xD1B71759, s18  }
0x24: {  	s17 =	smulhi.u32 @!p1 $0xD1B71759, s17  }
0x25: {  	s19 =	sshrl.u32 @!p1 s19, $0x11  }
0x26: {  	s31 =	sadd.s32 $0xFFFFFFFF, s13;
	s17 =	sshrl.u32 @!p1 s17, $0x11;
	s19 =	smul.u32 @!p1 $0x27100, s19  }
0x27: {  	s20 =	sxor.u32 @!p1 $0xFFFFFFFF, s13;
	s21 =	smul.u32 @!p1 $0x9C400, s12;
	s17 =	sand.u32 @!p1 $0x1F, s17  }
0x28: {  	s20 =	sshll.u32 @!p1 s20, $0xE;
	s17 =	smul.u32 @!p1 $0x4E20, s17;
	s18 =	ssub.s32 @!p1 s18, s19  }
0x29: {  	s19 =	sand.u32 @!p1 $0x4000, s20;
	s20 =	sadd.s32 @!p1 s4, s21;
	s21 =	sand.u32 @!p1 $0x7, s18  }
0x2a: {  	s18 =	sshrl.u32 @!p1 s18, $0x3;
	s17 =	sadd.s32 @!p1 s17, s20;
	s20 =	sshll.u32 @!p1 s21, $0x12  }
0x2b: {  	s17 =	sadd.s32 @!p1 s18, s17;
	s18 =	sor.u32 @!p1 $0x800, s20;
	s20 =	simm.s32 @!p1 $0x4E2000  }
0x2c: {  	[tilespmem:s19], [sflag:$0x1] =	stream.strided.gather @!p1 [hbm4b:s17+s18], $0x4000, s20, s18, $0x38;
	[tilespmem:$0x11000] =	vst v63  }
0x2d: {  	p1 =	sge.u32 s31, s6  }
.Ltmp2:
0x2e: {  	_ = 	snop;
	(pc) =	sbr.rel @p1 .LBB1_7-.Ltmp2, $1  }
0x2f: {  	_ =	sdelay $0x3  }
0x30: {  	s17 =	simm.s32 $0x1;
	s20 =	sand.u32 $0x1, s13  }
0x31: {  	_ =	swait.ge [sflag:s5], $0x4000;
	s17 =	simm.s32 @!p0 $0x0;
	s21 =	smul.u32 $0x12000, s20  }
0x32: {  	s22 =	simm.s32 $0x0;
	[sflag:s5] =	ssyncset.done $0x0;
	s18 =	smul.u32 $0x12000, s17  }
0x33: {  	s20 =	sshll.u32 s20, $0xE;
	s17 =	sshll.u32 s17, $0xE;
	[sflag:s5] =	ssyncadd.s32 $0xFFFFC000  }
0x34: {  	s19 =	sor.u32 $0x410, s17;
	s31 =	sshrl.u32 s21, $0x2;
	s18 =	sshrl.u32 s18, $0x2  }
0x35: {  	s21 =	simm.s32 $0x0;
	s17 =	sor.u32 $0x8000, s31;
	s18 =	sor.u32 $0x8000, s18  }
.LBB1_3:
0x36: {  	s23 =	sshll.u32 s22, $0xB  }
0x37: {  	v2 =	vld [tilespmem:s19+$0xFFFFFBF0];
	v0 =	vmov s23  }
0x38: {  	v3 =	vld [tilespmem:s19+$0xFFFFFC00]  }
0x39: {  	s31 =	sand.u32 $0x300, s21;
	v4 =	vld [tilespmem:s19+$0xFFFFFC10]  }
0x3a: {  	s24 =	sand.u32 $0x80, s21;
	v6 =	vld [tilespmem:s19+$0xFFFFFC20];
	s23 =	sadd.s32 s31, s20  }
0x3b: {  	v7 =	vld [tilespmem:s19+$0xFFFFFC30];
	s23 =	sadd.s32 s24, s23  }
0x3c: {  	v1 =	vld.idx.msk [tilespmem:v0+s23+$0x400 ss:$0x1], $0xffff;
	s23 =	sadd.s32 $0x0, s18  }
0x3d: {  	v8 =	vld [tilespmem:s19+$0xFFFFFC40];
	[tilespmem:s23+$0x0 ss:$0x48] =	vst.msk $0xffff, v2  }
0x3e: {  	v9 =	vld [tilespmem:s19+$0xFFFFFC50];
	[tilespmem:s23+$0x480 ss:$0x48] =	vst.msk $0xffff, v3  }
0x3f: {  	v5 =	vld [tilespmem:s19+$0xFFFFFC60];
	[tilespmem:s23+$0x900 ss:$0x48] =	vst.msk $0xffff, v4  }
0x40: {  	v4 =	vld [tilespmem:s19+$0x0];
	[tilespmem:s23+$0xD80 ss:$0x48] =	vst.msk $0xffff, v6  }
0x41: {  	v3 =	vld [tilespmem:s19+$0x10];
	[tilespmem:s23+$0x1200 ss:$0x48] =	vst.msk $0xffff, v7  }
0x42: {  	[tilespmem:s23+$0x1680 ss:$0x48] =	vst.msk $0xffff, v8;
	v2 =	vld [tilespmem:s19+$0x30]  }
0x43: {  	s26 =	simm.s32 $0x80;
	s27 =	simm.s32 $0x8;
	[tilespmem:s23+$0x2400 ss:$0x48] =	vst.msk $0xffff, v1;
	v1 =	vld [tilespmem:s19+$0x20]  }
0x44: {  	s25 =	smov.u32 s19;
	s28 =	sand.u32 $0x300, s26;
	s24 =	simm.s32 $0x4;
	[tilespmem:s23+$0x1B00 ss:$0x48] =	vst.msk $0xffff, v9;
	v6 =	vld [tilespmem:s19+$0x40]  }
.LBB1_4:
0x45: {  	p1 =	sne.s32 s27, $0x1C;
	s29 =	sand.u32 $0x80, s26;
	s28 =	sadd.s32 s28, s20;
	[tilespmem:s23+$0x1F80 ss:$0x48] =	vst.msk $0xffff, v5;
	v5 =	vld [tilespmem:s25+$0x50]  }
0x46: {  	s28 =	sadd.s32 s29, s28;
	[tilespmem:s23+$0x2880 ss:$0x48] =	vst.msk $0xffff, v4;
	v4 =	vld [tilespmem:s25+$0x60]  }
0x47: {  	s25 =	sadd.s32 $0x80, s25;
	v7 =	vld.idx.msk [tilespmem:v0+s28+$0x400 ss:$0x1], $0xffff;
	[tilespmem:s23+$0x2D00 ss:$0x48] =	vst.msk $0xffff, v3  }
0x48: {  	v3 =	vld [tilespmem:s25+$0xFFFFFBF0];
	[tilespmem:s23+$0x3180 ss:$0x48] =	vst.msk $0xffff, v1  }
0x49: {  	v1 =	vld [tilespmem:s25+$0xFFFFFC00];
	[tilespmem:s23+$0x3600 ss:$0x48] =	vst.msk $0xffff, v2  }
0x4a: {  	v2 =	vld [tilespmem:s25+$0xFFFFFC10];
	[tilespmem:s23+$0x3A80 ss:$0x48] =	vst.msk $0xffff, v6  }
0x4b: {  	s28 =	sshra.s32 s24, $0x2;
	s24 =	smov.u32 s27;
	v6 =	vld [tilespmem:s25+$0xFFFFFC20];
	[tilespmem:s23+$0x3F00 ss:$0x48] =	vst.msk $0xffff, v5  }
0x4c: {  	v8 =	vld [tilespmem:s25+$0xFFFFFC30];
	[tilespmem:s23+$0x4380 ss:$0x48] =	vst.msk $0xffff, v4;
	s23 =	sadd.s32 s28, s18  }
0x4d: {  	v9 =	vld [tilespmem:s25+$0xFFFFFC40];
	[tilespmem:s23+$0x2400 ss:$0x48] =	vst.msk $0xffff, v7  }
0x4e: {  	[tilespmem:s23+$0x0 ss:$0x48] =	vst.msk $0xffff, v3;
	v7 =	vld [tilespmem:s25+$0xFFFFFC50]  }
0x4f: {  	[tilespmem:s23+$0x480 ss:$0x48] =	vst.msk $0xffff, v1;
	v5 =	vld [tilespmem:s25+$0xFFFFFC60]  }
.Ltmp3:
0x50: {  	[tilespmem:s23+$0x900 ss:$0x48] =	vst.msk $0xffff, v2;
	v4 =	vld [tilespmem:s25+$0x0];
	(pc) =	sbr.rel @p1 .LBB1_4-.Ltmp3, $4  }
0x51: {  	[tilespmem:s23+$0xD80 ss:$0x48] =	vst.msk $0xffff, v6;
	v3 =	vld [tilespmem:s25+$0x10]  }
0x52: {  	[tilespmem:s23+$0x1200 ss:$0x48] =	vst.msk $0xffff, v8;
	v1 =	vld [tilespmem:s25+$0x20]  }
0x53: {  	s26 =	sadd.s32 $0x80, s26;
	[tilespmem:s23+$0x1680 ss:$0x48] =	vst.msk $0xffff, v9;
	v2 =	vld [tilespmem:s25+$0x30]  }
0x54: {  	s27 =	sadd.s32 $0x4, s27;
	s28 =	sand.u32 $0x300, s26;
	[tilespmem:s23+$0x1B00 ss:$0x48] =	vst.msk $0xffff, v7;
	v6 =	vld [tilespmem:s25+$0x40]  }
0x55: {  	[tilespmem:s23+$0x1F80 ss:$0x48] =	vst.msk $0xffff, v5  }
0x56: {  	v47 =	vld [tilespmem:s25+$0x50];
	[tilespmem:s23+$0x2880 ss:$0x48] =	vst.msk $0xffff, v4  }
0x57: {  	v48 =	vld [tilespmem:s25+$0x60];
	s31 =	sadd.s32 $0x80, s25;
	[tilespmem:s23+$0x2D00 ss:$0x48] =	vst.msk $0xffff, v3  }
0x58: {  	v49 =	vld [tilespmem:s31+$0xFFFFFBF0];
	[tilespmem:s23+$0x3180 ss:$0x48] =	vst.msk $0xffff, v1  }
0x59: {  	v50 =	vld [tilespmem:s31+$0xFFFFFC00];
	[tilespmem:s23+$0x3600 ss:$0x48] =	vst.msk $0xffff, v2  }
0x5a: {  	v51 =	vld [tilespmem:s31+$0xFFFFFC10];
	[tilespmem:s23+$0x3A80 ss:$0x48] =	vst.msk $0xffff, v6  }
0x5b: {  	s24 =	sshra.s32 s24, $0x2;
	v52 =	vld [tilespmem:s31+$0xFFFFFC20];
	[tilespmem:s23+$0x3F00 ss:$0x48] =	vst.msk $0xffff, v47  }
0x5c: {  	s24 =	sadd.s32 s24, s18;
	v53 =	vld [tilespmem:s31+$0xFFFFFC30];
	[tilespmem:s23+$0x4380 ss:$0x48] =	vst.msk $0xffff, v48  }
0x5d: {  	v54 =	vld [tilespmem:s31+$0xFFFFFC40];
	[tilespmem:s24+$0x0 ss:$0x48] =	vst.msk $0xffff, v49  }
0x5e: {  	v55 =	vld [tilespmem:s31+$0xFFFFFC50];
	[tilespmem:s24+$0x480 ss:$0x48] =	vst.msk $0xffff, v50  }
0x5f: {  	v56 =	vld [tilespmem:s31+$0xFFFFFC60];
	[tilespmem:s24+$0x900 ss:$0x48] =	vst.msk $0xffff, v51  }
0x60: {  	v57 =	vld [tilespmem:s31+$0x0];
	[tilespmem:s24+$0xD80 ss:$0x48] =	vst.msk $0xffff, v52  }
0x61: {  	v58 =	vld [tilespmem:s31+$0x10];
	[tilespmem:s24+$0x1200 ss:$0x48] =	vst.msk $0xffff, v53  }
0x62: {  	v59 =	vld [tilespmem:s31+$0x20];
	[tilespmem:s24+$0x1680 ss:$0x48] =	vst.msk $0xffff, v54  }
0x63: {  	v60 =	vld [tilespmem:s31+$0x30];
	[tilespmem:s24+$0x1B00 ss:$0x48] =	vst.msk $0xffff, v55  }
0x64: {  	v61 =	vld [tilespmem:s31+$0x40];
	[tilespmem:s24+$0x1F80 ss:$0x48] =	vst.msk $0xffff, v56  }
0x65: {  	s26 =	sand.u32 $0x80, s26;
	s27 =	sadd.s32 s28, s20;
	v62 =	vld [tilespmem:s31+$0x50];
	[tilespmem:s24+$0x2880 ss:$0x48] =	vst.msk $0xffff, v57  }
0x66: {  	s22 =	sadd.s32 $0x1, s22;
	s26 =	sadd.s32 s26, s27;
	v63 =	vld [tilespmem:s31+$0x60];
	[tilespmem:s24+$0x2D00 ss:$0x48] =	vst.msk $0xffff, v58  }
0x67: {  	p1 =	sne.s32 s22, $0x8;
	v0 =	vld.idx.msk [tilespmem:v0+s26+$0x400 ss:$0x1], $0xffff;
	[tilespmem:s24+$0x3180 ss:$0x48] =	vst.msk $0xffff, v59  }
.Ltmp4:
0x68: {  	[tilespmem:s24+$0x3600 ss:$0x48] =	vst.msk $0xffff, v60;
	(pc) =	sbr.rel @p1 .LBB1_3-.Ltmp4, $4  }
0x69: {  	[tilespmem:s24+$0x3A80 ss:$0x48] =	vst.msk $0xffff, v61  }
0x6a: {  	[tilespmem:s24+$0x3F00 ss:$0x48] =	vst.msk $0xffff, v62  }
0x6b: {  	[tilespmem:s24+$0x4380 ss:$0x48] =	vst.msk $0xffff, v63  }
0x6c: {  	s19 =	sadd.s32 $0x800, s19;
	s18 =	sadd.s32 $0x9, s18;
	[tilespmem:s24+$0x2400 ss:$0x48] =	vst.msk $0xffff, v0  }
0x6d: {  	s16 =	sshll.u32 s16, $0x4  }
.Ltmp5:
0x6e: {  	s14 =	sshll.u32 s14, $0x7;
	s16 =	sand.u32 $0x70, s16;
	(pc) =	sbr.rel .LBB1_7-.Ltmp5, $4  }
0x6f: {  	s18 =	sshrl.u32 s15, $0x3;
	s31 =	sand.u32 $0x7, s15;
	s16 =	sadd.s32 s7, s16  }
0x70: {  	s18 =	sand.u32 $0xF, s18;
	s15 =	sshll.u32 s31, $0x12;
	s14 =	sadd.s32 s14, s16  }
0x71: {  	s15 =	sor.u32 $0x8, s15;
	s14 =	sadd.s32 s18, s14  }
0x72: {  	[hbm4b:s14+s15] =	stream.strided.scatter [tilespmem:s17], [sflag:$0x2], $0x4000, s9, s15, $0x0;
	[tilespmem:$0x11000] =	vst v63  }
.LBB1_8:
0x73: {  	_ =	sfence.sel $0x180000  }
0x74: {  	s2 =	simm.s32 $0x1;
	[bflag:$0x0] =	sbarrier.arrive $0xFFFF  }
0x75: {  	s31 =	simm.s32 $0x2;
	[sflag:s2] =	ssyncpa.u1 $0x1  }
0x76: {  	[sflag:s31] =	ssyncpa.u1 $0x1  }
0x77: {  	p0 =	sne.s32 s0, $0x0;
	_ =	strace $0x9000004D  }
0x78: {  	s0 =	sadd.s32 @!p0 $0x100000, s1;
	[bflag:$0x2] =	sbarrier.arrive $0xFFFF  }
0x79: {  	[sflag:s0] =	ssyncadd.tile.s32 @!p0 $0x1;
	_ =	shalt  }
.Lfunc_end1:
_tile_overlayer_lowered:
.L_overlay_start_2:
0x7a: {  	(tag) =	ssettag $0x2  }
0x7b: {  	s0 =	rddreg [dreg:$0x0];
	s2 =	stileid.u32  }
0x7c: {  	s1 =	rddreg [dreg:$0x1];
	p0 =	sne.s32 s2, $0x0  }
0x7d: {  	s3 =	rddreg [dreg:$0x2];
	[bflag:$0x3] =	sbarrier.arrive $0xFFFF;
	s2 =	simm.s32 @!p0 $0x1C01  }
0x7e: {  	[timem:s3], [sflag:s2] =	dma.local @!p0 [hbm:s0], s1  }
0x7f: {  	s0 =	simm.s32 @!p0 $0x1  }
0x80: {  	_ =	swait.ge @!p0 [sflag:s0], s1  }
0x81: {  	s1 =	ssub.s32 @!p0 $0x0, s1;
	[sflag:s0] =	ssyncset.done @!p0 $0x0  }
0x82: {  	[sflag:s0] =	ssyncadd.s32 @!p0 s1  }
0x83: {  	[bflag:$0x3] =	sbarrier.arrive $0xFFFF  }
0x84: {  	_ =	shalt  }

</sc_bundles>
